<compile_context>
chip_gen: v7x
topology: tpu7x:2x2x1
jax: 0.10.2.dev20260603
libtpu: 0.0.44.dev20260713+nightly
codegen_flags: <defaults>
</compile_context>

<pallas_src>
import functools

import jax
import jax.numpy as jnp
from jax import lax
from jax.experimental import pallas as pl
from jax.experimental.pallas import tpu as pltpu
from jax.experimental.pallas import tpu_sc as plsc

_I, _J = 8, 8192
_T_CH = 32


def _compute_chunk(jc, xbuf, dbuf):
    def tile_body(t, carry):
        for g in range(8):
            dv = dbuf[pl.ds((jc * _T_CH + t) * 128 + g * 16, 16)]
            for s in range(8):
                xbuf[t, s, pl.ds(g * 16, 16)] = (
                    xbuf[t, s, pl.ds(g * 16, 16)] * dv
                )
        return carry

    lax.fori_loop(0, _T_CH, tile_body, None)


def _sc_scale(a_hbm, d_hbm, o_hbm, xb0, xb1, dbuf, ld0, ld1, st0, st1):
    info = plsc.get_sparse_core_info()
    nc = info.num_cores
    ns = info.num_subcores
    nw = nc * ns
    j_pw = _J // nw
    n_jc = j_pw // _T_CH
    n_chunks = _I * n_jc
    n_pairs = n_chunks // 2
    wid = lax.axis_index("s") * nc + lax.axis_index("c")
    jbase = wid * j_pw

    def load(c, xb, sem):
        i = c // n_jc
        j = jbase + (c % n_jc) * _T_CH
        pltpu.make_async_copy(a_hbm.at[i, pl.ds(j, _T_CH)], xb, sem).start()

    def wait_load(xb, sem):
        pltpu.make_async_copy(a_hbm.at[0, pl.ds(0, _T_CH)], xb, sem).wait()

    def store(c, xb, sem):
        i = c // n_jc
        j = jbase + (c % n_jc) * _T_CH
        pltpu.make_async_copy(xb, o_hbm.at[i, pl.ds(j, _T_CH)], sem).start()

    def wait_store(xb, sem):
        pltpu.make_async_copy(xb, o_hbm.at[0, pl.ds(0, _T_CH)], sem).wait()

    pltpu.sync_copy(d_hbm.at[pl.ds(jbase * 128, j_pw * 128)], dbuf)

    load(0, xb0, ld0)

    def pair_body(kk, carry):
        c0 = kk * 2
        jc0 = c0 % n_jc
        wait_load(xb0, ld0)

        @pl.when(kk > 0)
        def _():
            wait_store(xb1, st1)

        load(c0 + 1, xb1, ld1)
        _compute_chunk(jc0, xb0, dbuf)
        store(c0, xb0, st0)
        wait_load(xb1, ld1)

        @pl.when(kk < n_pairs - 1)
        def _():
            wait_store(xb0, st0)
            load(c0 + 2, xb0, ld0)

        _compute_chunk(jc0 + 1, xb1, dbuf)
        store(c0 + 1, xb1, st1)
        return carry

    lax.fori_loop(0, n_pairs, pair_body, None)
    wait_store(xb0, st0)
    wait_store(xb1, st1)


def kernel(x, diag):
    D, C = x.shape
    a = x.reshape(_J, 128, _I, 8).transpose(2, 0, 3, 1)
    mesh = plsc.VectorSubcoreMesh(core_axis_name="c", subcore_axis_name="s")
    run = functools.partial(
        pl.kernel,
        mesh=mesh,
        out_type=jax.ShapeDtypeStruct((_I, _J, 8, 128), jnp.float32),
        scratch_types=[
            pltpu.VMEM((_T_CH, 8, 128), jnp.float32),
            pltpu.VMEM((_T_CH, 8, 128), jnp.float32),
            pltpu.VMEM((_J // 32 * 128,), jnp.float32),
            pltpu.SemaphoreType.DMA,
            pltpu.SemaphoreType.DMA,
            pltpu.SemaphoreType.DMA,
            pltpu.SemaphoreType.DMA,
        ],
    )(_sc_scale)
    b = run(a, diag)
    return b.transpose(1, 3, 0, 2).reshape(D, C)

# --- scband reference (transcript-rebuilt; emitter-appended) ---
"""Pipeline reference for scband-zgate-6992206758257 (READ-ONLY COPY).

The authoritative reference and input builder live on the scoring server;
editing this copy changes nothing except your own understanding.
"""

import jax, jax.numpy as jnp
import numpy as np


def _make_diag(s=1, index=0, dim=2, N=20):
    # Faithful reconstruction of ZGate's sparse operator U = I_esq kron M kron I_dir.
    # M is diagonal with M[j,j] = omega**(j*s), omega = exp(2i*pi/dim).
    # U is therefore diagonal; its diagonal is kron(ones(dim**esq), kron(m, ones(dim**dir))).
    omega = np.exp(2j * np.pi / dim)
    m = omega ** (np.arange(dim) * s)
    esq = index
    dir_ = N - index - 1
    d = np.kron(np.ones(dim ** esq), np.kron(m, np.ones(dim ** dir_)))
    # For dim=2, s=1 the diagonal is exactly real-valued (+1/-1); drop the ~1e-16 imag part.
    return jnp.asarray(np.real(d).astype(np.float32))


def setup_inputs(seed: int = 0) -> dict:
    key = jax.random.key(seed)
    D = 2 ** 20  # dim**N = 2**20
    x = jax.random.normal(key, (D, 64), dtype=jnp.float32)
    diag = _make_diag(s=1, index=0, dim=2, N=20)
    return {"x": x, "diag": diag}


def reference(x, diag):
    # U @ x where U is the sparse diagonal operator -> elementwise row scaling.
    return diag[:, None] * x

if __name__ == "__main__":
    import jax
    _d = setup_inputs()
    print(jax.jit(kernel)(*tuple(_d.values())))

</pallas_src>

<mosaic_0001>
#map = affine_map<(d0, d1) -> (0, 0, 0, 0)>
#map1 = affine_map<(d0, d1) -> (0)>
module attributes {stable_mosaic.version = 14 : i64} {
  func.func @_sc_scale(%arg0: i32, %arg1: i32, %arg2: memref<8x8192x8x128xf32, #tpu.memory_space<hbm>>, %arg3: memref<1048576xf32, #tpu.memory_space<hbm>>, %arg4: memref<8x8192x8x128xf32, #tpu.memory_space<hbm>>, %arg5: memref<32x8x128xf32, #tpu.memory_space<vmem>>, %arg6: memref<32x8x128xf32, #tpu.memory_space<vmem>>, %arg7: memref<32768xf32, #tpu.memory_space<vmem>>, %arg8: memref<!tpu.dma_semaphore, #tpu.memory_space<semaphore_mem>>, %arg9: memref<!tpu.dma_semaphore, #tpu.memory_space<semaphore_mem>>, %arg10: memref<!tpu.dma_semaphore, #tpu.memory_space<semaphore_mem>>, %arg11: memref<!tpu.dma_semaphore, #tpu.memory_space<semaphore_mem>>) attributes {dimension_semantics = [#tpu.dimension_semantics<core_parallel>, #tpu.dimension_semantics<subcore_parallel>], iteration_bounds = array<i64: 2, 16>, scalar_prefetch = 0 : i64, scratch_operands = 7 : i64, tpu.core_type = #tpu.core_type<sc_vector_subcore>, window_params = [{transform_indices = #map}, {transform_indices = #map1}, {transform_indices = #map}]} {
    %mul3A = arith.constant 2 : i32
    %mul3A_0 = arith.muli %arg1, %mul3A : i32
    %add3A = arith.addi %mul3A_0, %arg0 : i32
    %mul3A_1 = arith.constant 256 : i32
    %mul3A_2 = arith.muli %add3A, %mul3A_1 : i32
    %mul3A_3 = arith.constant 128 : i32
    %mul3A_4 = arith.muli %mul3A_2, %mul3A_3 : i32
    "tpu.region"() ({
      %run_scoped3A = tpu.sem_alloc : memref<!tpu.dma_semaphore, #tpu.memory_space<semaphore_mem>>
      %dma_start3A_40 = tpu.memref_slice %arg3[%mul3A_4] : memref<1048576xf32, #tpu.memory_space<hbm>> -> memref<32768xf32, #tpu.memory_space<hbm>>
      %dma_start3A_41 = tpu.memref_slice %arg3[%mul3A_4] : memref<1048576xf32, #tpu.memory_space<hbm>> -> memref<32768xf32, #tpu.memory_space<hbm>>
      tpu.enqueue_dma source(%dma_start3A_41 : memref<32768xf32, #tpu.memory_space<hbm>>) target(%arg7 : memref<32768xf32, #tpu.memory_space<vmem>>) target_semaphore(%run_scoped3A : memref<!tpu.dma_semaphore, #tpu.memory_space<semaphore_mem>>)
      %dma_wait3A_42 = tpu.memref_slice %arg3[%mul3A_4] : memref<1048576xf32, #tpu.memory_space<hbm>> -> memref<32768xf32, #tpu.memory_space<hbm>>
      %dma_wait3A_43 = tpu.memref_slice %arg3[%mul3A_4] : memref<1048576xf32, #tpu.memory_space<hbm>> -> memref<32768xf32, #tpu.memory_space<hbm>>
      tpu.wait_dma2 semaphore(%run_scoped3A : memref<!tpu.dma_semaphore, #tpu.memory_space<semaphore_mem>>) src(%dma_wait3A_43 : memref<32768xf32, #tpu.memory_space<hbm>>) dst(%arg7 : memref<32768xf32, #tpu.memory_space<vmem>>)
      tpu.yield
    }) : () -> ()
    %add3A_5 = arith.constant 0 : i32
    %add3A_6 = arith.addi %mul3A_2, %add3A_5 : i32
    %dma_start3A = arith.constant 0 : i32
    %dma_start3A_7 = arith.constant 0 : i32
    %dma_start3A_8 = arith.constant 0 : i32
    %dma_start3A_9 = tpu.memref_slice %arg2[%dma_start3A, %add3A_6, %dma_start3A_7, %dma_start3A_8] : memref<8x8192x8x128xf32, #tpu.memory_space<hbm>> -> memref<1x32x8x128xf32, #tpu.memory_space<hbm>>
    %dma_start3A_10 = tpu.memref_squeeze %dma_start3A_9 : memref<1x32x8x128xf32, #tpu.memory_space<hbm>> -> memref<32x8x128xf32, #tpu.memory_space<hbm>>
    %dma_start3A_11 = arith.constant 0 : i32
    %dma_start3A_12 = arith.constant 0 : i32
    %dma_start3A_13 = tpu.memref_slice %arg2[%dma_start3A, %add3A_6, %dma_start3A_11, %dma_start3A_12] : memref<8x8192x8x128xf32, #tpu.memory_space<hbm>> -> memref<1x32x8x128xf32, #tpu.memory_space<hbm>>
    %dma_start3A_14 = tpu.memref_squeeze %dma_start3A_13 : memref<1x32x8x128xf32, #tpu.memory_space<hbm>> -> memref<32x8x128xf32, #tpu.memory_space<hbm>>
    tpu.enqueue_dma source(%dma_start3A_14 : memref<32x8x128xf32, #tpu.memory_space<hbm>>) target(%arg5 : memref<32x8x128xf32, #tpu.memory_space<vmem>>) target_semaphore(%arg8 : memref<!tpu.dma_semaphore, #tpu.memory_space<semaphore_mem>>)
    %scan3A = arith.constant 0 : i32
    %scan3A_15 = arith.constant 32 : i32
    %scan3A_16 = arith.addi %scan3A, %scan3A_15 : i32
    %scan3A_17 = arith.constant 1 : i32
    scf.for %scan3A_40 = %scan3A to %scan3A_16 step %scan3A_17  : i32 {
      %mul3A_41 = arith.constant 2 : i32
      %mul3A_42 = arith.muli %scan3A_40, %mul3A_41 : i32
      %jit3A = arith.constant 8 : i32
      %eq3A = arith.constant 0 : i32
      %eq3A_43 = arith.cmpi eq, %jit3A, %eq3A : i32
      %jit3A_44 = arith.constant 1 : i32
      %select_n3A = arith.select %eq3A_43, %jit3A_44, %jit3A : i32
      %rem3A = arith.remsi %mul3A_42, %select_n3A : i32
      %ne3A = arith.constant 0 : i32
      %ne3A_45 = arith.cmpi ne, %rem3A, %ne3A : i32
      %lt3A = arith.constant 0 : i32
      %lt3A_46 = arith.cmpi slt, %rem3A, %lt3A : i32
      %lt3A_47 = arith.constant 0 : i32
      %lt3A_48 = arith.cmpi slt, %select_n3A, %lt3A_47 : i32
      %ne3A_49 = arith.xori %lt3A_46, %lt3A_48 : i1
      %and3A = arith.andi %ne3A_49, %ne3A_45 : i1
      %add3A_50 = arith.addi %rem3A, %select_n3A : i32
      %select_n3A_51 = arith.select %and3A, %add3A_50, %rem3A : i32
      %dma_wait3A_52 = arith.constant 0 : i32
      %dma_wait3A_53 = arith.constant 0 : i32
      %dma_wait3A_54 = arith.constant 0 : i32
      %dma_wait3A_55 = arith.constant 0 : i32
      %dma_wait3A_56 = tpu.memref_slice %arg2[%dma_wait3A_52, %dma_wait3A_53, %dma_wait3A_54, %dma_wait3A_55] : memref<8x8192x8x128xf32, #tpu.memory_space<hbm>> -> memref<1x32x8x128xf32, #tpu.memory_space<hbm>>
      %dma_wait3A_57 = tpu.memref_squeeze %dma_wait3A_56 : memref<1x32x8x128xf32, #tpu.memory_space<hbm>> -> memref<32x8x128xf32, #tpu.memory_space<hbm>>
      %dma_wait3A_58 = arith.constant 0 : i32
      %dma_wait3A_59 = arith.constant 0 : i32
      %dma_wait3A_60 = arith.constant 0 : i32
      %dma_wait3A_61 = tpu.memref_slice %arg2[%dma_wait3A_52, %dma_wait3A_58, %dma_wait3A_59, %dma_wait3A_60] : memref<8x8192x8x128xf32, #tpu.memory_space<hbm>> -> memref<1x32x8x128xf32, #tpu.memory_space<hbm>>
      %dma_wait3A_62 = tpu.memref_squeeze %dma_wait3A_61 : memref<1x32x8x128xf32, #tpu.memory_space<hbm>> -> memref<32x8x128xf32, #tpu.memory_space<hbm>>
      tpu.wait_dma2 semaphore(%arg8 : memref<!tpu.dma_semaphore, #tpu.memory_space<semaphore_mem>>) src(%dma_wait3A_62 : memref<32x8x128xf32, #tpu.memory_space<hbm>>) dst(%arg5 : memref<32x8x128xf32, #tpu.memory_space<vmem>>)
      %gt3A = arith.constant 0 : i32
      %gt3A_63 = arith.cmpi sgt, %scan3A_40, %gt3A : i32
      %convert_element_type3A = arith.extui %gt3A_63 : i1 to i32
      %cond3A = arith.constant 0 : i32
      %cond3A_64 = arith.cmpi ne, %convert_element_type3A, %cond3A : i32
      scf.if %cond3A_64 {
        %dma_wait3A_247 = arith.constant 0 : i32
        %dma_wait3A_248 = arith.constant 0 : i32
        %dma_wait3A_249 = arith.constant 0 : i32
        %dma_wait3A_250 = arith.constant 0 : i32
        %dma_wait3A_251 = tpu.memref_slice %arg4[%dma_wait3A_247, %dma_wait3A_248, %dma_wait3A_249, %dma_wait3A_250] : memref<8x8192x8x128xf32, #tpu.memory_space<hbm>> -> memref<1x32x8x128xf32, #tpu.memory_space<hbm>>
        %dma_wait3A_252 = tpu.memref_squeeze %dma_wait3A_251 : memref<1x32x8x128xf32, #tpu.memory_space<hbm>> -> memref<32x8x128xf32, #tpu.memory_space<hbm>>
        %dma_wait3A_253 = arith.constant 0 : i32
        %dma_wait3A_254 = arith.constant 0 : i32
        %dma_wait3A_255 = arith.constant 0 : i32
        %dma_wait3A_256 = tpu.memref_slice %arg4[%dma_wait3A_247, %dma_wait3A_253, %dma_wait3A_254, %dma_wait3A_255] : memref<8x8192x8x128xf32, #tpu.memory_space<hbm>> -> memref<1x32x8x128xf32, #tpu.memory_space<hbm>>
        %dma_wait3A_257 = tpu.memref_squeeze %dma_wait3A_256 : memref<1x32x8x128xf32, #tpu.memory_space<hbm>> -> memref<32x8x128xf32, #tpu.memory_space<hbm>>
        tpu.wait_dma2 semaphore(%arg11 : memref<!tpu.dma_semaphore, #tpu.memory_space<semaphore_mem>>) src(%arg6 : memref<32x8x128xf32, #tpu.memory_space<vmem>>) dst(%dma_wait3A_257 : memref<32x8x128xf32, #tpu.memory_space<hbm>>)
      } else {
      }
      %add3A_65 = arith.constant 1 : i32
      %add3A_66 = arith.addi %mul3A_42, %add3A_65 : i32
      %jit3A_67 = arith.constant 8 : i32
      %div3A = arith.divsi %add3A_66, %jit3A_67 : i32
      %sign3A = arith.constant 0 : i32
      %sign3A_68 = arith.cmpi sgt, %add3A_66, %sign3A : i32
      %sign3A_69 = arith.extui %sign3A_68 : i1 to i32
      %sign3A_70 = arith.constant 0 : i32
      %sign3A_71 = arith.cmpi slt, %add3A_66, %sign3A_70 : i32
      %sign3A_72 = arith.extui %sign3A_71 : i1 to i32
      %sign3A_73 = arith.subi %sign3A_69, %sign3A_72 : i32
      %sign3A_74 = arith.constant 0 : i32
      %sign3A_75 = arith.cmpi sgt, %jit3A_67, %sign3A_74 : i32
      %sign3A_76 = arith.extui %sign3A_75 : i1 to i32
      %sign3A_77 = arith.constant 0 : i32
      %sign3A_78 = arith.cmpi slt, %jit3A_67, %sign3A_77 : i32
      %sign3A_79 = arith.extui %sign3A_78 : i1 to i32
      %sign3A_80 = arith.subi %sign3A_76, %sign3A_79 : i32
      %ne3A_81 = arith.cmpi ne, %sign3A_73, %sign3A_80 : i32
      %rem3A_82 = arith.remsi %add3A_66, %jit3A_67 : i32
      %ne3A_83 = arith.constant 0 : i32
      %ne3A_84 = arith.cmpi ne, %rem3A_82, %ne3A_83 : i32
      %and3A_85 = arith.andi %ne3A_81, %ne3A_84 : i1
      %sub3A = arith.constant 1 : i32
      %sub3A_86 = arith.subi %div3A, %sub3A : i32
      %select_n3A_87 = arith.select %and3A_85, %sub3A_86, %div3A : i32
      %jit3A_88 = arith.constant 8 : i32
      %eq3A_89 = arith.constant 0 : i32
      %eq3A_90 = arith.cmpi eq, %jit3A_88, %eq3A_89 : i32
      %jit3A_91 = arith.constant 1 : i32
      %select_n3A_92 = arith.select %eq3A_90, %jit3A_91, %jit3A_88 : i32
      %rem3A_93 = arith.remsi %add3A_66, %select_n3A_92 : i32
      %ne3A_94 = arith.constant 0 : i32
      %ne3A_95 = arith.cmpi ne, %rem3A_93, %ne3A_94 : i32
      %lt3A_96 = arith.constant 0 : i32
      %lt3A_97 = arith.cmpi slt, %rem3A_93, %lt3A_96 : i32
      %lt3A_98 = arith.constant 0 : i32
      %lt3A_99 = arith.cmpi slt, %select_n3A_92, %lt3A_98 : i32
      %ne3A_100 = arith.xori %lt3A_97, %lt3A_99 : i1
      %and3A_101 = arith.andi %ne3A_100, %ne3A_95 : i1
      %add3A_102 = arith.addi %rem3A_93, %select_n3A_92 : i32
      %select_n3A_103 = arith.select %and3A_101, %add3A_102, %rem3A_93 : i32
      %mul3A_104 = arith.constant 32 : i32
      %mul3A_105 = arith.muli %select_n3A_103, %mul3A_104 : i32
      %add3A_106 = arith.addi %mul3A_2, %mul3A_105 : i32
      %dma_start3A_107 = arith.constant 0 : i32
      %dma_start3A_108 = arith.constant 0 : i32
      %dma_start3A_109 = tpu.memref_slice %arg2[%select_n3A_87, %add3A_106, %dma_start3A_107, %dma_start3A_108] : memref<8x8192x8x128xf32, #tpu.memory_space<hbm>> -> memref<1x32x8x128xf32, #tpu.memory_space<hbm>>
      %dma_start3A_110 = tpu.memref_squeeze %dma_start3A_109 : memref<1x32x8x128xf32, #tpu.memory_space<hbm>> -> memref<32x8x128xf32, #tpu.memory_space<hbm>>
      %dma_start3A_111 = arith.constant 0 : i32
      %dma_start3A_112 = arith.constant 0 : i32
      %dma_start3A_113 = tpu.memref_slice %arg2[%select_n3A_87, %add3A_106, %dma_start3A_111, %dma_start3A_112] : memref<8x8192x8x128xf32, #tpu.memory_space<hbm>> -> memref<1x32x8x128xf32, #tpu.memory_space<hbm>>
      %dma_start3A_114 = tpu.memref_squeeze %dma_start3A_113 : memref<1x32x8x128xf32, #tpu.memory_space<hbm>> -> memref<32x8x128xf32, #tpu.memory_space<hbm>>
      tpu.enqueue_dma source(%dma_start3A_114 : memref<32x8x128xf32, #tpu.memory_space<hbm>>) target(%arg6 : memref<32x8x128xf32, #tpu.memory_space<vmem>>) target_semaphore(%arg9 : memref<!tpu.dma_semaphore, #tpu.memory_space<semaphore_mem>>)
      %scan3A_115 = arith.constant 0 : i32
      %scan3A_116 = arith.constant 32 : i32
      %scan3A_117 = arith.addi %scan3A_115, %scan3A_116 : i32
      %scan3A_118 = arith.constant 1 : i32
      scf.for %scan3A_247 = %scan3A_115 to %scan3A_117 step %scan3A_118  : i32 {
        %mul3A_248 = arith.constant 32 : i32
        %mul3A_249 = arith.muli %select_n3A_51, %mul3A_248 : i32
        %add3A_250 = arith.addi %mul3A_249, %scan3A_247 : i32
        %mul3A_251 = arith.constant 128 : i32
        %mul3A_252 = arith.muli %add3A_250, %mul3A_251 : i32
        %add3A_253 = arith.constant 0 : i32
        %add3A_254 = arith.addi %mul3A_252, %add3A_253 : i32
        %get3A = arith.index_cast %add3A_254 : i32 to index
        %get3A_255 = tpu.vector_load %arg7[%get3A] {strides = array<i32>} : memref<32768xf32, #tpu.memory_space<vmem>>, vector<16xf32>,
        %get3A_256 = vector.shape_cast %get3A_255 : vector<16xf32> to vector<16xf32>
        %get3A_257 = arith.constant 0 : i32
        %get3A_258 = arith.index_cast %scan3A_247 : i32 to index
        %get3A_259 = arith.index_cast %get3A_257 : i32 to index
        %get3A_260 = arith.constant 0 : index
        %get3A_261 = tpu.vector_load %arg5[%get3A_258, %get3A_259, %get3A_260] {strides = array<i32>} : memref<32x8x128xf32, #tpu.memory_space<vmem>>, vector<1x1x16xf32>,
        %get3A_262 = vector.shape_cast %get3A_261 : vector<1x1x16xf32> to vector<16xf32>
        %mul3A_263 = arith.mulf %get3A_262, %get3A_256 : vector<16xf32>
        %swap3A = arith.constant 0 : i32
        %swap3A_264 = arith.index_cast %scan3A_247 : i32 to index
        %swap3A_265 = arith.index_cast %swap3A : i32 to index
        %swap3A_266 = arith.constant 0 : index
        %swap3A_267 = tpu.vector_load %arg5[%swap3A_264, %swap3A_265, %swap3A_266] {strides = array<i32>} : memref<32x8x128xf32, #tpu.memory_space<vmem>>, vector<1x1x16xf32>,
        %swap3A_268 = vector.shape_cast %swap3A_267 : vector<1x1x16xf32> to vector<16xf32>
        %swap3A_269 = vector.shape_cast %mul3A_263 : vector<16xf32> to vector<1x1x16xf32>
        tpu.vector_store %arg5[%swap3A_264, %swap3A_265, %swap3A_266], %swap3A_269 {strides = array<i32>} : memref<32x8x128xf32, #tpu.memory_space<vmem>>, vector<1x1x16xf32>,
        %get3A_270 = arith.constant 1 : i32
        %get3A_271 = arith.index_cast %scan3A_247 : i32 to index
        %get3A_272 = arith.index_cast %get3A_270 : i32 to index
        %get3A_273 = arith.constant 0 : index
        %get3A_274 = tpu.vector_load %arg5[%get3A_271, %get3A_272, %get3A_273] {strides = array<i32>} : memref<32x8x128xf32, #tpu.memory_space<vmem>>, vector<1x1x16xf32>,
        %get3A_275 = vector.shape_cast %get3A_274 : vector<1x1x16xf32> to vector<16xf32>
        %mul3A_276 = arith.mulf %get3A_275, %get3A_256 : vector<16xf32>
        %swap3A_277 = arith.constant 1 : i32
        %swap3A_278 = arith.index_cast %scan3A_247 : i32 to index
        %swap3A_279 = arith.index_cast %swap3A_277 : i32 to index
        %swap3A_280 = arith.constant 0 : index
        %swap3A_281 = tpu.vector_load %arg5[%swap3A_278, %swap3A_279, %swap3A_280] {strides = array<i32>} : memref<32x8x128xf32, #tpu.memory_space<vmem>>, vector<1x1x16xf32>,
        %swap3A_282 = vector.shape_cast %swap3A_281 : vector<1x1x16xf32> to vector<16xf32>
        %swap3A_283 = vector.shape_cast %mul3A_276 : vector<16xf32> to vector<1x1x16xf32>
        tpu.vector_store %arg5[%swap3A_278, %swap3A_279, %swap3A_280], %swap3A_283 {strides = array<i32>} : memref<32x8x128xf32, #tpu.memory_space<vmem>>, vector<1x1x16xf32>,
        %get3A_284 = arith.constant 2 : i32
        %get3A_285 = arith.index_cast %scan3A_247 : i32 to index
        %get3A_286 = arith.index_cast %get3A_284 : i32 to index
        %get3A_287 = arith.constant 0 : index
        %get3A_288 = tpu.vector_load %arg5[%get3A_285, %get3A_286, %get3A_287] {strides = array<i32>} : memref<32x8x128xf32, #tpu.memory_space<vmem>>, vector<1x1x16xf32>,
        %get3A_289 = vector.shape_cast %get3A_288 : vector<1x1x16xf32> to vector<16xf32>
        %mul3A_290 = arith.mulf %get3A_289, %get3A_256 : vector<16xf32>
        %swap3A_291 = arith.constant 2 : i32
        %swap3A_292 = arith.index_cast %scan3A_247 : i32 to index
        %swap3A_293 = arith.index_cast %swap3A_291 : i32 to index
        %swap3A_294 = arith.constant 0 : index
        %swap3A_295 = tpu.vector_load %arg5[%swap3A_292, %swap3A_293, %swap3A_294] {strides = array<i32>} : memref<32x8x128xf32, #tpu.memory_space<vmem>>, vector<1x1x16xf32>,
        %swap3A_296 = vector.shape_cast %swap3A_295 : vector<1x1x16xf32> to vector<16xf32>
        %swap3A_297 = vector.shape_cast %mul3A_290 : vector<16xf32> to vector<1x1x16xf32>
        tpu.vector_store %arg5[%swap3A_292, %swap3A_293, %swap3A_294], %swap3A_297 {strides = array<i32>} : memref<32x8x128xf32, #tpu.memory_space<vmem>>, vector<1x1x16xf32>,
        %get3A_298 = arith.constant 3 : i32
        %get3A_299 = arith.index_cast %scan3A_247 : i32 to index
        %get3A_300 = arith.index_cast %get3A_298 : i32 to index
        %get3A_301 = arith.constant 0 : index
        %get3A_302 = tpu.vector_load %arg5[%get3A_299, %get3A_300, %get3A_301] {strides = array<i32>} : memref<32x8x128xf32, #tpu.memory_space<vmem>>, vector<1x1x16xf32>,
        %get3A_303 = vector.shape_cast %get3A_302 : vector<1x1x16xf32> to vector<16xf32>
        %mul3A_304 = arith.mulf %get3A_303, %get3A_256 : vector<16xf32>
        %swap3A_305 = arith.constant 3 : i32
        %swap3A_306 = arith.index_cast %scan3A_247 : i32 to index
        %swap3A_307 = arith.index_cast %swap3A_305 : i32 to index
        %swap3A_308 = arith.constant 0 : index
        %swap3A_309 = tpu.vector_load %arg5[%swap3A_306, %swap3A_307, %swap3A_308] {strides = array<i32>} : memref<32x8x128xf32, #tpu.memory_space<vmem>>, vector<1x1x16xf32>,
        %swap3A_310 = vector.shape_cast %swap3A_309 : vector<1x1x16xf32> to vector<16xf32>
        %swap3A_311 = vector.shape_cast %mul3A_304 : vector<16xf32> to vector<1x1x16xf32>
        tpu.vector_store %arg5[%swap3A_306, %swap3A_307, %swap3A_308], %swap3A_311 {strides = array<i32>} : memref<32x8x128xf32, #tpu.memory_space<vmem>>, vector<1x1x16xf32>,
        %get3A_312 = arith.constant 4 : i32
        %get3A_313 = arith.index_cast %scan3A_247 : i32 to index
        %get3A_314 = arith.index_cast %get3A_312 : i32 to index
        %get3A_315 = arith.constant 0 : index
        %get3A_316 = tpu.vector_load %arg5[%get3A_313, %get3A_314, %get3A_315] {strides = array<i32>} : memref<32x8x128xf32, #tpu.memory_space<vmem>>, vector<1x1x16xf32>,
        %get3A_317 = vector.shape_cast %get3A_316 : vector<1x1x16xf32> to vector<16xf32>
        %mul3A_318 = arith.mulf %get3A_317, %get3A_256 : vector<16xf32>
        %swap3A_319 = arith.constant 4 : i32
        %swap3A_320 = arith.index_cast %scan3A_247 : i32 to index
        %swap3A_321 = arith.index_cast %swap3A_319 : i32 to index
        %swap3A_322 = arith.constant 0 : index
        %swap3A_323 = tpu.vector_load %arg5[%swap3A_320, %swap3A_321, %swap3A_322] {strides = array<i32>} : memref<32x8x128xf32, #tpu.memory_space<vmem>>, vector<1x1x16xf32>,
        %swap3A_324 = vector.shape_cast %swap3A_323 : vector<1x1x16xf32> to vector<16xf32>
        %swap3A_325 = vector.shape_cast %mul3A_318 : vector<16xf32> to vector<1x1x16xf32>
        tpu.vector_store %arg5[%swap3A_320, %swap3A_321, %swap3A_322], %swap3A_325 {strides = array<i32>} : memref<32x8x128xf32, #tpu.memory_space<vmem>>, vector<1x1x16xf32>,
        %get3A_326 = arith.constant 5 : i32
        %get3A_327 = arith.index_cast %scan3A_247 : i32 to index
        %get3A_328 = arith.index_cast %get3A_326 : i32 to index
        %get3A_329 = arith.constant 0 : index
        %get3A_330 = tpu.vector_load %arg5[%get3A_327, %get3A_328, %get3A_329] {strides = array<i32>} : memref<32x8x128xf32, #tpu.memory_space<vmem>>, vector<1x1x16xf32>,
        %get3A_331 = vector.shape_cast %get3A_330 : vector<1x1x16xf32> to vector<16xf32>
        %mul3A_332 = arith.mulf %get3A_331, %get3A_256 : vector<16xf32>
        %swap3A_333 = arith.constant 5 : i32
        %swap3A_334 = arith.index_cast %scan3A_247 : i32 to index
        %swap3A_335 = arith.index_cast %swap3A_333 : i32 to index
        %swap3A_336 = arith.constant 0 : index
        %swap3A_337 = tpu.vector_load %arg5[%swap3A_334, %swap3A_335, %swap3A_336] {strides = array<i32>} : memref<32x8x128xf32, #tpu.memory_space<vmem>>, vector<1x1x16xf32>,
        %swap3A_338 = vector.shape_cast %swap3A_337 : vector<1x1x16xf32> to vector<16xf32>
        %swap3A_339 = vector.shape_cast %mul3A_332 : vector<16xf32> to vector<1x1x16xf32>
        tpu.vector_store %arg5[%swap3A_334, %swap3A_335, %swap3A_336], %swap3A_339 {strides = array<i32>} : memref<32x8x128xf32, #tpu.memory_space<vmem>>, vector<1x1x16xf32>,
        %get3A_340 = arith.constant 6 : i32
        %get3A_341 = arith.index_cast %scan3A_247 : i32 to index
        %get3A_342 = arith.index_cast %get3A_340 : i32 to index
        %get3A_343 = arith.constant 0 : index
        %get3A_344 = tpu.vector_load %arg5[%get3A_341, %get3A_342, %get3A_343] {strides = array<i32>} : memref<32x8x128xf32, #tpu.memory_space<vmem>>, vector<1x1x16xf32>,
        %get3A_345 = vector.shape_cast %get3A_344 : vector<1x1x16xf32> to vector<16xf32>
        %mul3A_346 = arith.mulf %get3A_345, %get3A_256 : vector<16xf32>
        %swap3A_347 = arith.constant 6 : i32
        %swap3A_348 = arith.index_cast %scan3A_247 : i32 to index
        %swap3A_349 = arith.index_cast %swap3A_347 : i32 to index
        %swap3A_350 = arith.constant 0 : index
        %swap3A_351 = tpu.vector_load %arg5[%swap3A_348, %swap3A_349, %swap3A_350] {strides = array<i32>} : memref<32x8x128xf32, #tpu.memory_space<vmem>>, vector<1x1x16xf32>,
        %swap3A_352 = vector.shape_cast %swap3A_351 : vector<1x1x16xf32> to vector<16xf32>
        %swap3A_353 = vector.shape_cast %mul3A_346 : vector<16xf32> to vector<1x1x16xf32>
        tpu.vector_store %arg5[%swap3A_348, %swap3A_349, %swap3A_350], %swap3A_353 {strides = array<i32>} : memref<32x8x128xf32, #tpu.memory_space<vmem>>, vector<1x1x16xf32>,
        %get3A_354 = arith.constant 7 : i32
        %get3A_355 = arith.index_cast %scan3A_247 : i32 to index
        %get3A_356 = arith.index_cast %get3A_354 : i32 to index
        %get3A_357 = arith.constant 0 : index
        %get3A_358 = tpu.vector_load %arg5[%get3A_355, %get3A_356, %get3A_357] {strides = array<i32>} : memref<32x8x128xf32, #tpu.memory_space<vmem>>, vector<1x1x16xf32>,
        %get3A_359 = vector.shape_cast %get3A_358 : vector<1x1x16xf32> to vector<16xf32>
        %mul3A_360 = arith.mulf %get3A_359, %get3A_256 : vector<16xf32>
        %swap3A_361 = arith.constant 7 : i32
        %swap3A_362 = arith.index_cast %scan3A_247 : i32 to index
        %swap3A_363 = arith.index_cast %swap3A_361 : i32 to index
        %swap3A_364 = arith.constant 0 : index
        %swap3A_365 = tpu.vector_load %arg5[%swap3A_362, %swap3A_363, %swap3A_364] {strides = array<i32>} : memref<32x8x128xf32, #tpu.memory_space<vmem>>, vector<1x1x16xf32>,
        %swap3A_366 = vector.shape_cast %swap3A_365 : vector<1x1x16xf32> to vector<16xf32>
        %swap3A_367 = vector.shape_cast %mul3A_360 : vector<16xf32> to vector<1x1x16xf32>
        tpu.vector_store %arg5[%swap3A_362, %swap3A_363, %swap3A_364], %swap3A_367 {strides = array<i32>} : memref<32x8x128xf32, #tpu.memory_space<vmem>>, vector<1x1x16xf32>,
        %mul3A_368 = arith.constant 32 : i32
        %mul3A_369 = arith.muli %select_n3A_51, %mul3A_368 : i32
        %add3A_370 = arith.addi %mul3A_369, %scan3A_247 : i32
        %mul3A_371 = arith.constant 128 : i32
        %mul3A_372 = arith.muli %add3A_370, %mul3A_371 : i32
        %add3A_373 = arith.constant 16 : i32
        %add3A_374 = arith.addi %mul3A_372, %add3A_373 : i32
        %get3A_375 = arith.index_cast %add3A_374 : i32 to index
        %get3A_376 = tpu.vector_load %arg7[%get3A_375] {strides = array<i32>} : memref<32768xf32, #tpu.memory_space<vmem>>, vector<16xf32>,
        %get3A_377 = vector.shape_cast %get3A_376 : vector<16xf32> to vector<16xf32>
        %get3A_378 = arith.constant 0 : i32
        %get3A_379 = arith.index_cast %scan3A_247 : i32 to index
        %get3A_380 = arith.index_cast %get3A_378 : i32 to index
        %get3A_381 = arith.constant 16 : index
        %get3A_382 = tpu.vector_load %arg5[%get3A_379, %get3A_380, %get3A_381] {strides = array<i32>} : memref<32x8x128xf32, #tpu.memory_space<vmem>>, vector<1x1x16xf32>,
        %get3A_383 = vector.shape_cast %get3A_382 : vector<1x1x16xf32> to vector<16xf32>
        %mul3A_384 = arith.mulf %get3A_383, %get3A_377 : vector<16xf32>
        %swap3A_385 = arith.constant 0 : i32
        %swap3A_386 = arith.index_cast %scan3A_247 : i32 to index
        %swap3A_387 = arith.index_cast %swap3A_385 : i32 to index
        %swap3A_388 = arith.constant 16 : index
        %swap3A_389 = tpu.vector_load %arg5[%swap3A_386, %swap3A_387, %swap3A_388] {strides = array<i32>} : memref<32x8x128xf32, #tpu.memory_space<vmem>>, vector<1x1x16xf32>,
        %swap3A_390 = vector.shape_cast %swap3A_389 : vector<1x1x16xf32> to vector<16xf32>
        %swap3A_391 = vector.shape_cast %mul3A_384 : vector<16xf32> to vector<1x1x16xf32>
        tpu.vector_store %arg5[%swap3A_386, %swap3A_387, %swap3A_388], %swap3A_391 {strides = array<i32>} : memref<32x8x128xf32, #tpu.memory_space<vmem>>, vector<1x1x16xf32>,
        %get3A_392 = arith.constant 1 : i32
        %get3A_393 = arith.index_cast %scan3A_247 : i32 to index
        %get3A_394 = arith.index_cast %get3A_392 : i32 to index
        %get3A_395 = arith.constant 16 : index
        %get3A_396 = tpu.vector_load %arg5[%get3A_393, %get3A_394, %get3A_395] {strides = array<i32>} : memref<32x8x128xf32, #tpu.memory_space<vmem>>, vector<1x1x16xf32>,
        %get3A_397 = vector.shape_cast %get3A_396 : vector<1x1x16xf32> to vector<16xf32>
        %mul3A_398 = arith.mulf %get3A_397, %get3A_377 : vector<16xf32>
        %swap3A_399 = arith.constant 1 : i32
        %swap3A_400 = arith.index_cast %scan3A_247 : i32 to index
        %swap3A_401 = arith.index_cast %swap3A_399 : i32 to index
        %swap3A_402 = arith.constant 16 : index
        %swap3A_403 = tpu.vector_load %arg5[%swap3A_400, %swap3A_401, %swap3A_402] {strides = array<i32>} : memref<32x8x128xf32, #tpu.memory_space<vmem>>, vector<1x1x16xf32>,
        %swap3A_404 = vector.shape_cast %swap3A_403 : vector<1x1x16xf32> to vector<16xf32>
        %swap3A_405 = vector.shape_cast %mul3A_398 : vector<16xf32> to vector<1x1x16xf32>
        tpu.vector_store %arg5[%swap3A_400, %swap3A_401, %swap3A_402], %swap3A_405 {strides = array<i32>} : memref<32x8x128xf32, #tpu.memory_space<vmem>>, vector<1x1x16xf32>,
        %get3A_406 = arith.constant 2 : i32
        %get3A_407 = arith.index_cast %scan3A_247 : i32 to index
        %get3A_408 = arith.index_cast %get3A_406 : i32 to index
        %get3A_409 = arith.constant 16 : index
        %get3A_410 = tpu.vector_load %arg5[%get3A_407, %get3A_408, %get3A_409] {strides = array<i32>} : memref<32x8x128xf32, #tpu.memory_space<vmem>>, vector<1x1x16xf32>,
        %get3A_411 = vector.shape_cast %get3A_410 : vector<1x1x16xf32> to vector<16xf32>
        %mul3A_412 = arith.mulf %get3A_411, %get3A_377 : vector<16xf32>
        %swap3A_413 = arith.constant 2 : i32
        %swap3A_414 = arith.index_cast %scan3A_247 : i32 to index
        %swap3A_415 = arith.index_cast %swap3A_413 : i32 to index
        %swap3A_416 = arith.constant 16 : index
        %swap3A_417 = tpu.vector_load %arg5[%swap3A_414, %swap3A_415, %swap3A_416] {strides = array<i32>} : memref<32x8x128xf32, #tpu.memory_space<vmem>>, vector<1x1x16xf32>,
        %swap3A_418 = vector.shape_cast %swap3A_417 : vector<1x1x16xf32> to vector<16xf32>
        %swap3A_419 = vector.shape_cast %mul3A_412 : vector<16xf32> to vector<1x1x16xf32>
        tpu.vector_store %arg5[%swap3A_414, %swap3A_415, %swap3A_416], %swap3A_419 {strides = array<i32>} : memref<32x8x128xf32, #tpu.memory_space<vmem>>, vector<1x1x16xf32>,
        %get3A_420 = arith.constant 3 : i32
        %get3A_421 = arith.index_cast %scan3A_247 : i32 to index
        %get3A_422 = arith.index_cast %get3A_420 : i32 to index
        %get3A_423 = arith.constant 16 : index
        %get3A_424 = tpu.vector_load %arg5[%get3A_421, %get3A_422, %get3A_423] {strides = array<i32>} : memref<32x8x128xf32, #tpu.memory_space<vmem>>, vector<1x1x16xf32>,
        %get3A_425 = vector.shape_cast %get3A_424 : vector<1x1x16xf32> to vector<16xf32>
        %mul3A_426 = arith.mulf %get3A_425, %get3A_377 : vector<16xf32>
        %swap3A_427 = arith.constant 3 : i32
        %swap3A_428 = arith.index_cast %scan3A_247 : i32 to index
        %swap3A_429 = arith.index_cast %swap3A_427 : i32 to index
        %swap3A_430 = arith.constant 16 : index
        %swap3A_431 = tpu.vector_load %arg5[%swap3A_428, %swap3A_429, %swap3A_430] {strides = array<i32>} : memref<32x8x128xf32, #tpu.memory_space<vmem>>, vector<1x1x16xf32>,
        %swap3A_432 = vector.shape_cast %swap3A_431 : vector<1x1x16xf32> to vector<16xf32>
        %swap3A_433 = vector.shape_cast %mul3A_426 : vector<16xf32> to vector<1x1x16xf32>
        tpu.vector_store %arg5[%swap3A_428, %swap3A_429, %swap3A_430], %swap3A_433 {strides = array<i32>} : memref<32x8x128xf32, #tpu.memory_space<vmem>>, vector<1x1x16xf32>,
        %get3A_434 = arith.constant 4 : i32
        %get3A_435 = arith.index_cast %scan3A_247 : i32 to index
        %get3A_436 = arith.index_cast %get3A_434 : i32 to index
        %get3A_437 = arith.constant 16 : index
        %get3A_438 = tpu.vector_load %arg5[%get3A_435, %get3A_436, %get3A_437] {strides = array<i32>} : memref<32x8x128xf32, #tpu.memory_space<vmem>>, vector<1x1x16xf32>,
        %get3A_439 = vector.shape_cast %get3A_438 : vector<1x1x16xf32> to vector<16xf32>
        %mul3A_440 = arith.mulf %get3A_439, %get3A_377 : vector<16xf32>
        %swap3A_441 = arith.constant 4 : i32
        %swap3A_442 = arith.index_cast %scan3A_247 : i32 to index
        %swap3A_443 = arith.index_cast %swap3A_441 : i32 to index
        %swap3A_444 = arith.constant 16 : index
        %swap3A_445 = tpu.vector_load %arg5[%swap3A_442, %swap3A_443, %swap3A_444] {strides = array<i32>} : memref<32x8x128xf32, #tpu.memory_space<vmem>>, vector<1x1x16xf32>,
        %swap3A_446 = vector.shape_cast %swap3A_445 : vector<1x1x16xf32> to vector<16xf32>
        %swap3A_447 = vector.shape_cast %mul3A_440 : vector<16xf32> to vector<1x1x16xf32>
        tpu.vector_store %arg5[%swap3A_442, %swap3A_443, %swap3A_444], %swap3A_447 {strides = array<i32>} : memref<32x8x128xf32, #tpu.memory_space<vmem>>, vector<1x1x16xf32>,
        %get3A_448 = arith.constant 5 : i32
        %get3A_449 = arith.index_cast %scan3A_247 : i32 to index
        %get3A_450 = arith.index_cast %get3A_448 : i32 to index
        %get3A_451 = arith.constant 16 : index
        %get3A_452 = tpu.vector_load %arg5[%get3A_449, %get3A_450, %get3A_451] {strides = array<i32>} : memref<32x8x128xf32, #tpu.memory_space<vmem>>, vector<1x1x16xf32>,
        %get3A_453 = vector.shape_cast %get3A_452 : vector<1x1x16xf32> to vector<16xf32>
        %mul3A_454 = arith.mulf %get3A_453, %get3A_377 : vector<16xf32>
        %swap3A_455 = arith.constant 5 : i32
        %swap3A_456 = arith.index_cast %scan3A_247 : i32 to index
        %swap3A_457 = arith.index_cast %swap3A_455 : i32 to index
        %swap3A_458 = arith.constant 16 : index
        %swap3A_459 = tpu.vector_load %arg5[%swap3A_456, %swap3A_457, %swap3A_458] {strides = array<i32>} : memref<32x8x128xf32, #tpu.memory_space<vmem>>, vector<1x1x16xf32>,
        %swap3A_460 = vector.shape_cast %swap3A_459 : vector<1x1x16xf32> to vector<16xf32>
        %swap3A_461 = vector.shape_cast %mul3A_454 : vector<16xf32> to vector<1x1x16xf32>
        tpu.vector_store %arg5[%swap3A_456, %swap3A_457, %swap3A_458], %swap3A_461 {strides = array<i32>} : memref<32x8x128xf32, #tpu.memory_space<vmem>>, vector<1x1x16xf32>,
        %get3A_462 = arith.constant 6 : i32
        %get3A_463 = arith.index_cast %scan3A_247 : i32 to index
        %get3A_464 = arith.index_cast %get3A_462 : i32 to index
        %get3A_465 = arith.constant 16 : index
        %get3A_466 = tpu.vector_load %arg5[%get3A_463, %get3A_464, %get3A_465] {strides = array<i32>} : memref<32x8x128xf32, #tpu.memory_space<vmem>>, vector<1x1x16xf32>,
        %get3A_467 = vector.shape_cast %get3A_466 : vector<1x1x16xf32> to vector<16xf32>
        %mul3A_468 = arith.mulf %get3A_467, %get3A_377 : vector<16xf32>
        %swap3A_469 = arith.constant 6 : i32
        %swap3A_470 = arith.index_cast %scan3A_247 : i32 to index
        %swap3A_471 = arith.index_cast %swap3A_469 : i32 to index
        %swap3A_472 = arith.constant 16 : index
        %swap3A_473 = tpu.vector_load %arg5[%swap3A_470, %swap3A_471, %swap3A_472] {strides = array<i32>} : memref<32x8x128xf32, #tpu.memory_space<vmem>>, vector<1x1x16xf32>,
        %swap3A_474 = vector.shape_cast %swap3A_473 : vector<1x1x16xf32> to vector<16xf32>
        %swap3A_475 = vector.shape_cast %mul3A_468 : vector<16xf32> to vector<1x1x16xf32>
        tpu.vector_store %arg5[%swap3A_470, %swap3A_471, %swap3A_472], %swap3A_475 {strides = array<i32>} : memref<32x8x128xf32, #tpu.memory_space<vmem>>, vector<1x1x16xf32>,
        %get3A_476 = arith.constant 7 : i32
        %get3A_477 = arith.index_cast %scan3A_247 : i32 to index
        %get3A_478 = arith.index_cast %get3A_476 : i32 to index
        %get3A_479 = arith.constant 16 : index
        %get3A_480 = tpu.vector_load %arg5[%get3A_477, %get3A_478, %get3A_479] {strides = array<i32>} : memref<32x8x128xf32, #tpu.memory_space<vmem>>, vector<1x1x16xf32>,
        %get3A_481 = vector.shape_cast %get3A_480 : vector<1x1x16xf32> to vector<16xf32>
        %mul3A_482 = arith.mulf %get3A_481, %get3A_377 : vector<16xf32>
        %swap3A_483 = arith.constant 7 : i32
        %swap3A_484 = arith.index_cast %scan3A_247 : i32 to index
        %swap3A_485 = arith.index_cast %swap3A_483 : i32 to index
        %swap3A_486 = arith.constant 16 : index
        %swap3A_487 = tpu.vector_load %arg5[%swap3A_484, %swap3A_485, %swap3A_486] {strides = array<i32>} : memref<32x8x128xf32, #tpu.memory_space<vmem>>, vector<1x1x16xf32>,
        %swap3A_488 = vector.shape_cast %swap3A_487 : vector<1x1x16xf32> to vector<16xf32>
        %swap3A_489 = vector.shape_cast %mul3A_482 : vector<16xf32> to vector<1x1x16xf32>
        tpu.vector_store %arg5[%swap3A_484, %swap3A_485, %swap3A_486], %swap3A_489 {strides = array<i32>} : memref<32x8x128xf32, #tpu.memory_space<vmem>>, vector<1x1x16xf32>,
        %mul3A_490 = arith.constant 32 : i32
        %mul3A_491 = arith.muli %select_n3A_51, %mul3A_490 : i32
        %add3A_492 = arith.addi %mul3A_491, %scan3A_247 : i32
        %mul3A_493 = arith.constant 128 : i32
        %mul3A_494 = arith.muli %add3A_492, %mul3A_493 : i32
        %add3A_495 = arith.constant 32 : i32
        %add3A_496 = arith.addi %mul3A_494, %add3A_495 : i32
        %get3A_497 = arith.index_cast %add3A_496 : i32 to index
        %get3A_498 = tpu.vector_load %arg7[%get3A_497] {strides = array<i32>} : memref<32768xf32, #tpu.memory_space<vmem>>, vector<16xf32>,
        %get3A_499 = vector.shape_cast %get3A_498 : vector<16xf32> to vector<16xf32>
        %get3A_500 = arith.constant 0 : i32
        %get3A_501 = arith.index_cast %scan3A_247 : i32 to index
        %get3A_502 = arith.index_cast %get3A_500 : i32 to index
        %get3A_503 = arith.constant 32 : index
        %get3A_504 = tpu.vector_load %arg5[%get3A_501, %get3A_502, %get3A_503] {strides = array<i32>} : memref<32x8x128xf32, #tpu.memory_space<vmem>>, vector<1x1x16xf32>,
        %get3A_505 = vector.shape_cast %get3A_504 : vector<1x1x16xf32> to vector<16xf32>
        %mul3A_506 = arith.mulf %get3A_505, %get3A_499 : vector<16xf32>
        %swap3A_507 = arith.constant 0 : i32
        %swap3A_508 = arith.index_cast %scan3A_247 : i32 to index
        %swap3A_509 = arith.index_cast %swap3A_507 : i32 to index
        %swap3A_510 = arith.constant 32 : index
        %swap3A_511 = tpu.vector_load %arg5[%swap3A_508, %swap3A_509, %swap3A_510] {strides = array<i32>} : memref<32x8x128xf32, #tpu.memory_space<vmem>>, vector<1x1x16xf32>,
        %swap3A_512 = vector.shape_cast %swap3A_511 : vector<1x1x16xf32> to vector<16xf32>
        %swap3A_513 = vector.shape_cast %mul3A_506 : vector<16xf32> to vector<1x1x16xf32>
        tpu.vector_store %arg5[%swap3A_508, %swap3A_509, %swap3A_510], %swap3A_513 {strides = array<i32>} : memref<32x8x128xf32, #tpu.memory_space<vmem>>, vector<1x1x16xf32>,
        %get3A_514 = arith.constant 1 : i32
        %get3A_515 = arith.index_cast %scan3A_247 : i32 to index
        %get3A_516 = arith.index_cast %get3A_514 : i32 to index
        %get3A_517 = arith.constant 32 : index
        %get3A_518 = tpu.vector_load %arg5[%get3A_515, %get3A_516, %get3A_517] {strides = array<i32>} : memref<32x8x128xf32, #tpu.memory_space<vmem>>, vector<1x1x16xf32>,
        %get3A_519 = vector.shape_cast %get3A_518 : vector<1x1x16xf32> to vector<16xf32>
        %mul3A_520 = arith.mulf %get3A_519, %get3A_499 : vector<16xf32>
        %swap3A_521 = arith.constant 1 : i32
        %swap3A_522 = arith.index_cast %scan3A_247 : i32 to index
        %swap3A_523 = arith.index_cast %swap3A_521 : i32 to index
        %swap3A_524 = arith.constant 32 : index
        %swap3A_525 = tpu.vector_load %arg5[%swap3A_522, %swap3A_523, %swap3A_524] {strides = array<i32>} : memref<32x8x128xf32, #tpu.memory_space<vmem>>, vector<1x1x16xf32>,
        %swap3A_526 = vector.shape_cast %swap3A_525 : vector<1x1x16xf32> to vector<16xf32>
        %swap3A_527 = vector.shape_cast %mul3A_520 : vector<16xf32> to vector<1x1x16xf32>
        tpu.vector_store %arg5[%swap3A_522, %swap3A_523, %swap3A_524], %swap3A_527 {strides = array<i32>} : memref<32x8x128xf32, #tpu.memory_space<vmem>>, vector<1x1x16xf32>,
        %get3A_528 = arith.constant 2 : i32
        %get3A_529 = arith.index_cast %scan3A_247 : i32 to index
        %get3A_530 = arith.index_cast %get3A_528 : i32 to index
        %get3A_531 = arith.constant 32 : index
        %get3A_532 = tpu.vector_load %arg5[%get3A_529, %get3A_530, %get3A_531] {strides = array<i32>} : memref<32x8x128xf32, #tpu.memory_space<vmem>>, vector<1x1x16xf32>,
        %get3A_533 = vector.shape_cast %get3A_532 : vector<1x1x16xf32> to vector<16xf32>
        %mul3A_534 = arith.mulf %get3A_533, %get3A_499 : vector<16xf32>
        %swap3A_535 = arith.constant 2 : i32
        %swap3A_536 = arith.index_cast %scan3A_247 : i32 to index
        %swap3A_537 = arith.index_cast %swap3A_535 : i32 to index
        %swap3A_538 = arith.constant 32 : index
        %swap3A_539 = tpu.vector_load %arg5[%swap3A_536, %swap3A_537, %swap3A_538] {strides = array<i32>} : memref<32x8x128xf32, #tpu.memory_space<vmem>>, vector<1x1x16xf32>,
        %swap3A_540 = vector.shape_cast %swap3A_539 : vector<1x1x16xf32> to vector<16xf32>
        %swap3A_541 = vector.shape_cast %mul3A_534 : vector<16xf32> to vector<1x1x16xf32>
        tpu.vector_store %arg5[%swap3A_536, %swap3A_537, %swap3A_538], %swap3A_541 {strides = array<i32>} : memref<32x8x128xf32, #tpu.memory_space<vmem>>, vector<1x1x16xf32>,
        %get3A_542 = arith.constant 3 : i32
        %get3A_543 = arith.index_cast %scan3A_247 : i32 to index
        %get3A_544 = arith.index_cast %get3A_542 : i32 to index
        %get3A_545 = arith.constant 32 : index
        %get3A_546 = tpu.vector_load %arg5[%get3A_543, %get3A_544, %get3A_545] {strides = array<i32>} : memref<32x8x128xf32, #tpu.memory_space<vmem>>, vector<1x1x16xf32>,
        %get3A_547 = vector.shape_cast %get3A_546 : vector<1x1x16xf32> to vector<16xf32>
        %mul3A_548 = arith.mulf %get3A_547, %get3A_499 : vector<16xf32>
        %swap3A_549 = arith.constant 3 : i32
        %swap3A_550 = arith.index_cast %scan3A_247 : i32 to index
        %swap3A_551 = arith.index_cast %swap3A_549 : i32 to index
        %swap3A_552 = arith.constant 32 : index
        %swap3A_553 = tpu.vector_load %arg5[%swap3A_550, %swap3A_551, %swap3A_552] {strides = array<i32>} : memref<32x8x128xf32, #tpu.memory_space<vmem>>, vector<1x1x16xf32>,
        %swap3A_554 = vector.shape_cast %swap3A_553 : vector<1x1x16xf32> to vector<16xf32>
        %swap3A_555 = vector.shape_cast %mul3A_548 : vector<16xf32> to vector<1x1x16xf32>
        tpu.vector_store %arg5[%swap3A_550, %swap3A_551, %swap3A_552], %swap3A_555 {strides = array<i32>} : memref<32x8x128xf32, #tpu.memory_space<vmem>>, vector<1x1x16xf32>,
        %get3A_556 = arith.constant 4 : i32
        %get3A_557 = arith.index_cast %scan3A_247 : i32 to index
        %get3A_558 = arith.index_cast %get3A_556 : i32 to index
        %get3A_559 = arith.constant 32 : index
        %get3A_560 = tpu.vector_load %arg5[%get3A_557, %get3A_558, %get3A_559] {strides = array<i32>} : memref<32x8x128xf32, #tpu.memory_space<vmem>>, vector<1x1x16xf32>,
        %get3A_561 = vector.shape_cast %get3A_560 : vector<1x1x16xf32> to vector<16xf32>
        %mul3A_562 = arith.mulf %get3A_561, %get3A_499 : vector<16xf32>
        %swap3A_563 = arith.constant 4 : i32
        %swap3A_564 = arith.index_cast %scan3A_247 : i32 to index
        %swap3A_565 = arith.index_cast %swap3A_563 : i32 to index
        %swap3A_566 = arith.constant 32 : index
        %swap3A_567 = tpu.vector_load %arg5[%swap3A_564, %swap3A_565, %swap3A_566] {strides = array<i32>} : memref<32x8x128xf32, #tpu.memory_space<vmem>>, vector<1x1x16xf32>,
        %swap3A_568 = vector.shape_cast %swap3A_567 : vector<1x1x16xf32> to vector<16xf32>
        %swap3A_569 = vector.shape_cast %mul3A_562 : vector<16xf32> to vector<1x1x16xf32>
        tpu.vector_store %arg5[%swap3A_564, %swap3A_565, %swap3A_566], %swap3A_569 {strides = array<i32>} : memref<32x8x128xf32, #tpu.memory_space<vmem>>, vector<1x1x16xf32>,
        %get3A_570 = arith.constant 5 : i32
        %get3A_571 = arith.index_cast %scan3A_247 : i32 to index
        %get3A_572 = arith.index_cast %get3A_570 : i32 to index
        %get3A_573 = arith.constant 32 : index
        %get3A_574 = tpu.vector_load %arg5[%get3A_571, %get3A_572, %get3A_573] {strides = array<i32>} : memref<32x8x128xf32, #tpu.memory_space<vmem>>, vector<1x1x16xf32>,
        %get3A_575 = vector.shape_cast %get3A_574 : vector<1x1x16xf32> to vector<16xf32>
        %mul3A_576 = arith.mulf %get3A_575, %get3A_499 : vector<16xf32>
        %swap3A_577 = arith.constant 5 : i32
        %swap3A_578 = arith.index_cast %scan3A_247 : i32 to index
        %swap3A_579 = arith.index_cast %swap3A_577 : i32 to index
        %swap3A_580 = arith.constant 32 : index
        %swap3A_581 = tpu.vector_load %arg5[%swap3A_578, %swap3A_579, %swap3A_580] {strides = array<i32>} : memref<32x8x128xf32, #tpu.memory_space<vmem>>, vector<1x1x16xf32>,
        %swap3A_582 = vector.shape_cast %swap3A_581 : vector<1x1x16xf32> to vector<16xf32>
        %swap3A_583 = vector.shape_cast %mul3A_576 : vector<16xf32> to vector<1x1x16xf32>
        tpu.vector_store %arg5[%swap3A_578, %swap3A_579, %swap3A_580], %swap3A_583 {strides = array<i32>} : memref<32x8x128xf32, #tpu.memory_space<vmem>>, vector<1x1x16xf32>,
        %get3A_584 = arith.constant 6 : i32
        %get3A_585 = arith.index_cast %scan3A_247 : i32 to index
        %get3A_586 = arith.index_cast %get3A_584 : i32 to index
        %get3A_587 = arith.constant 32 : index
        %get3A_588 = tpu.vector_load %arg5[%get3A_585, %get3A_586, %get3A_587] {strides = array<i32>} : memref<32x8x128xf32, #tpu.memory_space<vmem>>, vector<1x1x16xf32>,
        %get3A_589 = vector.shape_cast %get3A_588 : vector<1x1x16xf32> to vector<16xf32>
        %mul3A_590 = arith.mulf %get3A_589, %get3A_499 : vector<16xf32>
        %swap3A_591 = arith.constant 6 : i32
        %swap3A_592 = arith.index_cast %scan3A_247 : i32 to index
        %swap3A_593 = arith.index_cast %swap3A_591 : i32 to index
        %swap3A_594 = arith.constant 32 : index
        %swap3A_595 = tpu.vector_load %arg5[%swap3A_592, %swap3A_593, %swap3A_594] {strides = array<i32>} : memref<32x8x128xf32, #tpu.memory_space<vmem>>, vector<1x1x16xf32>,
        %swap3A_596 = vector.shape_cast %swap3A_595 : vector<1x1x16xf32> to vector<16xf32>
        %swap3A_597 = vector.shape_cast %mul3A_590 : vector<16xf32> to vector<1x1x16xf32>
        tpu.vector_store %arg5[%swap3A_592, %swap3A_593, %swap3A_594], %swap3A_597 {strides = array<i32>} : memref<32x8x128xf32, #tpu.memory_space<vmem>>, vector<1x1x16xf32>,
        %get3A_598 = arith.constant 7 : i32
        %get3A_599 = arith.index_cast %scan3A_247 : i32 to index
        %get3A_600 = arith.index_cast %get3A_598 : i32 to index
        %get3A_601 = arith.constant 32 : index
        %get3A_602 = tpu.vector_load %arg5[%get3A_599, %get3A_600, %get3A_601] {strides = array<i32>} : memref<32x8x128xf32, #tpu.memory_space<vmem>>, vector<1x1x16xf32>,
        %get3A_603 = vector.shape_cast %get3A_602 : vector<1x1x16xf32> to vector<16xf32>
        %mul3A_604 = arith.mulf %get3A_603, %get3A_499 : vector<16xf32>
        %swap3A_605 = arith.constant 7 : i32
        %swap3A_606 = arith.index_cast %scan3A_247 : i32 to index
        %swap3A_607 = arith.index_cast %swap3A_605 : i32 to index
        %swap3A_608 = arith.constant 32 : index
        %swap3A_609 = tpu.vector_load %arg5[%swap3A_606, %swap3A_607, %swap3A_608] {strides = array<i32>} : memref<32x8x128xf32, #tpu.memory_space<vmem>>, vector<1x1x16xf32>,
        %swap3A_610 = vector.shape_cast %swap3A_609 : vector<1x1x16xf32> to vector<16xf32>
        %swap3A_611 = vector.shape_cast %mul3A_604 : vector<16xf32> to vector<1x1x16xf32>
        tpu.vector_store %arg5[%swap3A_606, %swap3A_607, %swap3A_608], %swap3A_611 {strides = array<i32>} : memref<32x8x128xf32, #tpu.memory_space<vmem>>, vector<1x1x16xf32>,
        %mul3A_612 = arith.constant 32 : i32
        %mul3A_613 = arith.muli %select_n3A_51, %mul3A_612 : i32
        %add3A_614 = arith.addi %mul3A_613, %scan3A_247 : i32
        %mul3A_615 = arith.constant 128 : i32
        %mul3A_616 = arith.muli %add3A_614, %mul3A_615 : i32
        %add3A_617 = arith.constant 48 : i32
        %add3A_618 = arith.addi %mul3A_616, %add3A_617 : i32
        %get3A_619 = arith.index_cast %add3A_618 : i32 to index
        %get3A_620 = tpu.vector_load %arg7[%get3A_619] {strides = array<i32>} : memref<32768xf32, #tpu.memory_space<vmem>>, vector<16xf32>,
        %get3A_621 = vector.shape_cast %get3A_620 : vector<16xf32> to vector<16xf32>
        %get3A_622 = arith.constant 0 : i32
        %get3A_623 = arith.index_cast %scan3A_247 : i32 to index
        %get3A_624 = arith.index_cast %get3A_622 : i32 to index
        %get3A_625 = arith.constant 48 : index
        %get3A_626 = tpu.vector_load %arg5[%get3A_623, %get3A_624, %get3A_625] {strides = array<i32>} : memref<32x8x128xf32, #tpu.memory_space<vmem>>, vector<1x1x16xf32>,
        %get3A_627 = vector.shape_cast %get3A_626 : vector<1x1x16xf32> to vector<16xf32>
        %mul3A_628 = arith.mulf %get3A_627, %get3A_621 : vector<16xf32>
        %swap3A_629 = arith.constant 0 : i32
        %swap3A_630 = arith.index_cast %scan3A_247 : i32 to index
        %swap3A_631 = arith.index_cast %swap3A_629 : i32 to index
        %swap3A_632 = arith.constant 48 : index
        %swap3A_633 = tpu.vector_load %arg5[%swap3A_630, %swap3A_631, %swap3A_632] {strides = array<i32>} : memref<32x8x128xf32, #tpu.memory_space<vmem>>, vector<1x1x16xf32>,
        %swap3A_634 = vector.shape_cast %swap3A_633 : vector<1x1x16xf32> to vector<16xf32>
        %swap3A_635 = vector.shape_cast %mul3A_628 : vector<16xf32> to vector<1x1x16xf32>
        tpu.vector_store %arg5[%swap3A_630, %swap3A_631, %swap3A_632], %swap3A_635 {strides = array<i32>} : memref<32x8x128xf32, #tpu.memory_space<vmem>>, vector<1x1x16xf32>,
        %get3A_636 = arith.constant 1 : i32
        %get3A_637 = arith.index_cast %scan3A_247 : i32 to index
        %get3A_638 = arith.index_cast %get3A_636 : i32 to index
        %get3A_639 = arith.constant 48 : index
        %get3A_640 = tpu.vector_load %arg5[%get3A_637, %get3A_638, %get3A_639] {strides = array<i32>} : memref<32x8x128xf32, #tpu.memory_space<vmem>>, vector<1x1x16xf32>,
        %get3A_641 = vector.shape_cast %get3A_640 : vector<1x1x16xf32> to vector<16xf32>
        %mul3A_642 = arith.mulf %get3A_641, %get3A_621 : vector<16xf32>
        %swap3A_643 = arith.constant 1 : i32
        %swap3A_644 = arith.index_cast %scan3A_247 : i32 to index
        %swap3A_645 = arith.index_cast %swap3A_643 : i32 to index
        %swap3A_646 = arith.constant 48 : index
        %swap3A_647 = tpu.vector_load %arg5[%swap3A_644, %swap3A_645, %swap3A_646] {strides = array<i32>} : memref<32x8x128xf32, #tpu.memory_space<vmem>>, vector<1x1x16xf32>,
        %swap3A_648 = vector.shape_cast %swap3A_647 : vector<1x1x16xf32> to vector<16xf32>
        %swap3A_649 = vector.shape_cast %mul3A_642 : vector<16xf32> to vector<1x1x16xf32>
        tpu.vector_store %arg5[%swap3A_644, %swap3A_645, %swap3A_646], %swap3A_649 {strides = array<i32>} : memref<32x8x128xf32, #tpu.memory_space<vmem>>, vector<1x1x16xf32>,
        %get3A_650 = arith.constant 2 : i32
        %get3A_651 = arith.index_cast %scan3A_247 : i32 to index
        %get3A_652 = arith.index_cast %get3A_650 : i32 to index
        %get3A_653 = arith.constant 48 : index
        %get3A_654 = tpu.vector_load %arg5[%get3A_651, %get3A_652, %get3A_653] {strides = array<i32>} : memref<32x8x128xf32, #tpu.memory_space<vmem>>, vector<1x1x16xf32>,
        %get3A_655 = vector.shape_cast %get3A_654 : vector<1x1x16xf32> to vector<16xf32>
        %mul3A_656 = arith.mulf %get3A_655, %get3A_621 : vector<16xf32>
        %swap3A_657 = arith.constant 2 : i32
        %swap3A_658 = arith.index_cast %scan3A_247 : i32 to index
        %swap3A_659 = arith.index_cast %swap3A_657 : i32 to index
        %swap3A_660 = arith.constant 48 : index
        %swap3A_661 = tpu.vector_load %arg5[%swap3A_658, %swap3A_659, %swap3A_660] {strides = array<i32>} : memref<32x8x128xf32, #tpu.memory_space<vmem>>, vector<1x1x16xf32>,
        %swap3A_662 = vector.shape_cast %swap3A_661 : vector<1x1x16xf32> to vector<16xf32>
        %swap3A_663 = vector.shape_cast %mul3A_656 : vector<16xf32> to vector<1x1x16xf32>
        tpu.vector_store %arg5[%swap3A_658, %swap3A_659, %swap3A_660], %swap3A_663 {strides = array<i32>} : memref<32x8x128xf32, #tpu.memory_space<vmem>>, vector<1x1x16xf32>,
        %get3A_664 = arith.constant 3 : i32
        %get3A_665 = arith.index_cast %scan3A_247 : i32 to index
        %get3A_666 = arith.index_cast %get3A_664 : i32 to index
        %get3A_667 = arith.constant 48 : index
        %get3A_668 = tpu.vector_load %arg5[%get3A_665, %get3A_666, %get3A_667] {strides = array<i32>} : memref<32x8x128xf32, #tpu.memory_space<vmem>>, vector<1x1x16xf32>,
        %get3A_669 = vector.shape_cast %get3A_668 : vector<1x1x16xf32> to vector<16xf32>
        %mul3A_670 = arith.mulf %get3A_669, %get3A_621 : vector<16xf32>
        %swap3A_671 = arith.constant 3 : i32
        %swap3A_672 = arith.index_cast %scan3A_247 : i32 to index
        %swap3A_673 = arith.index_cast %swap3A_671 : i32 to index
        %swap3A_674 = arith.constant 48 : index
        %swap3A_675 = tpu.vector_load %arg5[%swap3A_672, %swap3A_673, %swap3A_674] {strides = array<i32>} : memref<32x8x128xf32, #tpu.memory_space<vmem>>, vector<1x1x16xf32>,
        %swap3A_676 = vector.shape_cast %swap3A_675 : vector<1x1x16xf32> to vector<16xf32>
        %swap3A_677 = vector.shape_cast %mul3A_670 : vector<16xf32> to vector<1x1x16xf32>
        tpu.vector_store %arg5[%swap3A_672, %swap3A_673, %swap3A_674], %swap3A_677 {strides = array<i32>} : memref<32x8x128xf32, #tpu.memory_space<vmem>>, vector<1x1x16xf32>,
        %get3A_678 = arith.constant 4 : i32
        %get3A_679 = arith.index_cast %scan3A_247 : i32 to index
        %get3A_680 = arith.index_cast %get3A_678 : i32 to index
        %get3A_681 = arith.constant 48 : index
        %get3A_682 = tpu.vector_load %arg5[%get3A_679, %get3A_680, %get3A_681] {strides = array<i32>} : memref<32x8x128xf32, #tpu.memory_space<vmem>>, vector<1x1x16xf32>,
        %get3A_683 = vector.shape_cast %get3A_682 : vector<1x1x16xf32> to vector<16xf32>
        %mul3A_684 = arith.mulf %get3A_683, %get3A_621 : vector<16xf32>
        %swap3A_685 = arith.constant 4 : i32
        %swap3A_686 = arith.index_cast %scan3A_247 : i32 to index
        %swap3A_687 = arith.index_cast %swap3A_685 : i32 to index
        %swap3A_688 = arith.constant 48 : index
        %swap3A_689 = tpu.vector_load %arg5[%swap3A_686, %swap3A_687, %swap3A_688] {strides = array<i32>} : memref<32x8x128xf32, #tpu.memory_space<vmem>>, vector<1x1x16xf32>,
        %swap3A_690 = vector.shape_cast %swap3A_689 : vector<1x1x16xf32> to vector<16xf32>
        %swap3A_691 = vector.shape_cast %mul3A_684 : vector<16xf32> to vector<1x1x16xf32>
        tpu.vector_store %arg5[%swap3A_686, %swap3A_687, %swap3A_688], %swap3A_691 {strides = array<i32>} : memref<32x8x128xf32, #tpu.memory_space<vmem>>, vector<1x1x16xf32>,
        %get3A_692 = arith.constant 5 : i32
        %get3A_693 = arith.index_cast %scan3A_247 : i32 to index
        %get3A_694 = arith.index_cast %get3A_692 : i32 to index
        %get3A_695 = arith.constant 48 : index
        %get3A_696 = tpu.vector_load %arg5[%get3A_693, %get3A_694, %get3A_695] {strides = array<i32>} : memref<32x8x128xf32, #tpu.memory_space<vmem>>, vector<1x1x16xf32>,
        %get3A_697 = vector.shape_cast %get3A_696 : vector<1x1x16xf32> to vector<16xf32>
        %mul3A_698 = arith.mulf %get3A_697, %get3A_621 : vector<16xf32>
        %swap3A_699 = arith.constant 5 : i32
        %swap3A_700 = arith.index_cast %scan3A_247 : i32 to index
        %swap3A_701 = arith.index_cast %swap3A_699 : i32 to index
        %swap3A_702 = arith.constant 48 : index
        %swap3A_703 = tpu.vector_load %arg5[%swap3A_700, %swap3A_701, %swap3A_702] {strides = array<i32>} : memref<32x8x128xf32, #tpu.memory_space<vmem>>, vector<1x1x16xf32>,
        %swap3A_704 = vector.shape_cast %swap3A_703 : vector<1x1x16xf32> to vector<16xf32>
        %swap3A_705 = vector.shape_cast %mul3A_698 : vector<16xf32> to vector<1x1x16xf32>
        tpu.vector_store %arg5[%swap3A_700, %swap3A_701, %swap3A_702], %swap3A_705 {strides = array<i32>} : memref<32x8x128xf32, #tpu.memory_space<vmem>>, vector<1x1x16xf32>,
        %get3A_706 = arith.constant 6 : i32
        %get3A_707 = arith.index_cast %scan3A_247 : i32 to index
        %get3A_708 = arith.index_cast %get3A_706 : i32 to index
        %get3A_709 = arith.constant 48 : index
        %get3A_710 = tpu.vector_load %arg5[%get3A_707, %get3A_708, %get3A_709] {strides = array<i32>} : memref<32x8x128xf32, #tpu.memory_space<vmem>>, vector<1x1x16xf32>,
        %get3A_711 = vector.shape_cast %get3A_710 : vector<1x1x16xf32> to vector<16xf32>
        %mul3A_712 = arith.mulf %get3A_711, %get3A_621 : vector<16xf32>
        %swap3A_713 = arith.constant 6 : i32
        %swap3A_714 = arith.index_cast %scan3A_247 : i32 to index
        %swap3A_715 = arith.index_cast %swap3A_713 : i32 to index
        %swap3A_716 = arith.constant 48 : index
        %swap3A_717 = tpu.vector_load %arg5[%swap3A_714, %swap3A_715, %swap3A_716] {strides = array<i32>} : memref<32x8x128xf32, #tpu.memory_space<vmem>>, vector<1x1x16xf32>,
        %swap3A_718 = vector.shape_cast %swap3A_717 : vector<1x1x16xf32> to vector<16xf32>
        %swap3A_719 = vector.shape_cast %mul3A_712 : vector<16xf32> to vector<1x1x16xf32>
        tpu.vector_store %arg5[%swap3A_714, %swap3A_715, %swap3A_716], %swap3A_719 {strides = array<i32>} : memref<32x8x128xf32, #tpu.memory_space<vmem>>, vector<1x1x16xf32>,
        %get3A_720 = arith.constant 7 : i32
        %get3A_721 = arith.index_cast %scan3A_247 : i32 to index
        %get3A_722 = arith.index_cast %get3A_720 : i32 to index
        %get3A_723 = arith.constant 48 : index
        %get3A_724 = tpu.vector_load %arg5[%get3A_721, %get3A_722, %get3A_723] {strides = array<i32>} : memref<32x8x128xf32, #tpu.memory_space<vmem>>, vector<1x1x16xf32>,
        %get3A_725 = vector.shape_cast %get3A_724 : vector<1x1x16xf32> to vector<16xf32>
        %mul3A_726 = arith.mulf %get3A_725, %get3A_621 : vector<16xf32>
        %swap3A_727 = arith.constant 7 : i32
        %swap3A_728 = arith.index_cast %scan3A_247 : i32 to index
        %swap3A_729 = arith.index_cast %swap3A_727 : i32 to index
        %swap3A_730 = arith.constant 48 : index
        %swap3A_731 = tpu.vector_load %arg5[%swap3A_728, %swap3A_729, %swap3A_730] {strides = array<i32>} : memref<32x8x128xf32, #tpu.memory_space<vmem>>, vector<1x1x16xf32>,
        %swap3A_732 = vector.shape_cast %swap3A_731 : vector<1x1x16xf32> to vector<16xf32>
        %swap3A_733 = vector.shape_cast %mul3A_726 : vector<16xf32> to vector<1x1x16xf32>
        tpu.vector_store %arg5[%swap3A_728, %swap3A_729, %swap3A_730], %swap3A_733 {strides = array<i32>} : memref<32x8x128xf32, #tpu.memory_space<vmem>>, vector<1x1x16xf32>,
        %mul3A_734 = arith.constant 32 : i32
        %mul3A_735 = arith.muli %select_n3A_51, %mul3A_734 : i32
        %add3A_736 = arith.addi %mul3A_735, %scan3A_247 : i32
        %mul3A_737 = arith.constant 128 : i32
        %mul3A_738 = arith.muli %add3A_736, %mul3A_737 : i32
        %add3A_739 = arith.constant 64 : i32
        %add3A_740 = arith.addi %mul3A_738, %add3A_739 : i32
        %get3A_741 = arith.index_cast %add3A_740 : i32 to index
        %get3A_742 = tpu.vector_load %arg7[%get3A_741] {strides = array<i32>} : memref<32768xf32, #tpu.memory_space<vmem>>, vector<16xf32>,
        %get3A_743 = vector.shape_cast %get3A_742 : vector<16xf32> to vector<16xf32>
        %get3A_744 = arith.constant 0 : i32
        %get3A_745 = arith.index_cast %scan3A_247 : i32 to index
        %get3A_746 = arith.index_cast %get3A_744 : i32 to index
        %get3A_747 = arith.constant 64 : index
        %get3A_748 = tpu.vector_load %arg5[%get3A_745, %get3A_746, %get3A_747] {strides = array<i32>} : memref<32x8x128xf32, #tpu.memory_space<vmem>>, vector<1x1x16xf32>,
        %get3A_749 = vector.shape_cast %get3A_748 : vector<1x1x16xf32> to vector<16xf32>
        %mul3A_750 = arith.mulf %get3A_749, %get3A_743 : vector<16xf32>
        %swap3A_751 = arith.constant 0 : i32
        %swap3A_752 = arith.index_cast %scan3A_247 : i32 to index
        %swap3A_753 = arith.index_cast %swap3A_751 : i32 to index
        %swap3A_754 = arith.constant 64 : index
        %swap3A_755 = tpu.vector_load %arg5[%swap3A_752, %swap3A_753, %swap3A_754] {strides = array<i32>} : memref<32x8x128xf32, #tpu.memory_space<vmem>>, vector<1x1x16xf32>,
        %swap3A_756 = vector.shape_cast %swap3A_755 : vector<1x1x16xf32> to vector<16xf32>
        %swap3A_757 = vector.shape_cast %mul3A_750 : vector<16xf32> to vector<1x1x16xf32>
        tpu.vector_store %arg5[%swap3A_752, %swap3A_753, %swap3A_754], %swap3A_757 {strides = array<i32>} : memref<32x8x128xf32, #tpu.memory_space<vmem>>, vector<1x1x16xf32>,
        %get3A_758 = arith.constant 1 : i32
        %get3A_759 = arith.index_cast %scan3A_247 : i32 to index
        %get3A_760 = arith.index_cast %get3A_758 : i32 to index
        %get3A_761 = arith.constant 64 : index
        %get3A_762 = tpu.vector_load %arg5[%get3A_759, %get3A_760, %get3A_761] {strides = array<i32>} : memref<32x8x128xf32, #tpu.memory_space<vmem>>, vector<1x1x16xf32>,
        %get3A_763 = vector.shape_cast %get3A_762 : vector<1x1x16xf32> to vector<16xf32>
        %mul3A_764 = arith.mulf %get3A_763, %get3A_743 : vector<16xf32>
        %swap3A_765 = arith.constant 1 : i32
        %swap3A_766 = arith.index_cast %scan3A_247 : i32 to index
        %swap3A_767 = arith.index_cast %swap3A_765 : i32 to index
        %swap3A_768 = arith.constant 64 : index
        %swap3A_769 = tpu.vector_load %arg5[%swap3A_766, %swap3A_767, %swap3A_768] {strides = array<i32>} : memref<32x8x128xf32, #tpu.memory_space<vmem>>, vector<1x1x16xf32>,
        %swap3A_770 = vector.shape_cast %swap3A_769 : vector<1x1x16xf32> to vector<16xf32>
        %swap3A_771 = vector.shape_cast %mul3A_764 : vector<16xf32> to vector<1x1x16xf32>
        tpu.vector_store %arg5[%swap3A_766, %swap3A_767, %swap3A_768], %swap3A_771 {strides = array<i32>} : memref<32x8x128xf32, #tpu.memory_space<vmem>>, vector<1x1x16xf32>,
        %get3A_772 = arith.constant 2 : i32
        %get3A_773 = arith.index_cast %scan3A_247 : i32 to index
        %get3A_774 = arith.index_cast %get3A_772 : i32 to index
        %get3A_775 = arith.constant 64 : index
        %get3A_776 = tpu.vector_load %arg5[%get3A_773, %get3A_774, %get3A_775] {strides = array<i32>} : memref<32x8x128xf32, #tpu.memory_space<vmem>>, vector<1x1x16xf32>,
        %get3A_777 = vector.shape_cast %get3A_776 : vector<1x1x16xf32> to vector<16xf32>
        %mul3A_778 = arith.mulf %get3A_777, %get3A_743 : vector<16xf32>
        %swap3A_779 = arith.constant 2 : i32
        %swap3A_780 = arith.index_cast %scan3A_247 : i32 to index
        %swap3A_781 = arith.index_cast %swap3A_779 : i32 to index
        %swap3A_782 = arith.constant 64 : index
        %swap3A_783 = tpu.vector_load %arg5[%swap3A_780, %swap3A_781, %swap3A_782] {strides = array<i32>} : memref<32x8x128xf32, #tpu.memory_space<vmem>>, vector<1x1x16xf32>,
        %swap3A_784 = vector.shape_cast %swap3A_783 : vector<1x1x16xf32> to vector<16xf32>
        %swap3A_785 = vector.shape_cast %mul3A_778 : vector<16xf32> to vector<1x1x16xf32>
        tpu.vector_store %arg5[%swap3A_780, %swap3A_781, %swap3A_782], %swap3A_785 {strides = array<i32>} : memref<32x8x128xf32, #tpu.memory_space<vmem>>, vector<1x1x16xf32>,
        %get3A_786 = arith.constant 3 : i32
        %get3A_787 = arith.index_cast %scan3A_247 : i32 to index
        %get3A_788 = arith.index_cast %get3A_786 : i32 to index
        %get3A_789 = arith.constant 64 : index
        %get3A_790 = tpu.vector_load %arg5[%get3A_787, %get3A_788, %get3A_789] {strides = array<i32>} : memref<32x8x128xf32, #tpu.memory_space<vmem>>, vector<1x1x16xf32>,
        %get3A_791 = vector.shape_cast %get3A_790 : vector<1x1x16xf32> to vector<16xf32>
        %mul3A_792 = arith.mulf %get3A_791, %get3A_743 : vector<16xf32>
        %swap3A_793 = arith.constant 3 : i32
        %swap3A_794 = arith.index_cast %scan3A_247 : i32 to index
        %swap3A_795 = arith.index_cast %swap3A_793 : i32 to index
        %swap3A_796 = arith.constant 64 : index
        %swap3A_797 = tpu.vector_load %arg5[%swap3A_794, %swap3A_795, %swap3A_796] {strides = array<i32>} : memref<32x8x128xf32, #tpu.memory_space<vmem>>, vector<1x1x16xf32>,
        %swap3A_798 = vector.shape_cast %swap3A_797 : vector<1x1x16xf32> to vector<16xf32>
        %swap3A_799 = vector.shape_cast %mul3A_792 : vector<16xf32> to vector<1x1x16xf32>
        tpu.vector_store %arg5[%swap3A_794, %swap3A_795, %swap3A_796], %swap3A_799 {strides = array<i32>} : memref<32x8x128xf32, #tpu.memory_space<vmem>>, vector<1x1x16xf32>,
        %get3A_800 = arith.constant 4 : i32
        %get3A_801 = arith.index_cast %scan3A_247 : i32 to index
        %get3A_802 = arith.index_cast %get3A_800 : i32 to index
        %get3A_803 = arith.constant 64 : index
        %get3A_804 = tpu.vector_load %arg5[%get3A_801, %get3A_802, %get3A_803] {strides = array<i32>} : memref<32x8x128xf32, #tpu.memory_space<vmem>>, vector<1x1x16xf32>,
        %get3A_805 = vector.shape_cast %get3A_804 : vector<1x1x16xf32> to vector<16xf32>
        %mul3A_806 = arith.mulf %get3A_805, %get3A_743 : vector<16xf32>
        %swap3A_807 = arith.constant 4 : i32
        %swap3A_808 = arith.index_cast %scan3A_247 : i32 to index
        %swap3A_809 = arith.index_cast %swap3A_807 : i32 to index
        %swap3A_810 = arith.constant 64 : index
        %swap3A_811 = tpu.vector_load %arg5[%swap3A_808, %swap3A_809, %swap3A_810] {strides = array<i32>} : memref<32x8x128xf32, #tpu.memory_space<vmem>>, vector<1x1x16xf32>,
        %swap3A_812 = vector.shape_cast %swap3A_811 : vector<1x1x16xf32> to vector<16xf32>
        %swap3A_813 = vector.shape_cast %mul3A_806 : vector<16xf32> to vector<1x1x16xf32>
        tpu.vector_store %arg5[%swap3A_808, %swap3A_809, %swap3A_810], %swap3A_813 {strides = array<i32>} : memref<32x8x128xf32, #tpu.memory_space<vmem>>, vector<1x1x16xf32>,
        %get3A_814 = arith.constant 5 : i32
        %get3A_815 = arith.index_cast %scan3A_247 : i32 to index
        %get3A_816 = arith.index_cast %get3A_814 : i32 to index
        %get3A_817 = arith.constant 64 : index
        %get3A_818 = tpu.vector_load %arg5[%get3A_815, %get3A_816, %get3A_817] {strides = array<i32>} : memref<32x8x128xf32, #tpu.memory_space<vmem>>, vector<1x1x16xf32>,
        %get3A_819 = vector.shape_cast %get3A_818 : vector<1x1x16xf32> to vector<16xf32>
        %mul3A_820 = arith.mulf %get3A_819, %get3A_743 : vector<16xf32>
        %swap3A_821 = arith.constant 5 : i32
        %swap3A_822 = arith.index_cast %scan3A_247 : i32 to index
        %swap3A_823 = arith.index_cast %swap3A_821 : i32 to index
        %swap3A_824 = arith.constant 64 : index
        %swap3A_825 = tpu.vector_load %arg5[%swap3A_822, %swap3A_823, %swap3A_824] {strides = array<i32>} : memref<32x8x128xf32, #tpu.memory_space<vmem>>, vector<1x1x16xf32>,
        %swap3A_826 = vector.shape_cast %swap3A_825 : vector<1x1x16xf32> to vector<16xf32>
        %swap3A_827 = vector.shape_cast %mul3A_820 : vector<16xf32> to vector<1x1x16xf32>
        tpu.vector_store %arg5[%swap3A_822, %swap3A_823, %swap3A_824], %swap3A_827 {strides = array<i32>} : memref<32x8x128xf32, #tpu.memory_space<vmem>>, vector<1x1x16xf32>,
        %get3A_828 = arith.constant 6 : i32
        %get3A_829 = arith.index_cast %scan3A_247 : i32 to index
        %get3A_830 = arith.index_cast %get3A_828 : i32 to index
        %get3A_831 = arith.constant 64 : index
        %get3A_832 = tpu.vector_load %arg5[%get3A_829, %get3A_830, %get3A_831] {strides = array<i32>} : memref<32x8x128xf32, #tpu.memory_space<vmem>>, vector<1x1x16xf32>,
        %get3A_833 = vector.shape_cast %get3A_832 : vector<1x1x16xf32> to vector<16xf32>
        %mul3A_834 = arith.mulf %get3A_833, %get3A_743 : vector<16xf32>
        %swap3A_835 = arith.constant 6 : i32
        %swap3A_836 = arith.index_cast %scan3A_247 : i32 to index
        %swap3A_837 = arith.index_cast %swap3A_835 : i32 to index
        %swap3A_838 = arith.constant 64 : index
        %swap3A_839 = tpu.vector_load %arg5[%swap3A_836, %swap3A_837, %swap3A_838] {strides = array<i32>} : memref<32x8x128xf32, #tpu.memory_space<vmem>>, vector<1x1x16xf32>,
        %swap3A_840 = vector.shape_cast %swap3A_839 : vector<1x1x16xf32> to vector<16xf32>
        %swap3A_841 = vector.shape_cast %mul3A_834 : vector<16xf32> to vector<1x1x16xf32>
        tpu.vector_store %arg5[%swap3A_836, %swap3A_837, %swap3A_838], %swap3A_841 {strides = array<i32>} : memref<32x8x128xf32, #tpu.memory_space<vmem>>, vector<1x1x16xf32>,
        %get3A_842 = arith.constant 7 : i32
        %get3A_843 = arith.index_cast %scan3A_247 : i32 to index
        %get3A_844 = arith.index_cast %get3A_842 : i32 to index
        %get3A_845 = arith.constant 64 : index
        %get3A_846 = tpu.vector_load %arg5[%get3A_843, %get3A_844, %get3A_845] {strides = array<i32>} : memref<32x8x128xf32, #tpu.memory_space<vmem>>, vector<1x1x16xf32>,
        %get3A_847 = vector.shape_cast %get3A_846 : vector<1x1x16xf32> to vector<16xf32>
        %mul3A_848 = arith.mulf %get3A_847, %get3A_743 : vector<16xf32>
        %swap3A_849 = arith.constant 7 : i32
        %swap3A_850 = arith.index_cast %scan3A_247 : i32 to index
        %swap3A_851 = arith.index_cast %swap3A_849 : i32 to index
        %swap3A_852 = arith.constant 64 : index
        %swap3A_853 = tpu.vector_load %arg5[%swap3A_850, %swap3A_851, %swap3A_852] {strides = array<i32>} : memref<32x8x128xf32, #tpu.memory_space<vmem>>, vector<1x1x16xf32>,
        %swap3A_854 = vector.shape_cast %swap3A_853 : vector<1x1x16xf32> to vector<16xf32>
        %swap3A_855 = vector.shape_cast %mul3A_848 : vector<16xf32> to vector<1x1x16xf32>
        tpu.vector_store %arg5[%swap3A_850, %swap3A_851, %swap3A_852], %swap3A_855 {strides = array<i32>} : memref<32x8x128xf32, #tpu.memory_space<vmem>>, vector<1x1x16xf32>,
        %mul3A_856 = arith.constant 32 : i32
        %mul3A_857 = arith.muli %select_n3A_51, %mul3A_856 : i32
        %add3A_858 = arith.addi %mul3A_857, %scan3A_247 : i32
        %mul3A_859 = arith.constant 128 : i32
        %mul3A_860 = arith.muli %add3A_858, %mul3A_859 : i32
        %add3A_861 = arith.constant 80 : i32
        %add3A_862 = arith.addi %mul3A_860, %add3A_861 : i32
        %get3A_863 = arith.index_cast %add3A_862 : i32 to index
        %get3A_864 = tpu.vector_load %arg7[%get3A_863] {strides = array<i32>} : memref<32768xf32, #tpu.memory_space<vmem>>, vector<16xf32>,
        %get3A_865 = vector.shape_cast %get3A_864 : vector<16xf32> to vector<16xf32>
        %get3A_866 = arith.constant 0 : i32
        %get3A_867 = arith.index_cast %scan3A_247 : i32 to index
        %get3A_868 = arith.index_cast %get3A_866 : i32 to index
        %get3A_869 = arith.constant 80 : index
        %get3A_870 = tpu.vector_load %arg5[%get3A_867, %get3A_868, %get3A_869] {strides = array<i32>} : memref<32x8x128xf32, #tpu.memory_space<vmem>>, vector<1x1x16xf32>,
        %get3A_871 = vector.shape_cast %get3A_870 : vector<1x1x16xf32> to vector<16xf32>
        %mul3A_872 = arith.mulf %get3A_871, %get3A_865 : vector<16xf32>
        %swap3A_873 = arith.constant 0 : i32
        %swap3A_874 = arith.index_cast %scan3A_247 : i32 to index
        %swap3A_875 = arith.index_cast %swap3A_873 : i32 to index
        %swap3A_876 = arith.constant 80 : index
        %swap3A_877 = tpu.vector_load %arg5[%swap3A_874, %swap3A_875, %swap3A_876] {strides = array<i32>} : memref<32x8x128xf32, #tpu.memory_space<vmem>>, vector<1x1x16xf32>,
        %swap3A_878 = vector.shape_cast %swap3A_877 : vector<1x1x16xf32> to vector<16xf32>
        %swap3A_879 = vector.shape_cast %mul3A_872 : vector<16xf32> to vector<1x1x16xf32>
        tpu.vector_store %arg5[%swap3A_874, %swap3A_875, %swap3A_876], %swap3A_879 {strides = array<i32>} : memref<32x8x128xf32, #tpu.memory_space<vmem>>, vector<1x1x16xf32>,
        %get3A_880 = arith.constant 1 : i32
        %get3A_881 = arith.index_cast %scan3A_247 : i32 to index
        %get3A_882 = arith.index_cast %get3A_880 : i32 to index
        %get3A_883 = arith.constant 80 : index
        %get3A_884 = tpu.vector_load %arg5[%get3A_881, %get3A_882, %get3A_883] {strides = array<i32>} : memref<32x8x128xf32, #tpu.memory_space<vmem>>, vector<1x1x16xf32>,
        %get3A_885 = vector.shape_cast %get3A_884 : vector<1x1x16xf32> to vector<16xf32>
        %mul3A_886 = arith.mulf %get3A_885, %get3A_865 : vector<16xf32>
        %swap3A_887 = arith.constant 1 : i32
        %swap3A_888 = arith.index_cast %scan3A_247 : i32 to index
        %swap3A_889 = arith.index_cast %swap3A_887 : i32 to index
        %swap3A_890 = arith.constant 80 : index
        %swap3A_891 = tpu.vector_load %arg5[%swap3A_888, %swap3A_889, %swap3A_890] {strides = array<i32>} : memref<32x8x128xf32, #tpu.memory_space<vmem>>, vector<1x1x16xf32>,
        %swap3A_892 = vector.shape_cast %swap3A_891 : vector<1x1x16xf32> to vector<16xf32>
        %swap3A_893 = vector.shape_cast %mul3A_886 : vector<16xf32> to vector<1x1x16xf32>
        tpu.vector_store %arg5[%swap3A_888, %swap3A_889, %swap3A_890], %swap3A_893 {strides = array<i32>} : memref<32x8x128xf32, #tpu.memory_space<vmem>>, vector<1x1x16xf32>,
        %get3A_894 = arith.constant 2 : i32
        %get3A_895 = arith.index_cast %scan3A_247 : i32 to index
        %get3A_896 = arith.index_cast %get3A_894 : i32 to index
        %get3A_897 = arith.constant 80 : index
        %get3A_898 = tpu.vector_load %arg5[%get3A_895, %get3A_896, %get3A_897] {strides = array<i32>} : memref<32x8x128xf32, #tpu.memory_space<vmem>>, vector<1x1x16xf32>,
        %get3A_899 = vector.shape_cast %get3A_898 : vector<1x1x16xf32> to vector<16xf32>
        %mul3A_900 = arith.mulf %get3A_899, %get3A_865 : vector<16xf32>
        %swap3A_901 = arith.constant 2 : i32
        %swap3A_902 = arith.index_cast %scan3A_247 : i32 to index
        %swap3A_903 = arith.index_cast %swap3A_901 : i32 to index
        %swap3A_904 = arith.constant 80 : index
        %swap3A_905 = tpu.vector_load %arg5[%swap3A_902, %swap3A_903, %swap3A_904] {strides = array<i32>} : memref<32x8x128xf32, #tpu.memory_space<vmem>>, vector<1x1x16xf32>,
        %swap3A_906 = vector.shape_cast %swap3A_905 : vector<1x1x16xf32> to vector<16xf32>
        %swap3A_907 = vector.shape_cast %mul3A_900 : vector<16xf32> to vector<1x1x16xf32>
        tpu.vector_store %arg5[%swap3A_902, %swap3A_903, %swap3A_904], %swap3A_907 {strides = array<i32>} : memref<32x8x128xf32, #tpu.memory_space<vmem>>, vector<1x1x16xf32>,
        %get3A_908 = arith.constant 3 : i32
        %get3A_909 = arith.index_cast %scan3A_247 : i32 to index
        %get3A_910 = arith.index_cast %get3A_908 : i32 to index
        %get3A_911 = arith.constant 80 : index
        %get3A_912 = tpu.vector_load %arg5[%get3A_909, %get3A_910, %get3A_911] {strides = array<i32>} : memref<32x8x128xf32, #tpu.memory_space<vmem>>, vector<1x1x16xf32>,
        %get3A_913 = vector.shape_cast %get3A_912 : vector<1x1x16xf32> to vector<16xf32>
        %mul3A_914 = arith.mulf %get3A_913, %get3A_865 : vector<16xf32>
        %swap3A_915 = arith.constant 3 : i32
        %swap3A_916 = arith.index_cast %scan3A_247 : i32 to index
        %swap3A_917 = arith.index_cast %swap3A_915 : i32 to index
        %swap3A_918 = arith.constant 80 : index
        %swap3A_919 = tpu.vector_load %arg5[%swap3A_916, %swap3A_917, %swap3A_918] {strides = array<i32>} : memref<32x8x128xf32, #tpu.memory_space<vmem>>, vector<1x1x16xf32>,
        %swap3A_920 = vector.shape_cast %swap3A_919 : vector<1x1x16xf32> to vector<16xf32>
        %swap3A_921 = vector.shape_cast %mul3A_914 : vector<16xf32> to vector<1x1x16xf32>
        tpu.vector_store %arg5[%swap3A_916, %swap3A_917, %swap3A_918], %swap3A_921 {strides = array<i32>} : memref<32x8x128xf32, #tpu.memory_space<vmem>>, vector<1x1x16xf32>,
        %get3A_922 = arith.constant 4 : i32
        %get3A_923 = arith.index_cast %scan3A_247 : i32 to index
        %get3A_924 = arith.index_cast %get3A_922 : i32 to index
        %get3A_925 = arith.constant 80 : index
        %get3A_926 = tpu.vector_load %arg5[%get3A_923, %get3A_924, %get3A_925] {strides = array<i32>} : memref<32x8x128xf32, #tpu.memory_space<vmem>>, vector<1x1x16xf32>,
        %get3A_927 = vector.shape_cast %get3A_926 : vector<1x1x16xf32> to vector<16xf32>
        %mul3A_928 = arith.mulf %get3A_927, %get3A_865 : vector<16xf32>
        %swap3A_929 = arith.constant 4 : i32
        %swap3A_930 = arith.index_cast %scan3A_247 : i32 to index
        %swap3A_931 = arith.index_cast %swap3A_929 : i32 to index
        %swap3A_932 = arith.constant 80 : index
        %swap3A_933 = tpu.vector_load %arg5[%swap3A_930, %swap3A_931, %swap3A_932] {strides = array<i32>} : memref<32x8x128xf32, #tpu.memory_space<vmem>>, vector<1x1x16xf32>,
        %swap3A_934 = vector.shape_cast %swap3A_933 : vector<1x1x16xf32> to vector<16xf32>
        %swap3A_935 = vector.shape_cast %mul3A_928 : vector<16xf32> to vector<1x1x16xf32>
        tpu.vector_store %arg5[%swap3A_930, %swap3A_931, %swap3A_932], %swap3A_935 {strides = array<i32>} : memref<32x8x128xf32, #tpu.memory_space<vmem>>, vector<1x1x16xf32>,
        %get3A_936 = arith.constant 5 : i32
        %get3A_937 = arith.index_cast %scan3A_247 : i32 to index
        %get3A_938 = arith.index_cast %get3A_936 : i32 to index
        %get3A_939 = arith.constant 80 : index
        %get3A_940 = tpu.vector_load %arg5[%get3A_937, %get3A_938, %get3A_939] {strides = array<i32>} : memref<32x8x128xf32, #tpu.memory_space<vmem>>, vector<1x1x16xf32>,
        %get3A_941 = vector.shape_cast %get3A_940 : vector<1x1x16xf32> to vector<16xf32>
        %mul3A_942 = arith.mulf %get3A_941, %get3A_865 : vector<16xf32>
        %swap3A_943 = arith.constant 5 : i32
        %swap3A_944 = arith.index_cast %scan3A_247 : i32 to index
        %swap3A_945 = arith.index_cast %swap3A_943 : i32 to index
        %swap3A_946 = arith.constant 80 : index
        %swap3A_947 = tpu.vector_load %arg5[%swap3A_944, %swap3A_945, %swap3A_946] {strides = array<i32>} : memref<32x8x128xf32, #tpu.memory_space<vmem>>, vector<1x1x16xf32>,
        %swap3A_948 = vector.shape_cast %swap3A_947 : vector<1x1x16xf32> to vector<16xf32>
        %swap3A_949 = vector.shape_cast %mul3A_942 : vector<16xf32> to vector<1x1x16xf32>
        tpu.vector_store %arg5[%swap3A_944, %swap3A_945, %swap3A_946], %swap3A_949 {strides = array<i32>} : memref<32x8x128xf32, #tpu.memory_space<vmem>>, vector<1x1x16xf32>,
        %get3A_950 = arith.constant 6 : i32
        %get3A_951 = arith.index_cast %scan3A_247 : i32 to index
        %get3A_952 = arith.index_cast %get3A_950 : i32 to index
        %get3A_953 = arith.constant 80 : index
        %get3A_954 = tpu.vector_load %arg5[%get3A_951, %get3A_952, %get3A_953] {strides = array<i32>} : memref<32x8x128xf32, #tpu.memory_space<vmem>>, vector<1x1x16xf32>,
        %get3A_955 = vector.shape_cast %get3A_954 : vector<1x1x16xf32> to vector<16xf32>
        %mul3A_956 = arith.mulf %get3A_955, %get3A_865 : vector<16xf32>
        %swap3A_957 = arith.constant 6 : i32
        %swap3A_958 = arith.index_cast %scan3A_247 : i32 to index
        %swap3A_959 = arith.index_cast %swap3A_957 : i32 to index
        %swap3A_960 = arith.constant 80 : index
        %swap3A_961 = tpu.vector_load %arg5[%swap3A_958, %swap3A_959, %swap3A_960] {strides = array<i32>} : memref<32x8x128xf32, #tpu.memory_space<vmem>>, vector<1x1x16xf32>,
        %swap3A_962 = vector.shape_cast %swap3A_961 : vector<1x1x16xf32> to vector<16xf32>
        %swap3A_963 = vector.shape_cast %mul3A_956 : vector<16xf32> to vector<1x1x16xf32>
        tpu.vector_store %arg5[%swap3A_958, %swap3A_959, %swap3A_960], %swap3A_963 {strides = array<i32>} : memref<32x8x128xf32, #tpu.memory_space<vmem>>, vector<1x1x16xf32>,
        %get3A_964 = arith.constant 7 : i32
        %get3A_965 = arith.index_cast %scan3A_247 : i32 to index
        %get3A_966 = arith.index_cast %get3A_964 : i32 to index
        %get3A_967 = arith.constant 80 : index
        %get3A_968 = tpu.vector_load %arg5[%get3A_965, %get3A_966, %get3A_967] {strides = array<i32>} : memref<32x8x128xf32, #tpu.memory_space<vmem>>, vector<1x1x16xf32>,
        %get3A_969 = vector.shape_cast %get3A_968 : vector<1x1x16xf32> to vector<16xf32>
        %mul3A_970 = arith.mulf %get3A_969, %get3A_865 : vector<16xf32>
        %swap3A_971 = arith.constant 7 : i32
        %swap3A_972 = arith.index_cast %scan3A_247 : i32 to index
        %swap3A_973 = arith.index_cast %swap3A_971 : i32 to index
        %swap3A_974 = arith.constant 80 : index
        %swap3A_975 = tpu.vector_load %arg5[%swap3A_972, %swap3A_973, %swap3A_974] {strides = array<i32>} : memref<32x8x128xf32, #tpu.memory_space<vmem>>, vector<1x1x16xf32>,
        %swap3A_976 = vector.shape_cast %swap3A_975 : vector<1x1x16xf32> to vector<16xf32>
        %swap3A_977 = vector.shape_cast %mul3A_970 : vector<16xf32> to vector<1x1x16xf32>
        tpu.vector_store %arg5[%swap3A_972, %swap3A_973, %swap3A_974], %swap3A_977 {strides = array<i32>} : memref<32x8x128xf32, #tpu.memory_space<vmem>>, vector<1x1x16xf32>,
        %mul3A_978 = arith.constant 32 : i32
        %mul3A_979 = arith.muli %select_n3A_51, %mul3A_978 : i32
        %add3A_980 = arith.addi %mul3A_979, %scan3A_247 : i32
        %mul3A_981 = arith.constant 128 : i32
        %mul3A_982 = arith.muli %add3A_980, %mul3A_981 : i32
        %add3A_983 = arith.constant 96 : i32
        %add3A_984 = arith.addi %mul3A_982, %add3A_983 : i32
        %get3A_985 = arith.index_cast %add3A_984 : i32 to index
        %get3A_986 = tpu.vector_load %arg7[%get3A_985] {strides = array<i32>} : memref<32768xf32, #tpu.memory_space<vmem>>, vector<16xf32>,
        %get3A_987 = vector.shape_cast %get3A_986 : vector<16xf32> to vector<16xf32>
        %get3A_988 = arith.constant 0 : i32
        %get3A_989 = arith.index_cast %scan3A_247 : i32 to index
        %get3A_990 = arith.index_cast %get3A_988 : i32 to index
        %get3A_991 = arith.constant 96 : index
        %get3A_992 = tpu.vector_load %arg5[%get3A_989, %get3A_990, %get3A_991] {strides = array<i32>} : memref<32x8x128xf32, #tpu.memory_space<vmem>>, vector<1x1x16xf32>,
        %get3A_993 = vector.shape_cast %get3A_992 : vector<1x1x16xf32> to vector<16xf32>
        %mul3A_994 = arith.mulf %get3A_993, %get3A_987 : vector<16xf32>
        %swap3A_995 = arith.constant 0 : i32
        %swap3A_996 = arith.index_cast %scan3A_247 : i32 to index
        %swap3A_997 = arith.index_cast %swap3A_995 : i32 to index
        %swap3A_998 = arith.constant 96 : index
        %swap3A_999 = tpu.vector_load %arg5[%swap3A_996, %swap3A_997, %swap3A_998] {strides = array<i32>} : memref<32x8x128xf32, #tpu.memory_space<vmem>>, vector<1x1x16xf32>,
        %swap3A_1000 = vector.shape_cast %swap3A_999 : vector<1x1x16xf32> to vector<16xf32>
        %swap3A_1001 = vector.shape_cast %mul3A_994 : vector<16xf32> to vector<1x1x16xf32>
        tpu.vector_store %arg5[%swap3A_996, %swap3A_997, %swap3A_998], %swap3A_1001 {strides = array<i32>} : memref<32x8x128xf32, #tpu.memory_space<vmem>>, vector<1x1x16xf32>,
        %get3A_1002 = arith.constant 1 : i32
        %get3A_1003 = arith.index_cast %scan3A_247 : i32 to index
        %get3A_1004 = arith.index_cast %get3A_1002 : i32 to index
        %get3A_1005 = arith.constant 96 : index
        %get3A_1006 = tpu.vector_load %arg5[%get3A_1003, %get3A_1004, %get3A_1005] {strides = array<i32>} : memref<32x8x128xf32, #tpu.memory_space<vmem>>, vector<1x1x16xf32>,
        %get3A_1007 = vector.shape_cast %get3A_1006 : vector<1x1x16xf32> to vector<16xf32>
        %mul3A_1008 = arith.mulf %get3A_1007, %get3A_987 : vector<16xf32>
        %swap3A_1009 = arith.constant 1 : i32
        %swap3A_1010 = arith.index_cast %scan3A_247 : i32 to index
        %swap3A_1011 = arith.index_cast %swap3A_1009 : i32 to index
        %swap3A_1012 = arith.constant 96 : index
        %swap3A_1013 = tpu.vector_load %arg5[%swap3A_1010, %swap3A_1011, %swap3A_1012] {strides = array<i32>} : memref<32x8x128xf32, #tpu.memory_space<vmem>>, vector<1x1x16xf32>,
        %swap3A_1014 = vector.shape_cast %swap3A_1013 : vector<1x1x16xf32> to vector<16xf32>
        %swap3A_1015 = vector.shape_cast %mul3A_1008 : vector<16xf32> to vector<1x1x16xf32>
        tpu.vector_store %arg5[%swap3A_1010, %swap3A_1011, %swap3A_1012], %swap3A_1015 {strides = array<i32>} : memref<32x8x128xf32, #tpu.memory_space<vmem>>, vector<1x1x16xf32>,
        %get3A_1016 = arith.constant 2 : i32
        %get3A_1017 = arith.index_cast %scan3A_247 : i32 to index
        %get3A_1018 = arith.index_cast %get3A_1016 : i32 to index
        %get3A_1019 = arith.constant 96 : index
        %get3A_1020 = tpu.vector_load %arg5[%get3A_1017, %get3A_1018, %get3A_1019] {strides = array<i32>} : memref<32x8x128xf32, #tpu.memory_space<vmem>>, vector<1x1x16xf32>,
        %get3A_1021 = vector.shape_cast %get3A_1020 : vector<1x1x16xf32> to vector<16xf32>
        %mul3A_1022 = arith.mulf %get3A_1021, %get3A_987 : vector<16xf32>
        %swap3A_1023 = arith.constant 2 : i32
        %swap3A_1024 = arith.index_cast %scan3A_247 : i32 to index
        %swap3A_1025 = arith.index_cast %swap3A_1023 : i32 to index
        %swap3A_1026 = arith.constant 96 : index
        %swap3A_1027 = tpu.vector_load %arg5[%swap3A_1024, %swap3A_1025, %swap3A_1026] {strides = array<i32>} : memref<32x8x128xf32, #tpu.memory_space<vmem>>, vector<1x1x16xf32>,
        %swap3A_1028 = vector.shape_cast %swap3A_1027 : vector<1x1x16xf32> to vector<16xf32>
        %swap3A_1029 = vector.shape_cast %mul3A_1022 : vector<16xf32> to vector<1x1x16xf32>
        tpu.vector_store %arg5[%swap3A_1024, %swap3A_1025, %swap3A_1026], %swap3A_1029 {strides = array<i32>} : memref<32x8x128xf32, #tpu.memory_space<vmem>>, vector<1x1x16xf32>,
        %get3A_1030 = arith.constant 3 : i32
        %get3A_1031 = arith.index_cast %scan3A_247 : i32 to index
        %get3A_1032 = arith.index_cast %get3A_1030 : i32 to index
        %get3A_1033 = arith.constant 96 : index
        %get3A_1034 = tpu.vector_load %arg5[%get3A_1031, %get3A_1032, %get3A_1033] {strides = array<i32>} : memref<32x8x128xf32, #tpu.memory_space<vmem>>, vector<1x1x16xf32>,
        %get3A_1035 = vector.shape_cast %get3A_1034 : vector<1x1x16xf32> to vector<16xf32>
        %mul3A_1036 = arith.mulf %get3A_1035, %get3A_987 : vector<16xf32>
        %swap3A_1037 = arith.constant 3 : i32
        %swap3A_1038 = arith.index_cast %scan3A_247 : i32 to index
        %swap3A_1039 = arith.index_cast %swap3A_1037 : i32 to index
        %swap3A_1040 = arith.constant 96 : index
        %swap3A_1041 = tpu.vector_load %arg5[%swap3A_1038, %swap3A_1039, %swap3A_1040] {strides = array<i32>} : memref<32x8x128xf32, #tpu.memory_space<vmem>>, vector<1x1x16xf32>,
        %swap3A_1042 = vector.shape_cast %swap3A_1041 : vector<1x1x16xf32> to vector<16xf32>
        %swap3A_1043 = vector.shape_cast %mul3A_1036 : vector<16xf32> to vector<1x1x16xf32>
        tpu.vector_store %arg5[%swap3A_1038, %swap3A_1039, %swap3A_1040], %swap3A_1043 {strides = array<i32>} : memref<32x8x128xf32, #tpu.memory_space<vmem>>, vector<1x1x16xf32>,
        %get3A_1044 = arith.constant 4 : i32
        %get3A_1045 = arith.index_cast %scan3A_247 : i32 to index
        %get3A_1046 = arith.index_cast %get3A_1044 : i32 to index
        %get3A_1047 = arith.constant 96 : index
        %get3A_1048 = tpu.vector_load %arg5[%get3A_1045, %get3A_1046, %get3A_1047] {strides = array<i32>} : memref<32x8x128xf32, #tpu.memory_space<vmem>>, vector<1x1x16xf32>,
        %get3A_1049 = vector.shape_cast %get3A_1048 : vector<1x1x16xf32> to vector<16xf32>
        %mul3A_1050 = arith.mulf %get3A_1049, %get3A_987 : vector<16xf32>
        %swap3A_1051 = arith.constant 4 : i32
        %swap3A_1052 = arith.index_cast %scan3A_247 : i32 to index
        %swap3A_1053 = arith.index_cast %swap3A_1051 : i32 to index
        %swap3A_1054 = arith.constant 96 : index
        %swap3A_1055 = tpu.vector_load %arg5[%swap3A_1052, %swap3A_1053, %swap3A_1054] {strides = array<i32>} : memref<32x8x128xf32, #tpu.memory_space<vmem>>, vector<1x1x16xf32>,
        %swap3A_1056 = vector.shape_cast %swap3A_1055 : vector<1x1x16xf32> to vector<16xf32>
        %swap3A_1057 = vector.shape_cast %mul3A_1050 : vector<16xf32> to vector<1x1x16xf32>
        tpu.vector_store %arg5[%swap3A_1052, %swap3A_1053, %swap3A_1054], %swap3A_1057 {strides = array<i32>} : memref<32x8x128xf32, #tpu.memory_space<vmem>>, vector<1x1x16xf32>,
        %get3A_1058 = arith.constant 5 : i32
        %get3A_1059 = arith.index_cast %scan3A_247 : i32 to index
        %get3A_1060 = arith.index_cast %get3A_1058 : i32 to index
        %get3A_1061 = arith.constant 96 : index
        %get3A_1062 = tpu.vector_load %arg5[%get3A_1059, %get3A_1060, %get3A_1061] {strides = array<i32>} : memref<32x8x128xf32, #tpu.memory_space<vmem>>, vector<1x1x16xf32>,
        %get3A_1063 = vector.shape_cast %get3A_1062 : vector<1x1x16xf32> to vector<16xf32>
        %mul3A_1064 = arith.mulf %get3A_1063, %get3A_987 : vector<16xf32>
        %swap3A_1065 = arith.constant 5 : i32
        %swap3A_1066 = arith.index_cast %scan3A_247 : i32 to index
        %swap3A_1067 = arith.index_cast %swap3A_1065 : i32 to index
        %swap3A_1068 = arith.constant 96 : index
        %swap3A_1069 = tpu.vector_load %arg5[%swap3A_1066, %swap3A_1067, %swap3A_1068] {strides = array<i32>} : memref<32x8x128xf32, #tpu.memory_space<vmem>>, vector<1x1x16xf32>,
        %swap3A_1070 = vector.shape_cast %swap3A_1069 : vector<1x1x16xf32> to vector<16xf32>
        %swap3A_1071 = vector.shape_cast %mul3A_1064 : vector<16xf32> to vector<1x1x16xf32>
        tpu.vector_store %arg5[%swap3A_1066, %swap3A_1067, %swap3A_1068], %swap3A_1071 {strides = array<i32>} : memref<32x8x128xf32, #tpu.memory_space<vmem>>, vector<1x1x16xf32>,
        %get3A_1072 = arith.constant 6 : i32
        %get3A_1073 = arith.index_cast %scan3A_247 : i32 to index
        %get3A_1074 = arith.index_cast %get3A_1072 : i32 to index
        %get3A_1075 = arith.constant 96 : index
        %get3A_1076 = tpu.vector_load %arg5[%get3A_1073, %get3A_1074, %get3A_1075] {strides = array<i32>} : memref<32x8x128xf32, #tpu.memory_space<vmem>>, vector<1x1x16xf32>,
        %get3A_1077 = vector.shape_cast %get3A_1076 : vector<1x1x16xf32> to vector<16xf32>
        %mul3A_1078 = arith.mulf %get3A_1077, %get3A_987 : vector<16xf32>
        %swap3A_1079 = arith.constant 6 : i32
        %swap3A_1080 = arith.index_cast %scan3A_247 : i32 to index
        %swap3A_1081 = arith.index_cast %swap3A_1079 : i32 to index
        %swap3A_1082 = arith.constant 96 : index
        %swap3A_1083 = tpu.vector_load %arg5[%swap3A_1080, %swap3A_1081, %swap3A_1082] {strides = array<i32>} : memref<32x8x128xf32, #tpu.memory_space<vmem>>, vector<1x1x16xf32>,
        %swap3A_1084 = vector.shape_cast %swap3A_1083 : vector<1x1x16xf32> to vector<16xf32>
        %swap3A_1085 = vector.shape_cast %mul3A_1078 : vector<16xf32> to vector<1x1x16xf32>
        tpu.vector_store %arg5[%swap3A_1080, %swap3A_1081, %swap3A_1082], %swap3A_1085 {strides = array<i32>} : memref<32x8x128xf32, #tpu.memory_space<vmem>>, vector<1x1x16xf32>,
        %get3A_1086 = arith.constant 7 : i32
        %get3A_1087 = arith.index_cast %scan3A_247 : i32 to index
        %get3A_1088 = arith.index_cast %get3A_1086 : i32 to index
        %get3A_1089 = arith.constant 96 : index
        %get3A_1090 = tpu.vector_load %arg5[%get3A_1087, %get3A_1088, %get3A_1089] {strides = array<i32>} : memref<32x8x128xf32, #tpu.memory_space<vmem>>, vector<1x1x16xf32>,
        %get3A_1091 = vector.shape_cast %get3A_1090 : vector<1x1x16xf32> to vector<16xf32>
        %mul3A_1092 = arith.mulf %get3A_1091, %get3A_987 : vector<16xf32>
        %swap3A_1093 = arith.constant 7 : i32
        %swap3A_1094 = arith.index_cast %scan3A_247 : i32 to index
        %swap3A_1095 = arith.index_cast %swap3A_1093 : i32 to index
        %swap3A_1096 = arith.constant 96 : index
        %swap3A_1097 = tpu.vector_load %arg5[%swap3A_1094, %swap3A_1095, %swap3A_1096] {strides = array<i32>} : memref<32x8x128xf32, #tpu.memory_space<vmem>>, vector<1x1x16xf32>,
        %swap3A_1098 = vector.shape_cast %swap3A_1097 : vector<1x1x16xf32> to vector<16xf32>
        %swap3A_1099 = vector.shape_cast %mul3A_1092 : vector<16xf32> to vector<1x1x16xf32>
        tpu.vector_store %arg5[%swap3A_1094, %swap3A_1095, %swap3A_1096], %swap3A_1099 {strides = array<i32>} : memref<32x8x128xf32, #tpu.memory_space<vmem>>, vector<1x1x16xf32>,
        %mul3A_1100 = arith.constant 32 : i32
        %mul3A_1101 = arith.muli %select_n3A_51, %mul3A_1100 : i32
        %add3A_1102 = arith.addi %mul3A_1101, %scan3A_247 : i32
        %mul3A_1103 = arith.constant 128 : i32
        %mul3A_1104 = arith.muli %add3A_1102, %mul3A_1103 : i32
        %add3A_1105 = arith.constant 112 : i32
        %add3A_1106 = arith.addi %mul3A_1104, %add3A_1105 : i32
        %get3A_1107 = arith.index_cast %add3A_1106 : i32 to index
        %get3A_1108 = tpu.vector_load %arg7[%get3A_1107] {strides = array<i32>} : memref<32768xf32, #tpu.memory_space<vmem>>, vector<16xf32>,
        %get3A_1109 = vector.shape_cast %get3A_1108 : vector<16xf32> to vector<16xf32>
        %get3A_1110 = arith.constant 0 : i32
        %get3A_1111 = arith.index_cast %scan3A_247 : i32 to index
        %get3A_1112 = arith.index_cast %get3A_1110 : i32 to index
        %get3A_1113 = arith.constant 112 : index
        %get3A_1114 = tpu.vector_load %arg5[%get3A_1111, %get3A_1112, %get3A_1113] {strides = array<i32>} : memref<32x8x128xf32, #tpu.memory_space<vmem>>, vector<1x1x16xf32>,
        %get3A_1115 = vector.shape_cast %get3A_1114 : vector<1x1x16xf32> to vector<16xf32>
        %mul3A_1116 = arith.mulf %get3A_1115, %get3A_1109 : vector<16xf32>
        %swap3A_1117 = arith.constant 0 : i32
        %swap3A_1118 = arith.index_cast %scan3A_247 : i32 to index
        %swap3A_1119 = arith.index_cast %swap3A_1117 : i32 to index
        %swap3A_1120 = arith.constant 112 : index
        %swap3A_1121 = tpu.vector_load %arg5[%swap3A_1118, %swap3A_1119, %swap3A_1120] {strides = array<i32>} : memref<32x8x128xf32, #tpu.memory_space<vmem>>, vector<1x1x16xf32>,
        %swap3A_1122 = vector.shape_cast %swap3A_1121 : vector<1x1x16xf32> to vector<16xf32>
        %swap3A_1123 = vector.shape_cast %mul3A_1116 : vector<16xf32> to vector<1x1x16xf32>
        tpu.vector_store %arg5[%swap3A_1118, %swap3A_1119, %swap3A_1120], %swap3A_1123 {strides = array<i32>} : memref<32x8x128xf32, #tpu.memory_space<vmem>>, vector<1x1x16xf32>,
        %get3A_1124 = arith.constant 1 : i32
        %get3A_1125 = arith.index_cast %scan3A_247 : i32 to index
        %get3A_1126 = arith.index_cast %get3A_1124 : i32 to index
        %get3A_1127 = arith.constant 112 : index
        %get3A_1128 = tpu.vector_load %arg5[%get3A_1125, %get3A_1126, %get3A_1127] {strides = array<i32>} : memref<32x8x128xf32, #tpu.memory_space<vmem>>, vector<1x1x16xf32>,
        %get3A_1129 = vector.shape_cast %get3A_1128 : vector<1x1x16xf32> to vector<16xf32>
        %mul3A_1130 = arith.mulf %get3A_1129, %get3A_1109 : vector<16xf32>
        %swap3A_1131 = arith.constant 1 : i32
        %swap3A_1132 = arith.index_cast %scan3A_247 : i32 to index
        %swap3A_1133 = arith.index_cast %swap3A_1131 : i32 to index
        %swap3A_1134 = arith.constant 112 : index
        %swap3A_1135 = tpu.vector_load %arg5[%swap3A_1132, %swap3A_1133, %swap3A_1134] {strides = array<i32>} : memref<32x8x128xf32, #tpu.memory_space<vmem>>, vector<1x1x16xf32>,
        %swap3A_1136 = vector.shape_cast %swap3A_1135 : vector<1x1x16xf32> to vector<16xf32>
        %swap3A_1137 = vector.shape_cast %mul3A_1130 : vector<16xf32> to vector<1x1x16xf32>
        tpu.vector_store %arg5[%swap3A_1132, %swap3A_1133, %swap3A_1134], %swap3A_1137 {strides = array<i32>} : memref<32x8x128xf32, #tpu.memory_space<vmem>>, vector<1x1x16xf32>,
        %get3A_1138 = arith.constant 2 : i32
        %get3A_1139 = arith.index_cast %scan3A_247 : i32 to index
        %get3A_1140 = arith.index_cast %get3A_1138 : i32 to index
        %get3A_1141 = arith.constant 112 : index
        %get3A_1142 = tpu.vector_load %arg5[%get3A_1139, %get3A_1140, %get3A_1141] {strides = array<i32>} : memref<32x8x128xf32, #tpu.memory_space<vmem>>, vector<1x1x16xf32>,
        %get3A_1143 = vector.shape_cast %get3A_1142 : vector<1x1x16xf32> to vector<16xf32>
        %mul3A_1144 = arith.mulf %get3A_1143, %get3A_1109 : vector<16xf32>
        %swap3A_1145 = arith.constant 2 : i32
        %swap3A_1146 = arith.index_cast %scan3A_247 : i32 to index
        %swap3A_1147 = arith.index_cast %swap3A_1145 : i32 to index
        %swap3A_1148 = arith.constant 112 : index
        %swap3A_1149 = tpu.vector_load %arg5[%swap3A_1146, %swap3A_1147, %swap3A_1148] {strides = array<i32>} : memref<32x8x128xf32, #tpu.memory_space<vmem>>, vector<1x1x16xf32>,
        %swap3A_1150 = vector.shape_cast %swap3A_1149 : vector<1x1x16xf32> to vector<16xf32>
        %swap3A_1151 = vector.shape_cast %mul3A_1144 : vector<16xf32> to vector<1x1x16xf32>
        tpu.vector_store %arg5[%swap3A_1146, %swap3A_1147, %swap3A_1148], %swap3A_1151 {strides = array<i32>} : memref<32x8x128xf32, #tpu.memory_space<vmem>>, vector<1x1x16xf32>,
        %get3A_1152 = arith.constant 3 : i32
        %get3A_1153 = arith.index_cast %scan3A_247 : i32 to index
        %get3A_1154 = arith.index_cast %get3A_1152 : i32 to index
        %get3A_1155 = arith.constant 112 : index
        %get3A_1156 = tpu.vector_load %arg5[%get3A_1153, %get3A_1154, %get3A_1155] {strides = array<i32>} : memref<32x8x128xf32, #tpu.memory_space<vmem>>, vector<1x1x16xf32>,
        %get3A_1157 = vector.shape_cast %get3A_1156 : vector<1x1x16xf32> to vector<16xf32>
        %mul3A_1158 = arith.mulf %get3A_1157, %get3A_1109 : vector<16xf32>
        %swap3A_1159 = arith.constant 3 : i32
        %swap3A_1160 = arith.index_cast %scan3A_247 : i32 to index
        %swap3A_1161 = arith.index_cast %swap3A_1159 : i32 to index
        %swap3A_1162 = arith.constant 112 : index
        %swap3A_1163 = tpu.vector_load %arg5[%swap3A_1160, %swap3A_1161, %swap3A_1162] {strides = array<i32>} : memref<32x8x128xf32, #tpu.memory_space<vmem>>, vector<1x1x16xf32>,
        %swap3A_1164 = vector.shape_cast %swap3A_1163 : vector<1x1x16xf32> to vector<16xf32>
        %swap3A_1165 = vector.shape_cast %mul3A_1158 : vector<16xf32> to vector<1x1x16xf32>
        tpu.vector_store %arg5[%swap3A_1160, %swap3A_1161, %swap3A_1162], %swap3A_1165 {strides = array<i32>} : memref<32x8x128xf32, #tpu.memory_space<vmem>>, vector<1x1x16xf32>,
        %get3A_1166 = arith.constant 4 : i32
        %get3A_1167 = arith.index_cast %scan3A_247 : i32 to index
        %get3A_1168 = arith.index_cast %get3A_1166 : i32 to index
        %get3A_1169 = arith.constant 112 : index
        %get3A_1170 = tpu.vector_load %arg5[%get3A_1167, %get3A_1168, %get3A_1169] {strides = array<i32>} : memref<32x8x128xf32, #tpu.memory_space<vmem>>, vector<1x1x16xf32>,
        %get3A_1171 = vector.shape_cast %get3A_1170 : vector<1x1x16xf32> to vector<16xf32>
        %mul3A_1172 = arith.mulf %get3A_1171, %get3A_1109 : vector<16xf32>
        %swap3A_1173 = arith.constant 4 : i32
        %swap3A_1174 = arith.index_cast %scan3A_247 : i32 to index
        %swap3A_1175 = arith.index_cast %swap3A_1173 : i32 to index
        %swap3A_1176 = arith.constant 112 : index
        %swap3A_1177 = tpu.vector_load %arg5[%swap3A_1174, %swap3A_1175, %swap3A_1176] {strides = array<i32>} : memref<32x8x128xf32, #tpu.memory_space<vmem>>, vector<1x1x16xf32>,
        %swap3A_1178 = vector.shape_cast %swap3A_1177 : vector<1x1x16xf32> to vector<16xf32>
        %swap3A_1179 = vector.shape_cast %mul3A_1172 : vector<16xf32> to vector<1x1x16xf32>
        tpu.vector_store %arg5[%swap3A_1174, %swap3A_1175, %swap3A_1176], %swap3A_1179 {strides = array<i32>} : memref<32x8x128xf32, #tpu.memory_space<vmem>>, vector<1x1x16xf32>,
        %get3A_1180 = arith.constant 5 : i32
        %get3A_1181 = arith.index_cast %scan3A_247 : i32 to index
        %get3A_1182 = arith.index_cast %get3A_1180 : i32 to index
        %get3A_1183 = arith.constant 112 : index
        %get3A_1184 = tpu.vector_load %arg5[%get3A_1181, %get3A_1182, %get3A_1183] {strides = array<i32>} : memref<32x8x128xf32, #tpu.memory_space<vmem>>, vector<1x1x16xf32>,
        %get3A_1185 = vector.shape_cast %get3A_1184 : vector<1x1x16xf32> to vector<16xf32>
        %mul3A_1186 = arith.mulf %get3A_1185, %get3A_1109 : vector<16xf32>
        %swap3A_1187 = arith.constant 5 : i32
        %swap3A_1188 = arith.index_cast %scan3A_247 : i32 to index
        %swap3A_1189 = arith.index_cast %swap3A_1187 : i32 to index
        %swap3A_1190 = arith.constant 112 : index
        %swap3A_1191 = tpu.vector_load %arg5[%swap3A_1188, %swap3A_1189, %swap3A_1190] {strides = array<i32>} : memref<32x8x128xf32, #tpu.memory_space<vmem>>, vector<1x1x16xf32>,
        %swap3A_1192 = vector.shape_cast %swap3A_1191 : vector<1x1x16xf32> to vector<16xf32>
        %swap3A_1193 = vector.shape_cast %mul3A_1186 : vector<16xf32> to vector<1x1x16xf32>
        tpu.vector_store %arg5[%swap3A_1188, %swap3A_1189, %swap3A_1190], %swap3A_1193 {strides = array<i32>} : memref<32x8x128xf32, #tpu.memory_space<vmem>>, vector<1x1x16xf32>,
        %get3A_1194 = arith.constant 6 : i32
        %get3A_1195 = arith.index_cast %scan3A_247 : i32 to index
        %get3A_1196 = arith.index_cast %get3A_1194 : i32 to index
        %get3A_1197 = arith.constant 112 : index
        %get3A_1198 = tpu.vector_load %arg5[%get3A_1195, %get3A_1196, %get3A_1197] {strides = array<i32>} : memref<32x8x128xf32, #tpu.memory_space<vmem>>, vector<1x1x16xf32>,
        %get3A_1199 = vector.shape_cast %get3A_1198 : vector<1x1x16xf32> to vector<16xf32>
        %mul3A_1200 = arith.mulf %get3A_1199, %get3A_1109 : vector<16xf32>
        %swap3A_1201 = arith.constant 6 : i32
        %swap3A_1202 = arith.index_cast %scan3A_247 : i32 to index
        %swap3A_1203 = arith.index_cast %swap3A_1201 : i32 to index
        %swap3A_1204 = arith.constant 112 : index
        %swap3A_1205 = tpu.vector_load %arg5[%swap3A_1202, %swap3A_1203, %swap3A_1204] {strides = array<i32>} : memref<32x8x128xf32, #tpu.memory_space<vmem>>, vector<1x1x16xf32>,
        %swap3A_1206 = vector.shape_cast %swap3A_1205 : vector<1x1x16xf32> to vector<16xf32>
        %swap3A_1207 = vector.shape_cast %mul3A_1200 : vector<16xf32> to vector<1x1x16xf32>
        tpu.vector_store %arg5[%swap3A_1202, %swap3A_1203, %swap3A_1204], %swap3A_1207 {strides = array<i32>} : memref<32x8x128xf32, #tpu.memory_space<vmem>>, vector<1x1x16xf32>,
        %get3A_1208 = arith.constant 7 : i32
        %get3A_1209 = arith.index_cast %scan3A_247 : i32 to index
        %get3A_1210 = arith.index_cast %get3A_1208 : i32 to index
        %get3A_1211 = arith.constant 112 : index
        %get3A_1212 = tpu.vector_load %arg5[%get3A_1209, %get3A_1210, %get3A_1211] {strides = array<i32>} : memref<32x8x128xf32, #tpu.memory_space<vmem>>, vector<1x1x16xf32>,
        %get3A_1213 = vector.shape_cast %get3A_1212 : vector<1x1x16xf32> to vector<16xf32>
        %mul3A_1214 = arith.mulf %get3A_1213, %get3A_1109 : vector<16xf32>
        %swap3A_1215 = arith.constant 7 : i32
        %swap3A_1216 = arith.index_cast %scan3A_247 : i32 to index
        %swap3A_1217 = arith.index_cast %swap3A_1215 : i32 to index
        %swap3A_1218 = arith.constant 112 : index
        %swap3A_1219 = tpu.vector_load %arg5[%swap3A_1216, %swap3A_1217, %swap3A_1218] {strides = array<i32>} : memref<32x8x128xf32, #tpu.memory_space<vmem>>, vector<1x1x16xf32>,
        %swap3A_1220 = vector.shape_cast %swap3A_1219 : vector<1x1x16xf32> to vector<16xf32>
        %swap3A_1221 = vector.shape_cast %mul3A_1214 : vector<16xf32> to vector<1x1x16xf32>
        tpu.vector_store %arg5[%swap3A_1216, %swap3A_1217, %swap3A_1218], %swap3A_1221 {strides = array<i32>} : memref<32x8x128xf32, #tpu.memory_space<vmem>>, vector<1x1x16xf32>,
      }
      %scan3A_119 = arith.constant 32 : i32
      %jit3A_120 = arith.constant 8 : i32
      %div3A_121 = arith.divsi %mul3A_42, %jit3A_120 : i32
      %sign3A_122 = arith.constant 0 : i32
      %sign3A_123 = arith.cmpi sgt, %mul3A_42, %sign3A_122 : i32
      %sign3A_124 = arith.extui %sign3A_123 : i1 to i32
      %sign3A_125 = arith.constant 0 : i32
      %sign3A_126 = arith.cmpi slt, %mul3A_42, %sign3A_125 : i32
      %sign3A_127 = arith.extui %sign3A_126 : i1 to i32
      %sign3A_128 = arith.subi %sign3A_124, %sign3A_127 : i32
      %sign3A_129 = arith.constant 0 : i32
      %sign3A_130 = arith.cmpi sgt, %jit3A_120, %sign3A_129 : i32
      %sign3A_131 = arith.extui %sign3A_130 : i1 to i32
      %sign3A_132 = arith.constant 0 : i32
      %sign3A_133 = arith.cmpi slt, %jit3A_120, %sign3A_132 : i32
      %sign3A_134 = arith.extui %sign3A_133 : i1 to i32
      %sign3A_135 = arith.subi %sign3A_131, %sign3A_134 : i32
      %ne3A_136 = arith.cmpi ne, %sign3A_128, %sign3A_135 : i32
      %rem3A_137 = arith.remsi %mul3A_42, %jit3A_120 : i32
      %ne3A_138 = arith.constant 0 : i32
      %ne3A_139 = arith.cmpi ne, %rem3A_137, %ne3A_138 : i32
      %and3A_140 = arith.andi %ne3A_136, %ne3A_139 : i1
      %sub3A_141 = arith.constant 1 : i32
      %sub3A_142 = arith.subi %div3A_121, %sub3A_141 : i32
      %select_n3A_143 = arith.select %and3A_140, %sub3A_142, %div3A_121 : i32
      %jit3A_144 = arith.constant 8 : i32
      %eq3A_145 = arith.constant 0 : i32
      %eq3A_146 = arith.cmpi eq, %jit3A_144, %eq3A_145 : i32
      %jit3A_147 = arith.constant 1 : i32
      %select_n3A_148 = arith.select %eq3A_146, %jit3A_147, %jit3A_144 : i32
      %rem3A_149 = arith.remsi %mul3A_42, %select_n3A_148 : i32
      %ne3A_150 = arith.constant 0 : i32
      %ne3A_151 = arith.cmpi ne, %rem3A_149, %ne3A_150 : i32
      %lt3A_152 = arith.constant 0 : i32
      %lt3A_153 = arith.cmpi slt, %rem3A_149, %lt3A_152 : i32
      %lt3A_154 = arith.constant 0 : i32
      %lt3A_155 = arith.cmpi slt, %select_n3A_148, %lt3A_154 : i32
      %ne3A_156 = arith.xori %lt3A_153, %lt3A_155 : i1
      %and3A_157 = arith.andi %ne3A_156, %ne3A_151 : i1
      %add3A_158 = arith.addi %rem3A_149, %select_n3A_148 : i32
      %select_n3A_159 = arith.select %and3A_157, %add3A_158, %rem3A_149 : i32
      %mul3A_160 = arith.constant 32 : i32
      %mul3A_161 = arith.muli %select_n3A_159, %mul3A_160 : i32
      %add3A_162 = arith.addi %mul3A_2, %mul3A_161 : i32
      %dma_start3A_163 = arith.constant 0 : i32
      %dma_start3A_164 = arith.constant 0 : i32
      %dma_start3A_165 = tpu.memref_slice %arg4[%select_n3A_143, %add3A_162, %dma_start3A_163, %dma_start3A_164] : memref<8x8192x8x128xf32, #tpu.memory_space<hbm>> -> memref<1x32x8x128xf32, #tpu.memory_space<hbm>>
      %dma_start3A_166 = tpu.memref_squeeze %dma_start3A_165 : memref<1x32x8x128xf32, #tpu.memory_space<hbm>> -> memref<32x8x128xf32, #tpu.memory_space<hbm>>
      %dma_start3A_167 = arith.constant 0 : i32
      %dma_start3A_168 = arith.constant 0 : i32
      %dma_start3A_169 = tpu.memref_slice %arg4[%select_n3A_143, %add3A_162, %dma_start3A_167, %dma_start3A_168] : memref<8x8192x8x128xf32, #tpu.memory_space<hbm>> -> memref<1x32x8x128xf32, #tpu.memory_space<hbm>>
      %dma_start3A_170 = tpu.memref_squeeze %dma_start3A_169 : memref<1x32x8x128xf32, #tpu.memory_space<hbm>> -> memref<32x8x128xf32, #tpu.memory_space<hbm>>
      tpu.enqueue_dma source(%arg5 : memref<32x8x128xf32, #tpu.memory_space<vmem>>) target(%dma_start3A_170 : memref<32x8x128xf32, #tpu.memory_space<hbm>>) target_semaphore(%arg10 : memref<!tpu.dma_semaphore, #tpu.memory_space<semaphore_mem>>)
      %dma_wait3A_171 = arith.constant 0 : i32
      %dma_wait3A_172 = arith.constant 0 : i32
      %dma_wait3A_173 = arith.constant 0 : i32
      %dma_wait3A_174 = arith.constant 0 : i32
      %dma_wait3A_175 = tpu.memref_slice %arg2[%dma_wait3A_171, %dma_wait3A_172, %dma_wait3A_173, %dma_wait3A_174] : memref<8x8192x8x128xf32, #tpu.memory_space<hbm>> -> memref<1x32x8x128xf32, #tpu.memory_space<hbm>>
      %dma_wait3A_176 = tpu.memref_squeeze %dma_wait3A_175 : memref<1x32x8x128xf32, #tpu.memory_space<hbm>> -> memref<32x8x128xf32, #tpu.memory_space<hbm>>
      %dma_wait3A_177 = arith.constant 0 : i32
      %dma_wait3A_178 = arith.constant 0 : i32
      %dma_wait3A_179 = arith.constant 0 : i32
      %dma_wait3A_180 = tpu.memref_slice %arg2[%dma_wait3A_171, %dma_wait3A_177, %dma_wait3A_178, %dma_wait3A_179] : memref<8x8192x8x128xf32, #tpu.memory_space<hbm>> -> memref<1x32x8x128xf32, #tpu.memory_space<hbm>>
      %dma_wait3A_181 = tpu.memref_squeeze %dma_wait3A_180 : memref<1x32x8x128xf32, #tpu.memory_space<hbm>> -> memref<32x8x128xf32, #tpu.memory_space<hbm>>
      tpu.wait_dma2 semaphore(%arg9 : memref<!tpu.dma_semaphore, #tpu.memory_space<semaphore_mem>>) src(%dma_wait3A_181 : memref<32x8x128xf32, #tpu.memory_space<hbm>>) dst(%arg6 : memref<32x8x128xf32, #tpu.memory_space<vmem>>)
      %lt3A_182 = arith.constant 31 : i32
      %lt3A_183 = arith.cmpi slt, %scan3A_40, %lt3A_182 : i32
      %convert_element_type3A_184 = arith.extui %lt3A_183 : i1 to i32
      %cond3A_185 = arith.constant 0 : i32
      %cond3A_186 = arith.cmpi ne, %convert_element_type3A_184, %cond3A_185 : i32
      scf.if %cond3A_186 {
        %dma_wait3A_247 = arith.constant 0 : i32
        %dma_wait3A_248 = arith.constant 0 : i32
        %dma_wait3A_249 = arith.constant 0 : i32
        %dma_wait3A_250 = arith.constant 0 : i32
        %dma_wait3A_251 = tpu.memref_slice %arg4[%dma_wait3A_247, %dma_wait3A_248, %dma_wait3A_249, %dma_wait3A_250] : memref<8x8192x8x128xf32, #tpu.memory_space<hbm>> -> memref<1x32x8x128xf32, #tpu.memory_space<hbm>>
        %dma_wait3A_252 = tpu.memref_squeeze %dma_wait3A_251 : memref<1x32x8x128xf32, #tpu.memory_space<hbm>> -> memref<32x8x128xf32, #tpu.memory_space<hbm>>
        %dma_wait3A_253 = arith.constant 0 : i32
        %dma_wait3A_254 = arith.constant 0 : i32
        %dma_wait3A_255 = arith.constant 0 : i32
        %dma_wait3A_256 = tpu.memref_slice %arg4[%dma_wait3A_247, %dma_wait3A_253, %dma_wait3A_254, %dma_wait3A_255] : memref<8x8192x8x128xf32, #tpu.memory_space<hbm>> -> memref<1x32x8x128xf32, #tpu.memory_space<hbm>>
        %dma_wait3A_257 = tpu.memref_squeeze %dma_wait3A_256 : memref<1x32x8x128xf32, #tpu.memory_space<hbm>> -> memref<32x8x128xf32, #tpu.memory_space<hbm>>
        tpu.wait_dma2 semaphore(%arg10 : memref<!tpu.dma_semaphore, #tpu.memory_space<semaphore_mem>>) src(%arg5 : memref<32x8x128xf32, #tpu.memory_space<vmem>>) dst(%dma_wait3A_257 : memref<32x8x128xf32, #tpu.memory_space<hbm>>)
        %add3A_258 = arith.constant 2 : i32
        %add3A_259 = arith.addi %mul3A_42, %add3A_258 : i32
        %jit3A_260 = arith.constant 8 : i32
        %div3A_261 = arith.divsi %add3A_259, %jit3A_260 : i32
        %sign3A_262 = arith.constant 0 : i32
        %sign3A_263 = arith.cmpi sgt, %add3A_259, %sign3A_262 : i32
        %sign3A_264 = arith.extui %sign3A_263 : i1 to i32
        %sign3A_265 = arith.constant 0 : i32
        %sign3A_266 = arith.cmpi slt, %add3A_259, %sign3A_265 : i32
        %sign3A_267 = arith.extui %sign3A_266 : i1 to i32
        %sign3A_268 = arith.subi %sign3A_264, %sign3A_267 : i32
        %sign3A_269 = arith.constant 0 : i32
        %sign3A_270 = arith.cmpi sgt, %jit3A_260, %sign3A_269 : i32
        %sign3A_271 = arith.extui %sign3A_270 : i1 to i32
        %sign3A_272 = arith.constant 0 : i32
        %sign3A_273 = arith.cmpi slt, %jit3A_260, %sign3A_272 : i32
        %sign3A_274 = arith.extui %sign3A_273 : i1 to i32
        %sign3A_275 = arith.subi %sign3A_271, %sign3A_274 : i32
        %ne3A_276 = arith.cmpi ne, %sign3A_268, %sign3A_275 : i32
        %rem3A_277 = arith.remsi %add3A_259, %jit3A_260 : i32
        %ne3A_278 = arith.constant 0 : i32
        %ne3A_279 = arith.cmpi ne, %rem3A_277, %ne3A_278 : i32
        %and3A_280 = arith.andi %ne3A_276, %ne3A_279 : i1
        %sub3A_281 = arith.constant 1 : i32
        %sub3A_282 = arith.subi %div3A_261, %sub3A_281 : i32
        %select_n3A_283 = arith.select %and3A_280, %sub3A_282, %div3A_261 : i32
        %jit3A_284 = arith.constant 8 : i32
        %eq3A_285 = arith.constant 0 : i32
        %eq3A_286 = arith.cmpi eq, %jit3A_284, %eq3A_285 : i32
        %jit3A_287 = arith.constant 1 : i32
        %select_n3A_288 = arith.select %eq3A_286, %jit3A_287, %jit3A_284 : i32
        %rem3A_289 = arith.remsi %add3A_259, %select_n3A_288 : i32
        %ne3A_290 = arith.constant 0 : i32
        %ne3A_291 = arith.cmpi ne, %rem3A_289, %ne3A_290 : i32
        %lt3A_292 = arith.constant 0 : i32
        %lt3A_293 = arith.cmpi slt, %rem3A_289, %lt3A_292 : i32
        %lt3A_294 = arith.constant 0 : i32
        %lt3A_295 = arith.cmpi slt, %select_n3A_288, %lt3A_294 : i32
        %ne3A_296 = arith.xori %lt3A_293, %lt3A_295 : i1
        %and3A_297 = arith.andi %ne3A_296, %ne3A_291 : i1
        %add3A_298 = arith.addi %rem3A_289, %select_n3A_288 : i32
        %select_n3A_299 = arith.select %and3A_297, %add3A_298, %rem3A_289 : i32
        %mul3A_300 = arith.constant 32 : i32
        %mul3A_301 = arith.muli %select_n3A_299, %mul3A_300 : i32
        %add3A_302 = arith.addi %mul3A_2, %mul3A_301 : i32
        %dma_start3A_303 = arith.constant 0 : i32
        %dma_start3A_304 = arith.constant 0 : i32
        %dma_start3A_305 = tpu.memref_slice %arg2[%select_n3A_283, %add3A_302, %dma_start3A_303, %dma_start3A_304] : memref<8x8192x8x128xf32, #tpu.memory_space<hbm>> -> memref<1x32x8x128xf32, #tpu.memory_space<hbm>>
        %dma_start3A_306 = tpu.memref_squeeze %dma_start3A_305 : memref<1x32x8x128xf32, #tpu.memory_space<hbm>> -> memref<32x8x128xf32, #tpu.memory_space<hbm>>
        %dma_start3A_307 = arith.constant 0 : i32
        %dma_start3A_308 = arith.constant 0 : i32
        %dma_start3A_309 = tpu.memref_slice %arg2[%select_n3A_283, %add3A_302, %dma_start3A_307, %dma_start3A_308] : memref<8x8192x8x128xf32, #tpu.memory_space<hbm>> -> memref<1x32x8x128xf32, #tpu.memory_space<hbm>>
        %dma_start3A_310 = tpu.memref_squeeze %dma_start3A_309 : memref<1x32x8x128xf32, #tpu.memory_space<hbm>> -> memref<32x8x128xf32, #tpu.memory_space<hbm>>
        tpu.enqueue_dma source(%dma_start3A_310 : memref<32x8x128xf32, #tpu.memory_space<hbm>>) target(%arg5 : memref<32x8x128xf32, #tpu.memory_space<vmem>>) target_semaphore(%arg8 : memref<!tpu.dma_semaphore, #tpu.memory_space<semaphore_mem>>)
      } else {
      }
      %add3A_187 = arith.constant 1 : i32
      %add3A_188 = arith.addi %select_n3A_51, %add3A_187 : i32
      %scan3A_189 = arith.constant 0 : i32
      %scan3A_190 = arith.constant 32 : i32
      %scan3A_191 = arith.addi %scan3A_189, %scan3A_190 : i32
      %scan3A_192 = arith.constant 1 : i32
      scf.for %scan3A_247 = %scan3A_189 to %scan3A_191 step %scan3A_192  : i32 {
        %mul3A_248 = arith.constant 32 : i32
        %mul3A_249 = arith.muli %add3A_188, %mul3A_248 : i32
        %add3A_250 = arith.addi %mul3A_249, %scan3A_247 : i32
        %mul3A_251 = arith.constant 128 : i32
        %mul3A_252 = arith.muli %add3A_250, %mul3A_251 : i32
        %add3A_253 = arith.constant 0 : i32
        %add3A_254 = arith.addi %mul3A_252, %add3A_253 : i32
        %get3A = arith.index_cast %add3A_254 : i32 to index
        %get3A_255 = tpu.vector_load %arg7[%get3A] {strides = array<i32>} : memref<32768xf32, #tpu.memory_space<vmem>>, vector<16xf32>,
        %get3A_256 = vector.shape_cast %get3A_255 : vector<16xf32> to vector<16xf32>
        %get3A_257 = arith.constant 0 : i32
        %get3A_258 = arith.index_cast %scan3A_247 : i32 to index
        %get3A_259 = arith.index_cast %get3A_257 : i32 to index
        %get3A_260 = arith.constant 0 : index
        %get3A_261 = tpu.vector_load %arg6[%get3A_258, %get3A_259, %get3A_260] {strides = array<i32>} : memref<32x8x128xf32, #tpu.memory_space<vmem>>, vector<1x1x16xf32>,
        %get3A_262 = vector.shape_cast %get3A_261 : vector<1x1x16xf32> to vector<16xf32>
        %mul3A_263 = arith.mulf %get3A_262, %get3A_256 : vector<16xf32>
        %swap3A = arith.constant 0 : i32
        %swap3A_264 = arith.index_cast %scan3A_247 : i32 to index
        %swap3A_265 = arith.index_cast %swap3A : i32 to index
        %swap3A_266 = arith.constant 0 : index
        %swap3A_267 = tpu.vector_load %arg6[%swap3A_264, %swap3A_265, %swap3A_266] {strides = array<i32>} : memref<32x8x128xf32, #tpu.memory_space<vmem>>, vector<1x1x16xf32>,
        %swap3A_268 = vector.shape_cast %swap3A_267 : vector<1x1x16xf32> to vector<16xf32>
        %swap3A_269 = vector.shape_cast %mul3A_263 : vector<16xf32> to vector<1x1x16xf32>
        tpu.vector_store %arg6[%swap3A_264, %swap3A_265, %swap3A_266], %swap3A_269 {strides = array<i32>} : memref<32x8x128xf32, #tpu.memory_space<vmem>>, vector<1x1x16xf32>,
        %get3A_270 = arith.constant 1 : i32
        %get3A_271 = arith.index_cast %scan3A_247 : i32 to index
        %get3A_272 = arith.index_cast %get3A_270 : i32 to index
        %get3A_273 = arith.constant 0 : index
        %get3A_274 = tpu.vector_load %arg6[%get3A_271, %get3A_272, %get3A_273] {strides = array<i32>} : memref<32x8x128xf32, #tpu.memory_space<vmem>>, vector<1x1x16xf32>,
        %get3A_275 = vector.shape_cast %get3A_274 : vector<1x1x16xf32> to vector<16xf32>
        %mul3A_276 = arith.mulf %get3A_275, %get3A_256 : vector<16xf32>
        %swap3A_277 = arith.constant 1 : i32
        %swap3A_278 = arith.index_cast %scan3A_247 : i32 to index
        %swap3A_279 = arith.index_cast %swap3A_277 : i32 to index
        %swap3A_280 = arith.constant 0 : index
        %swap3A_281 = tpu.vector_load %arg6[%swap3A_278, %swap3A_279, %swap3A_280] {strides = array<i32>} : memref<32x8x128xf32, #tpu.memory_space<vmem>>, vector<1x1x16xf32>,
        %swap3A_282 = vector.shape_cast %swap3A_281 : vector<1x1x16xf32> to vector<16xf32>
        %swap3A_283 = vector.shape_cast %mul3A_276 : vector<16xf32> to vector<1x1x16xf32>
        tpu.vector_store %arg6[%swap3A_278, %swap3A_279, %swap3A_280], %swap3A_283 {strides = array<i32>} : memref<32x8x128xf32, #tpu.memory_space<vmem>>, vector<1x1x16xf32>,
        %get3A_284 = arith.constant 2 : i32
        %get3A_285 = arith.index_cast %scan3A_247 : i32 to index
        %get3A_286 = arith.index_cast %get3A_284 : i32 to index
        %get3A_287 = arith.constant 0 : index
        %get3A_288 = tpu.vector_load %arg6[%get3A_285, %get3A_286, %get3A_287] {strides = array<i32>} : memref<32x8x128xf32, #tpu.memory_space<vmem>>, vector<1x1x16xf32>,
        %get3A_289 = vector.shape_cast %get3A_288 : vector<1x1x16xf32> to vector<16xf32>
        %mul3A_290 = arith.mulf %get3A_289, %get3A_256 : vector<16xf32>
        %swap3A_291 = arith.constant 2 : i32
        %swap3A_292 = arith.index_cast %scan3A_247 : i32 to index
        %swap3A_293 = arith.index_cast %swap3A_291 : i32 to index
        %swap3A_294 = arith.constant 0 : index
        %swap3A_295 = tpu.vector_load %arg6[%swap3A_292, %swap3A_293, %swap3A_294] {strides = array<i32>} : memref<32x8x128xf32, #tpu.memory_space<vmem>>, vector<1x1x16xf32>,
        %swap3A_296 = vector.shape_cast %swap3A_295 : vector<1x1x16xf32> to vector<16xf32>
        %swap3A_297 = vector.shape_cast %mul3A_290 : vector<16xf32> to vector<1x1x16xf32>
        tpu.vector_store %arg6[%swap3A_292, %swap3A_293, %swap3A_294], %swap3A_297 {strides = array<i32>} : memref<32x8x128xf32, #tpu.memory_space<vmem>>, vector<1x1x16xf32>,
        %get3A_298 = arith.constant 3 : i32
        %get3A_299 = arith.index_cast %scan3A_247 : i32 to index
        %get3A_300 = arith.index_cast %get3A_298 : i32 to index
        %get3A_301 = arith.constant 0 : index
        %get3A_302 = tpu.vector_load %arg6[%get3A_299, %get3A_300, %get3A_301] {strides = array<i32>} : memref<32x8x128xf32, #tpu.memory_space<vmem>>, vector<1x1x16xf32>,
        %get3A_303 = vector.shape_cast %get3A_302 : vector<1x1x16xf32> to vector<16xf32>
        %mul3A_304 = arith.mulf %get3A_303, %get3A_256 : vector<16xf32>
        %swap3A_305 = arith.constant 3 : i32
        %swap3A_306 = arith.index_cast %scan3A_247 : i32 to index
        %swap3A_307 = arith.index_cast %swap3A_305 : i32 to index
        %swap3A_308 = arith.constant 0 : index
        %swap3A_309 = tpu.vector_load %arg6[%swap3A_306, %swap3A_307, %swap3A_308] {strides = array<i32>} : memref<32x8x128xf32, #tpu.memory_space<vmem>>, vector<1x1x16xf32>,
        %swap3A_310 = vector.shape_cast %swap3A_309 : vector<1x1x16xf32> to vector<16xf32>
        %swap3A_311 = vector.shape_cast %mul3A_304 : vector<16xf32> to vector<1x1x16xf32>
        tpu.vector_store %arg6[%swap3A_306, %swap3A_307, %swap3A_308], %swap3A_311 {strides = array<i32>} : memref<32x8x128xf32, #tpu.memory_space<vmem>>, vector<1x1x16xf32>,
        %get3A_312 = arith.constant 4 : i32
        %get3A_313 = arith.index_cast %scan3A_247 : i32 to index
        %get3A_314 = arith.index_cast %get3A_312 : i32 to index
        %get3A_315 = arith.constant 0 : index
        %get3A_316 = tpu.vector_load %arg6[%get3A_313, %get3A_314, %get3A_315] {strides = array<i32>} : memref<32x8x128xf32, #tpu.memory_space<vmem>>, vector<1x1x16xf32>,
        %get3A_317 = vector.shape_cast %get3A_316 : vector<1x1x16xf32> to vector<16xf32>
        %mul3A_318 = arith.mulf %get3A_317, %get3A_256 : vector<16xf32>
        %swap3A_319 = arith.constant 4 : i32
        %swap3A_320 = arith.index_cast %scan3A_247 : i32 to index
        %swap3A_321 = arith.index_cast %swap3A_319 : i32 to index
        %swap3A_322 = arith.constant 0 : index
        %swap3A_323 = tpu.vector_load %arg6[%swap3A_320, %swap3A_321, %swap3A_322] {strides = array<i32>} : memref<32x8x128xf32, #tpu.memory_space<vmem>>, vector<1x1x16xf32>,
        %swap3A_324 = vector.shape_cast %swap3A_323 : vector<1x1x16xf32> to vector<16xf32>
        %swap3A_325 = vector.shape_cast %mul3A_318 : vector<16xf32> to vector<1x1x16xf32>
        tpu.vector_store %arg6[%swap3A_320, %swap3A_321, %swap3A_322], %swap3A_325 {strides = array<i32>} : memref<32x8x128xf32, #tpu.memory_space<vmem>>, vector<1x1x16xf32>,
        %get3A_326 = arith.constant 5 : i32
        %get3A_327 = arith.index_cast %scan3A_247 : i32 to index
        %get3A_328 = arith.index_cast %get3A_326 : i32 to index
        %get3A_329 = arith.constant 0 : index
        %get3A_330 = tpu.vector_load %arg6[%get3A_327, %get3A_328, %get3A_329] {strides = array<i32>} : memref<32x8x128xf32, #tpu.memory_space<vmem>>, vector<1x1x16xf32>,
        %get3A_331 = vector.shape_cast %get3A_330 : vector<1x1x16xf32> to vector<16xf32>
        %mul3A_332 = arith.mulf %get3A_331, %get3A_256 : vector<16xf32>
        %swap3A_333 = arith.constant 5 : i32
        %swap3A_334 = arith.index_cast %scan3A_247 : i32 to index
        %swap3A_335 = arith.index_cast %swap3A_333 : i32 to index
        %swap3A_336 = arith.constant 0 : index
        %swap3A_337 = tpu.vector_load %arg6[%swap3A_334, %swap3A_335, %swap3A_336] {strides = array<i32>} : memref<32x8x128xf32, #tpu.memory_space<vmem>>, vector<1x1x16xf32>,
        %swap3A_338 = vector.shape_cast %swap3A_337 : vector<1x1x16xf32> to vector<16xf32>
        %swap3A_339 = vector.shape_cast %mul3A_332 : vector<16xf32> to vector<1x1x16xf32>
        tpu.vector_store %arg6[%swap3A_334, %swap3A_335, %swap3A_336], %swap3A_339 {strides = array<i32>} : memref<32x8x128xf32, #tpu.memory_space<vmem>>, vector<1x1x16xf32>,
        %get3A_340 = arith.constant 6 : i32
        %get3A_341 = arith.index_cast %scan3A_247 : i32 to index
        %get3A_342 = arith.index_cast %get3A_340 : i32 to index
        %get3A_343 = arith.constant 0 : index
        %get3A_344 = tpu.vector_load %arg6[%get3A_341, %get3A_342, %get3A_343] {strides = array<i32>} : memref<32x8x128xf32, #tpu.memory_space<vmem>>, vector<1x1x16xf32>,
        %get3A_345 = vector.shape_cast %get3A_344 : vector<1x1x16xf32> to vector<16xf32>
        %mul3A_346 = arith.mulf %get3A_345, %get3A_256 : vector<16xf32>
        %swap3A_347 = arith.constant 6 : i32
        %swap3A_348 = arith.index_cast %scan3A_247 : i32 to index
        %swap3A_349 = arith.index_cast %swap3A_347 : i32 to index
        %swap3A_350 = arith.constant 0 : index
        %swap3A_351 = tpu.vector_load %arg6[%swap3A_348, %swap3A_349, %swap3A_350] {strides = array<i32>} : memref<32x8x128xf32, #tpu.memory_space<vmem>>, vector<1x1x16xf32>,
        %swap3A_352 = vector.shape_cast %swap3A_351 : vector<1x1x16xf32> to vector<16xf32>
        %swap3A_353 = vector.shape_cast %mul3A_346 : vector<16xf32> to vector<1x1x16xf32>
        tpu.vector_store %arg6[%swap3A_348, %swap3A_349, %swap3A_350], %swap3A_353 {strides = array<i32>} : memref<32x8x128xf32, #tpu.memory_space<vmem>>, vector<1x1x16xf32>,
        %get3A_354 = arith.constant 7 : i32
        %get3A_355 = arith.index_cast %scan3A_247 : i32 to index
        %get3A_356 = arith.index_cast %get3A_354 : i32 to index
        %get3A_357 = arith.constant 0 : index
        %get3A_358 = tpu.vector_load %arg6[%get3A_355, %get3A_356, %get3A_357] {strides = array<i32>} : memref<32x8x128xf32, #tpu.memory_space<vmem>>, vector<1x1x16xf32>,
        %get3A_359 = vector.shape_cast %get3A_358 : vector<1x1x16xf32> to vector<16xf32>
        %mul3A_360 = arith.mulf %get3A_359, %get3A_256 : vector<16xf32>
        %swap3A_361 = arith.constant 7 : i32
        %swap3A_362 = arith.index_cast %scan3A_247 : i32 to index
        %swap3A_363 = arith.index_cast %swap3A_361 : i32 to index
        %swap3A_364 = arith.constant 0 : index
        %swap3A_365 = tpu.vector_load %arg6[%swap3A_362, %swap3A_363, %swap3A_364] {strides = array<i32>} : memref<32x8x128xf32, #tpu.memory_space<vmem>>, vector<1x1x16xf32>,
        %swap3A_366 = vector.shape_cast %swap3A_365 : vector<1x1x16xf32> to vector<16xf32>
        %swap3A_367 = vector.shape_cast %mul3A_360 : vector<16xf32> to vector<1x1x16xf32>
        tpu.vector_store %arg6[%swap3A_362, %swap3A_363, %swap3A_364], %swap3A_367 {strides = array<i32>} : memref<32x8x128xf32, #tpu.memory_space<vmem>>, vector<1x1x16xf32>,
        %mul3A_368 = arith.constant 32 : i32
        %mul3A_369 = arith.muli %add3A_188, %mul3A_368 : i32
        %add3A_370 = arith.addi %mul3A_369, %scan3A_247 : i32
        %mul3A_371 = arith.constant 128 : i32
        %mul3A_372 = arith.muli %add3A_370, %mul3A_371 : i32
        %add3A_373 = arith.constant 16 : i32
        %add3A_374 = arith.addi %mul3A_372, %add3A_373 : i32
        %get3A_375 = arith.index_cast %add3A_374 : i32 to index
        %get3A_376 = tpu.vector_load %arg7[%get3A_375] {strides = array<i32>} : memref<32768xf32, #tpu.memory_space<vmem>>, vector<16xf32>,
        %get3A_377 = vector.shape_cast %get3A_376 : vector<16xf32> to vector<16xf32>
        %get3A_378 = arith.constant 0 : i32
        %get3A_379 = arith.index_cast %scan3A_247 : i32 to index
        %get3A_380 = arith.index_cast %get3A_378 : i32 to index
        %get3A_381 = arith.constant 16 : index
        %get3A_382 = tpu.vector_load %arg6[%get3A_379, %get3A_380, %get3A_381] {strides = array<i32>} : memref<32x8x128xf32, #tpu.memory_space<vmem>>, vector<1x1x16xf32>,
        %get3A_383 = vector.shape_cast %get3A_382 : vector<1x1x16xf32> to vector<16xf32>
        %mul3A_384 = arith.mulf %get3A_383, %get3A_377 : vector<16xf32>
        %swap3A_385 = arith.constant 0 : i32
        %swap3A_386 = arith.index_cast %scan3A_247 : i32 to index
        %swap3A_387 = arith.index_cast %swap3A_385 : i32 to index
        %swap3A_388 = arith.constant 16 : index
        %swap3A_389 = tpu.vector_load %arg6[%swap3A_386, %swap3A_387, %swap3A_388] {strides = array<i32>} : memref<32x8x128xf32, #tpu.memory_space<vmem>>, vector<1x1x16xf32>,
        %swap3A_390 = vector.shape_cast %swap3A_389 : vector<1x1x16xf32> to vector<16xf32>
        %swap3A_391 = vector.shape_cast %mul3A_384 : vector<16xf32> to vector<1x1x16xf32>
        tpu.vector_store %arg6[%swap3A_386, %swap3A_387, %swap3A_388], %swap3A_391 {strides = array<i32>} : memref<32x8x128xf32, #tpu.memory_space<vmem>>, vector<1x1x16xf32>,
        %get3A_392 = arith.constant 1 : i32
        %get3A_393 = arith.index_cast %scan3A_247 : i32 to index
        %get3A_394 = arith.index_cast %get3A_392 : i32 to index
        %get3A_395 = arith.constant 16 : index
        %get3A_396 = tpu.vector_load %arg6[%get3A_393, %get3A_394, %get3A_395] {strides = array<i32>} : memref<32x8x128xf32, #tpu.memory_space<vmem>>, vector<1x1x16xf32>,
        %get3A_397 = vector.shape_cast %get3A_396 : vector<1x1x16xf32> to vector<16xf32>
        %mul3A_398 = arith.mulf %get3A_397, %get3A_377 : vector<16xf32>
        %swap3A_399 = arith.constant 1 : i32
        %swap3A_400 = arith.index_cast %scan3A_247 : i32 to index
        %swap3A_401 = arith.index_cast %swap3A_399 : i32 to index
        %swap3A_402 = arith.constant 16 : index
        %swap3A_403 = tpu.vector_load %arg6[%swap3A_400, %swap3A_401, %swap3A_402] {strides = array<i32>} : memref<32x8x128xf32, #tpu.memory_space<vmem>>, vector<1x1x16xf32>,
        %swap3A_404 = vector.shape_cast %swap3A_403 : vector<1x1x16xf32> to vector<16xf32>
        %swap3A_405 = vector.shape_cast %mul3A_398 : vector<16xf32> to vector<1x1x16xf32>
        tpu.vector_store %arg6[%swap3A_400, %swap3A_401, %swap3A_402], %swap3A_405 {strides = array<i32>} : memref<32x8x128xf32, #tpu.memory_space<vmem>>, vector<1x1x16xf32>,
        %get3A_406 = arith.constant 2 : i32
        %get3A_407 = arith.index_cast %scan3A_247 : i32 to index
        %get3A_408 = arith.index_cast %get3A_406 : i32 to index
        %get3A_409 = arith.constant 16 : index
        %get3A_410 = tpu.vector_load %arg6[%get3A_407, %get3A_408, %get3A_409] {strides = array<i32>} : memref<32x8x128xf32, #tpu.memory_space<vmem>>, vector<1x1x16xf32>,
        %get3A_411 = vector.shape_cast %get3A_410 : vector<1x1x16xf32> to vector<16xf32>
        %mul3A_412 = arith.mulf %get3A_411, %get3A_377 : vector<16xf32>
        %swap3A_413 = arith.constant 2 : i32
        %swap3A_414 = arith.index_cast %scan3A_247 : i32 to index
        %swap3A_415 = arith.index_cast %swap3A_413 : i32 to index
        %swap3A_416 = arith.constant 16 : index
        %swap3A_417 = tpu.vector_load %arg6[%swap3A_414, %swap3A_415, %swap3A_416] {strides = array<i32>} : memref<32x8x128xf32, #tpu.memory_space<vmem>>, vector<1x1x16xf32>,
        %swap3A_418 = vector.shape_cast %swap3A_417 : vector<1x1x16xf32> to vector<16xf32>
        %swap3A_419 = vector.shape_cast %mul3A_412 : vector<16xf32> to vector<1x1x16xf32>
        tpu.vector_store %arg6[%swap3A_414, %swap3A_415, %swap3A_416], %swap3A_419 {strides = array<i32>} : memref<32x8x128xf32, #tpu.memory_space<vmem>>, vector<1x1x16xf32>,
        %get3A_420 = arith.constant 3 : i32
        %get3A_421 = arith.index_cast %scan3A_247 : i32 to index
        %get3A_422 = arith.index_cast %get3A_420 : i32 to index
        %get3A_423 = arith.constant 16 : index
        %get3A_424 = tpu.vector_load %arg6[%get3A_421, %get3A_422, %get3A_423] {strides = array<i32>} : memref<32x8x128xf32, #tpu.memory_space<vmem>>, vector<1x1x16xf32>,
        %get3A_425 = vector.shape_cast %get3A_424 : vector<1x1x16xf32> to vector<16xf32>
        %mul3A_426 = arith.mulf %get3A_425, %get3A_377 : vector<16xf32>
        %swap3A_427 = arith.constant 3 : i32
        %swap3A_428 = arith.index_cast %scan3A_247 : i32 to index
        %swap3A_429 = arith.index_cast %swap3A_427 : i32 to index
        %swap3A_430 = arith.constant 16 : index
        %swap3A_431 = tpu.vector_load %arg6[%swap3A_428, %swap3A_429, %swap3A_430] {strides = array<i32>} : memref<32x8x128xf32, #tpu.memory_space<vmem>>, vector<1x1x16xf32>,
        %swap3A_432 = vector.shape_cast %swap3A_431 : vector<1x1x16xf32> to vector<16xf32>
        %swap3A_433 = vector.shape_cast %mul3A_426 : vector<16xf32> to vector<1x1x16xf32>
        tpu.vector_store %arg6[%swap3A_428, %swap3A_429, %swap3A_430], %swap3A_433 {strides = array<i32>} : memref<32x8x128xf32, #tpu.memory_space<vmem>>, vector<1x1x16xf32>,
        %get3A_434 = arith.constant 4 : i32
        %get3A_435 = arith.index_cast %scan3A_247 : i32 to index
        %get3A_436 = arith.index_cast %get3A_434 : i32 to index
        %get3A_437 = arith.constant 16 : index
        %get3A_438 = tpu.vector_load %arg6[%get3A_435, %get3A_436, %get3A_437] {strides = array<i32>} : memref<32x8x128xf32, #tpu.memory_space<vmem>>, vector<1x1x16xf32>,
        %get3A_439 = vector.shape_cast %get3A_438 : vector<1x1x16xf32> to vector<16xf32>
        %mul3A_440 = arith.mulf %get3A_439, %get3A_377 : vector<16xf32>
        %swap3A_441 = arith.constant 4 : i32
        %swap3A_442 = arith.index_cast %scan3A_247 : i32 to index
        %swap3A_443 = arith.index_cast %swap3A_441 : i32 to index
        %swap3A_444 = arith.constant 16 : index
        %swap3A_445 = tpu.vector_load %arg6[%swap3A_442, %swap3A_443, %swap3A_444] {strides = array<i32>} : memref<32x8x128xf32, #tpu.memory_space<vmem>>, vector<1x1x16xf32>,
        %swap3A_446 = vector.shape_cast %swap3A_445 : vector<1x1x16xf32> to vector<16xf32>
        %swap3A_447 = vector.shape_cast %mul3A_440 : vector<16xf32> to vector<1x1x16xf32>
        tpu.vector_store %arg6[%swap3A_442, %swap3A_443, %swap3A_444], %swap3A_447 {strides = array<i32>} : memref<32x8x128xf32, #tpu.memory_space<vmem>>, vector<1x1x16xf32>,
        %get3A_448 = arith.constant 5 : i32
        %get3A_449 = arith.index_cast %scan3A_247 : i32 to index
        %get3A_450 = arith.index_cast %get3A_448 : i32 to index
        %get3A_451 = arith.constant 16 : index
        %get3A_452 = tpu.vector_load %arg6[%get3A_449, %get3A_450, %get3A_451] {strides = array<i32>} : memref<32x8x128xf32, #tpu.memory_space<vmem>>, vector<1x1x16xf32>,
        %get3A_453 = vector.shape_cast %get3A_452 : vector<1x1x16xf32> to vector<16xf32>
        %mul3A_454 = arith.mulf %get3A_453, %get3A_377 : vector<16xf32>
        %swap3A_455 = arith.constant 5 : i32
        %swap3A_456 = arith.index_cast %scan3A_247 : i32 to index
        %swap3A_457 = arith.index_cast %swap3A_455 : i32 to index
        %swap3A_458 = arith.constant 16 : index
        %swap3A_459 = tpu.vector_load %arg6[%swap3A_456, %swap3A_457, %swap3A_458] {strides = array<i32>} : memref<32x8x128xf32, #tpu.memory_space<vmem>>, vector<1x1x16xf32>,
        %swap3A_460 = vector.shape_cast %swap3A_459 : vector<1x1x16xf32> to vector<16xf32>
        %swap3A_461 = vector.shape_cast %mul3A_454 : vector<16xf32> to vector<1x1x16xf32>
        tpu.vector_store %arg6[%swap3A_456, %swap3A_457, %swap3A_458], %swap3A_461 {strides = array<i32>} : memref<32x8x128xf32, #tpu.memory_space<vmem>>, vector<1x1x16xf32>,
        %get3A_462 = arith.constant 6 : i32
        %get3A_463 = arith.index_cast %scan3A_247 : i32 to index
        %get3A_464 = arith.index_cast %get3A_462 : i32 to index
        %get3A_465 = arith.constant 16 : index
        %get3A_466 = tpu.vector_load %arg6[%get3A_463, %get3A_464, %get3A_465] {strides = array<i32>} : memref<32x8x128xf32, #tpu.memory_space<vmem>>, vector<1x1x16xf32>,
        %get3A_467 = vector.shape_cast %get3A_466 : vector<1x1x16xf32> to vector<16xf32>
        %mul3A_468 = arith.mulf %get3A_467, %get3A_377 : vector<16xf32>
        %swap3A_469 = arith.constant 6 : i32
        %swap3A_470 = arith.index_cast %scan3A_247 : i32 to index
        %swap3A_471 = arith.index_cast %swap3A_469 : i32 to index
        %swap3A_472 = arith.constant 16 : index
        %swap3A_473 = tpu.vector_load %arg6[%swap3A_470, %swap3A_471, %swap3A_472] {strides = array<i32>} : memref<32x8x128xf32, #tpu.memory_space<vmem>>, vector<1x1x16xf32>,
        %swap3A_474 = vector.shape_cast %swap3A_473 : vector<1x1x16xf32> to vector<16xf32>
        %swap3A_475 = vector.shape_cast %mul3A_468 : vector<16xf32> to vector<1x1x16xf32>
        tpu.vector_store %arg6[%swap3A_470, %swap3A_471, %swap3A_472], %swap3A_475 {strides = array<i32>} : memref<32x8x128xf32, #tpu.memory_space<vmem>>, vector<1x1x16xf32>,
        %get3A_476 = arith.constant 7 : i32
        %get3A_477 = arith.index_cast %scan3A_247 : i32 to index
        %get3A_478 = arith.index_cast %get3A_476 : i32 to index
        %get3A_479 = arith.constant 16 : index
        %get3A_480 = tpu.vector_load %arg6[%get3A_477, %get3A_478, %get3A_479] {strides = array<i32>} : memref<32x8x128xf32, #tpu.memory_space<vmem>>, vector<1x1x16xf32>,
        %get3A_481 = vector.shape_cast %get3A_480 : vector<1x1x16xf32> to vector<16xf32>
        %mul3A_482 = arith.mulf %get3A_481, %get3A_377 : vector<16xf32>
        %swap3A_483 = arith.constant 7 : i32
        %swap3A_484 = arith.index_cast %scan3A_247 : i32 to index
        %swap3A_485 = arith.index_cast %swap3A_483 : i32 to index
        %swap3A_486 = arith.constant 16 : index
        %swap3A_487 = tpu.vector_load %arg6[%swap3A_484, %swap3A_485, %swap3A_486] {strides = array<i32>} : memref<32x8x128xf32, #tpu.memory_space<vmem>>, vector<1x1x16xf32>,
        %swap3A_488 = vector.shape_cast %swap3A_487 : vector<1x1x16xf32> to vector<16xf32>
        %swap3A_489 = vector.shape_cast %mul3A_482 : vector<16xf32> to vector<1x1x16xf32>
        tpu.vector_store %arg6[%swap3A_484, %swap3A_485, %swap3A_486], %swap3A_489 {strides = array<i32>} : memref<32x8x128xf32, #tpu.memory_space<vmem>>, vector<1x1x16xf32>,
        %mul3A_490 = arith.constant 32 : i32
        %mul3A_491 = arith.muli %add3A_188, %mul3A_490 : i32
        %add3A_492 = arith.addi %mul3A_491, %scan3A_247 : i32
        %mul3A_493 = arith.constant 128 : i32
        %mul3A_494 = arith.muli %add3A_492, %mul3A_493 : i32
        %add3A_495 = arith.constant 32 : i32
        %add3A_496 = arith.addi %mul3A_494, %add3A_495 : i32
        %get3A_497 = arith.index_cast %add3A_496 : i32 to index
        %get3A_498 = tpu.vector_load %arg7[%get3A_497] {strides = array<i32>} : memref<32768xf32, #tpu.memory_space<vmem>>, vector<16xf32>,
        %get3A_499 = vector.shape_cast %get3A_498 : vector<16xf32> to vector<16xf32>
        %get3A_500 = arith.constant 0 : i32
        %get3A_501 = arith.index_cast %scan3A_247 : i32 to index
        %get3A_502 = arith.index_cast %get3A_500 : i32 to index
        %get3A_503 = arith.constant 32 : index
        %get3A_504 = tpu.vector_load %arg6[%get3A_501, %get3A_502, %get3A_503] {strides = array<i32>} : memref<32x8x128xf32, #tpu.memory_space<vmem>>, vector<1x1x16xf32>,
        %get3A_505 = vector.shape_cast %get3A_504 : vector<1x1x16xf32> to vector<16xf32>
        %mul3A_506 = arith.mulf %get3A_505, %get3A_499 : vector<16xf32>
        %swap3A_507 = arith.constant 0 : i32
        %swap3A_508 = arith.index_cast %scan3A_247 : i32 to index
        %swap3A_509 = arith.index_cast %swap3A_507 : i32 to index
        %swap3A_510 = arith.constant 32 : index
        %swap3A_511 = tpu.vector_load %arg6[%swap3A_508, %swap3A_509, %swap3A_510] {strides = array<i32>} : memref<32x8x128xf32, #tpu.memory_space<vmem>>, vector<1x1x16xf32>,
        %swap3A_512 = vector.shape_cast %swap3A_511 : vector<1x1x16xf32> to vector<16xf32>
        %swap3A_513 = vector.shape_cast %mul3A_506 : vector<16xf32> to vector<1x1x16xf32>
        tpu.vector_store %arg6[%swap3A_508, %swap3A_509, %swap3A_510], %swap3A_513 {strides = array<i32>} : memref<32x8x128xf32, #tpu.memory_space<vmem>>, vector<1x1x16xf32>,
        %get3A_514 = arith.constant 1 : i32
        %get3A_515 = arith.index_cast %scan3A_247 : i32 to index
        %get3A_516 = arith.index_cast %get3A_514 : i32 to index
        %get3A_517 = arith.constant 32 : index
        %get3A_518 = tpu.vector_load %arg6[%get3A_515, %get3A_516, %get3A_517] {strides = array<i32>} : memref<32x8x128xf32, #tpu.memory_space<vmem>>, vector<1x1x16xf32>,
        %get3A_519 = vector.shape_cast %get3A_518 : vector<1x1x16xf32> to vector<16xf32>
        %mul3A_520 = arith.mulf %get3A_519, %get3A_499 : vector<16xf32>
        %swap3A_521 = arith.constant 1 : i32
        %swap3A_522 = arith.index_cast %scan3A_247 : i32 to index
        %swap3A_523 = arith.index_cast %swap3A_521 : i32 to index
        %swap3A_524 = arith.constant 32 : index
        %swap3A_525 = tpu.vector_load %arg6[%swap3A_522, %swap3A_523, %swap3A_524] {strides = array<i32>} : memref<32x8x128xf32, #tpu.memory_space<vmem>>, vector<1x1x16xf32>,
        %swap3A_526 = vector.shape_cast %swap3A_525 : vector<1x1x16xf32> to vector<16xf32>
        %swap3A_527 = vector.shape_cast %mul3A_520 : vector<16xf32> to vector<1x1x16xf32>
        tpu.vector_store %arg6[%swap3A_522, %swap3A_523, %swap3A_524], %swap3A_527 {strides = array<i32>} : memref<32x8x128xf32, #tpu.memory_space<vmem>>, vector<1x1x16xf32>,
        %get3A_528 = arith.constant 2 : i32
        %get3A_529 = arith.index_cast %scan3A_247 : i32 to index
        %get3A_530 = arith.index_cast %get3A_528 : i32 to index
        %get3A_531 = arith.constant 32 : index
        %get3A_532 = tpu.vector_load %arg6[%get3A_529, %get3A_530, %get3A_531] {strides = array<i32>} : memref<32x8x128xf32, #tpu.memory_space<vmem>>, vector<1x1x16xf32>,
        %get3A_533 = vector.shape_cast %get3A_532 : vector<1x1x16xf32> to vector<16xf32>
        %mul3A_534 = arith.mulf %get3A_533, %get3A_499 : vector<16xf32>
        %swap3A_535 = arith.constant 2 : i32
        %swap3A_536 = arith.index_cast %scan3A_247 : i32 to index
        %swap3A_537 = arith.index_cast %swap3A_535 : i32 to index
        %swap3A_538 = arith.constant 32 : index
        %swap3A_539 = tpu.vector_load %arg6[%swap3A_536, %swap3A_537, %swap3A_538] {strides = array<i32>} : memref<32x8x128xf32, #tpu.memory_space<vmem>>, vector<1x1x16xf32>,
        %swap3A_540 = vector.shape_cast %swap3A_539 : vector<1x1x16xf32> to vector<16xf32>
        %swap3A_541 = vector.shape_cast %mul3A_534 : vector<16xf32> to vector<1x1x16xf32>
        tpu.vector_store %arg6[%swap3A_536, %swap3A_537, %swap3A_538], %swap3A_541 {strides = array<i32>} : memref<32x8x128xf32, #tpu.memory_space<vmem>>, vector<1x1x16xf32>,
        %get3A_542 = arith.constant 3 : i32
        %get3A_543 = arith.index_cast %scan3A_247 : i32 to index
        %get3A_544 = arith.index_cast %get3A_542 : i32 to index
        %get3A_545 = arith.constant 32 : index
        %get3A_546 = tpu.vector_load %arg6[%get3A_543, %get3A_544, %get3A_545] {strides = array<i32>} : memref<32x8x128xf32, #tpu.memory_space<vmem>>, vector<1x1x16xf32>,
        %get3A_547 = vector.shape_cast %get3A_546 : vector<1x1x16xf32> to vector<16xf32>
        %mul3A_548 = arith.mulf %get3A_547, %get3A_499 : vector<16xf32>
        %swap3A_549 = arith.constant 3 : i32
        %swap3A_550 = arith.index_cast %scan3A_247 : i32 to index
        %swap3A_551 = arith.index_cast %swap3A_549 : i32 to index
        %swap3A_552 = arith.constant 32 : index
        %swap3A_553 = tpu.vector_load %arg6[%swap3A_550, %swap3A_551, %swap3A_552] {strides = array<i32>} : memref<32x8x128xf32, #tpu.memory_space<vmem>>, vector<1x1x16xf32>,
        %swap3A_554 = vector.shape_cast %swap3A_553 : vector<1x1x16xf32> to vector<16xf32>
        %swap3A_555 = vector.shape_cast %mul3A_548 : vector<16xf32> to vector<1x1x16xf32>
        tpu.vector_store %arg6[%swap3A_550, %swap3A_551, %swap3A_552], %swap3A_555 {strides = array<i32>} : memref<32x8x128xf32, #tpu.memory_space<vmem>>, vector<1x1x16xf32>,
        %get3A_556 = arith.constant 4 : i32
        %get3A_557 = arith.index_cast %scan3A_247 : i32 to index
        %get3A_558 = arith.index_cast %get3A_556 : i32 to index
        %get3A_559 = arith.constant 32 : index
        %get3A_560 = tpu.vector_load %arg6[%get3A_557, %get3A_558, %get3A_559] {strides = array<i32>} : memref<32x8x128xf32, #tpu.memory_space<vmem>>, vector<1x1x16xf32>,
        %get3A_561 = vector.shape_cast %get3A_560 : vector<1x1x16xf32> to vector<16xf32>
        %mul3A_562 = arith.mulf %get3A_561, %get3A_499 : vector<16xf32>
        %swap3A_563 = arith.constant 4 : i32
        %swap3A_564 = arith.index_cast %scan3A_247 : i32 to index
        %swap3A_565 = arith.index_cast %swap3A_563 : i32 to index
        %swap3A_566 = arith.constant 32 : index
        %swap3A_567 = tpu.vector_load %arg6[%swap3A_564, %swap3A_565, %swap3A_566] {strides = array<i32>} : memref<32x8x128xf32, #tpu.memory_space<vmem>>, vector<1x1x16xf32>,
        %swap3A_568 = vector.shape_cast %swap3A_567 : vector<1x1x16xf32> to vector<16xf32>
        %swap3A_569 = vector.shape_cast %mul3A_562 : vector<16xf32> to vector<1x1x16xf32>
        tpu.vector_store %arg6[%swap3A_564, %swap3A_565, %swap3A_566], %swap3A_569 {strides = array<i32>} : memref<32x8x128xf32, #tpu.memory_space<vmem>>, vector<1x1x16xf32>,
        %get3A_570 = arith.constant 5 : i32
        %get3A_571 = arith.index_cast %scan3A_247 : i32 to index
        %get3A_572 = arith.index_cast %get3A_570 : i32 to index
        %get3A_573 = arith.constant 32 : index
        %get3A_574 = tpu.vector_load %arg6[%get3A_571, %get3A_572, %get3A_573] {strides = array<i32>} : memref<32x8x128xf32, #tpu.memory_space<vmem>>, vector<1x1x16xf32>,
        %get3A_575 = vector.shape_cast %get3A_574 : vector<1x1x16xf32> to vector<16xf32>
        %mul3A_576 = arith.mulf %get3A_575, %get3A_499 : vector<16xf32>
        %swap3A_577 = arith.constant 5 : i32
        %swap3A_578 = arith.index_cast %scan3A_247 : i32 to index
        %swap3A_579 = arith.index_cast %swap3A_577 : i32 to index
        %swap3A_580 = arith.constant 32 : index
        %swap3A_581 = tpu.vector_load %arg6[%swap3A_578, %swap3A_579, %swap3A_580] {strides = array<i32>} : memref<32x8x128xf32, #tpu.memory_space<vmem>>, vector<1x1x16xf32>,
        %swap3A_582 = vector.shape_cast %swap3A_581 : vector<1x1x16xf32> to vector<16xf32>
        %swap3A_583 = vector.shape_cast %mul3A_576 : vector<16xf32> to vector<1x1x16xf32>
        tpu.vector_store %arg6[%swap3A_578, %swap3A_579, %swap3A_580], %swap3A_583 {strides = array<i32>} : memref<32x8x128xf32, #tpu.memory_space<vmem>>, vector<1x1x16xf32>,
        %get3A_584 = arith.constant 6 : i32
        %get3A_585 = arith.index_cast %scan3A_247 : i32 to index
        %get3A_586 = arith.index_cast %get3A_584 : i32 to index
        %get3A_587 = arith.constant 32 : index
        %get3A_588 = tpu.vector_load %arg6[%get3A_585, %get3A_586, %get3A_587] {strides = array<i32>} : memref<32x8x128xf32, #tpu.memory_space<vmem>>, vector<1x1x16xf32>,
        %get3A_589 = vector.shape_cast %get3A_588 : vector<1x1x16xf32> to vector<16xf32>
        %mul3A_590 = arith.mulf %get3A_589, %get3A_499 : vector<16xf32>
        %swap3A_591 = arith.constant 6 : i32
        %swap3A_592 = arith.index_cast %scan3A_247 : i32 to index
        %swap3A_593 = arith.index_cast %swap3A_591 : i32 to index
        %swap3A_594 = arith.constant 32 : index
        %swap3A_595 = tpu.vector_load %arg6[%swap3A_592, %swap3A_593, %swap3A_594] {strides = array<i32>} : memref<32x8x128xf32, #tpu.memory_space<vmem>>, vector<1x1x16xf32>,
        %swap3A_596 = vector.shape_cast %swap3A_595 : vector<1x1x16xf32> to vector<16xf32>
        %swap3A_597 = vector.shape_cast %mul3A_590 : vector<16xf32> to vector<1x1x16xf32>
        tpu.vector_store %arg6[%swap3A_592, %swap3A_593, %swap3A_594], %swap3A_597 {strides = array<i32>} : memref<32x8x128xf32, #tpu.memory_space<vmem>>, vector<1x1x16xf32>,
        %get3A_598 = arith.constant 7 : i32
        %get3A_599 = arith.index_cast %scan3A_247 : i32 to index
        %get3A_600 = arith.index_cast %get3A_598 : i32 to index
        %get3A_601 = arith.constant 32 : index
        %get3A_602 = tpu.vector_load %arg6[%get3A_599, %get3A_600, %get3A_601] {strides = array<i32>} : memref<32x8x128xf32, #tpu.memory_space<vmem>>, vector<1x1x16xf32>,
        %get3A_603 = vector.shape_cast %get3A_602 : vector<1x1x16xf32> to vector<16xf32>
        %mul3A_604 = arith.mulf %get3A_603, %get3A_499 : vector<16xf32>
        %swap3A_605 = arith.constant 7 : i32
        %swap3A_606 = arith.index_cast %scan3A_247 : i32 to index
        %swap3A_607 = arith.index_cast %swap3A_605 : i32 to index
        %swap3A_608 = arith.constant 32 : index
        %swap3A_609 = tpu.vector_load %arg6[%swap3A_606, %swap3A_607, %swap3A_608] {strides = array<i32>} : memref<32x8x128xf32, #tpu.memory_space<vmem>>, vector<1x1x16xf32>,
        %swap3A_610 = vector.shape_cast %swap3A_609 : vector<1x1x16xf32> to vector<16xf32>
        %swap3A_611 = vector.shape_cast %mul3A_604 : vector<16xf32> to vector<1x1x16xf32>
        tpu.vector_store %arg6[%swap3A_606, %swap3A_607, %swap3A_608], %swap3A_611 {strides = array<i32>} : memref<32x8x128xf32, #tpu.memory_space<vmem>>, vector<1x1x16xf32>,
        %mul3A_612 = arith.constant 32 : i32
        %mul3A_613 = arith.muli %add3A_188, %mul3A_612 : i32
        %add3A_614 = arith.addi %mul3A_613, %scan3A_247 : i32
        %mul3A_615 = arith.constant 128 : i32
        %mul3A_616 = arith.muli %add3A_614, %mul3A_615 : i32
        %add3A_617 = arith.constant 48 : i32
        %add3A_618 = arith.addi %mul3A_616, %add3A_617 : i32
        %get3A_619 = arith.index_cast %add3A_618 : i32 to index
        %get3A_620 = tpu.vector_load %arg7[%get3A_619] {strides = array<i32>} : memref<32768xf32, #tpu.memory_space<vmem>>, vector<16xf32>,
        %get3A_621 = vector.shape_cast %get3A_620 : vector<16xf32> to vector<16xf32>
        %get3A_622 = arith.constant 0 : i32
        %get3A_623 = arith.index_cast %scan3A_247 : i32 to index
        %get3A_624 = arith.index_cast %get3A_622 : i32 to index
        %get3A_625 = arith.constant 48 : index
        %get3A_626 = tpu.vector_load %arg6[%get3A_623, %get3A_624, %get3A_625] {strides = array<i32>} : memref<32x8x128xf32, #tpu.memory_space<vmem>>, vector<1x1x16xf32>,
        %get3A_627 = vector.shape_cast %get3A_626 : vector<1x1x16xf32> to vector<16xf32>
        %mul3A_628 = arith.mulf %get3A_627, %get3A_621 : vector<16xf32>
        %swap3A_629 = arith.constant 0 : i32
        %swap3A_630 = arith.index_cast %scan3A_247 : i32 to index
        %swap3A_631 = arith.index_cast %swap3A_629 : i32 to index
        %swap3A_632 = arith.constant 48 : index
        %swap3A_633 = tpu.vector_load %arg6[%swap3A_630, %swap3A_631, %swap3A_632] {strides = array<i32>} : memref<32x8x128xf32, #tpu.memory_space<vmem>>, vector<1x1x16xf32>,
        %swap3A_634 = vector.shape_cast %swap3A_633 : vector<1x1x16xf32> to vector<16xf32>
        %swap3A_635 = vector.shape_cast %mul3A_628 : vector<16xf32> to vector<1x1x16xf32>
        tpu.vector_store %arg6[%swap3A_630, %swap3A_631, %swap3A_632], %swap3A_635 {strides = array<i32>} : memref<32x8x128xf32, #tpu.memory_space<vmem>>, vector<1x1x16xf32>,
        %get3A_636 = arith.constant 1 : i32
        %get3A_637 = arith.index_cast %scan3A_247 : i32 to index
        %get3A_638 = arith.index_cast %get3A_636 : i32 to index
        %get3A_639 = arith.constant 48 : index
        %get3A_640 = tpu.vector_load %arg6[%get3A_637, %get3A_638, %get3A_639] {strides = array<i32>} : memref<32x8x128xf32, #tpu.memory_space<vmem>>, vector<1x1x16xf32>,
        %get3A_641 = vector.shape_cast %get3A_640 : vector<1x1x16xf32> to vector<16xf32>
        %mul3A_642 = arith.mulf %get3A_641, %get3A_621 : vector<16xf32>
        %swap3A_643 = arith.constant 1 : i32
        %swap3A_644 = arith.index_cast %scan3A_247 : i32 to index
        %swap3A_645 = arith.index_cast %swap3A_643 : i32 to index
        %swap3A_646 = arith.constant 48 : index
        %swap3A_647 = tpu.vector_load %arg6[%swap3A_644, %swap3A_645, %swap3A_646] {strides = array<i32>} : memref<32x8x128xf32, #tpu.memory_space<vmem>>, vector<1x1x16xf32>,
        %swap3A_648 = vector.shape_cast %swap3A_647 : vector<1x1x16xf32> to vector<16xf32>
        %swap3A_649 = vector.shape_cast %mul3A_642 : vector<16xf32> to vector<1x1x16xf32>
        tpu.vector_store %arg6[%swap3A_644, %swap3A_645, %swap3A_646], %swap3A_649 {strides = array<i32>} : memref<32x8x128xf32, #tpu.memory_space<vmem>>, vector<1x1x16xf32>,
        %get3A_650 = arith.constant 2 : i32
        %get3A_651 = arith.index_cast %scan3A_247 : i32 to index
        %get3A_652 = arith.index_cast %get3A_650 : i32 to index
        %get3A_653 = arith.constant 48 : index
        %get3A_654 = tpu.vector_load %arg6[%get3A_651, %get3A_652, %get3A_653] {strides = array<i32>} : memref<32x8x128xf32, #tpu.memory_space<vmem>>, vector<1x1x16xf32>,
        %get3A_655 = vector.shape_cast %get3A_654 : vector<1x1x16xf32> to vector<16xf32>
        %mul3A_656 = arith.mulf %get3A_655, %get3A_621 : vector<16xf32>
        %swap3A_657 = arith.constant 2 : i32
        %swap3A_658 = arith.index_cast %scan3A_247 : i32 to index
        %swap3A_659 = arith.index_cast %swap3A_657 : i32 to index
        %swap3A_660 = arith.constant 48 : index
        %swap3A_661 = tpu.vector_load %arg6[%swap3A_658, %swap3A_659, %swap3A_660] {strides = array<i32>} : memref<32x8x128xf32, #tpu.memory_space<vmem>>, vector<1x1x16xf32>,
        %swap3A_662 = vector.shape_cast %swap3A_661 : vector<1x1x16xf32> to vector<16xf32>
        %swap3A_663 = vector.shape_cast %mul3A_656 : vector<16xf32> to vector<1x1x16xf32>
        tpu.vector_store %arg6[%swap3A_658, %swap3A_659, %swap3A_660], %swap3A_663 {strides = array<i32>} : memref<32x8x128xf32, #tpu.memory_space<vmem>>, vector<1x1x16xf32>,
        %get3A_664 = arith.constant 3 : i32
        %get3A_665 = arith.index_cast %scan3A_247 : i32 to index
        %get3A_666 = arith.index_cast %get3A_664 : i32 to index
        %get3A_667 = arith.constant 48 : index
        %get3A_668 = tpu.vector_load %arg6[%get3A_665, %get3A_666, %get3A_667] {strides = array<i32>} : memref<32x8x128xf32, #tpu.memory_space<vmem>>, vector<1x1x16xf32>,
        %get3A_669 = vector.shape_cast %get3A_668 : vector<1x1x16xf32> to vector<16xf32>
        %mul3A_670 = arith.mulf %get3A_669, %get3A_621 : vector<16xf32>
        %swap3A_671 = arith.constant 3 : i32
        %swap3A_672 = arith.index_cast %scan3A_247 : i32 to index
        %swap3A_673 = arith.index_cast %swap3A_671 : i32 to index
        %swap3A_674 = arith.constant 48 : index
        %swap3A_675 = tpu.vector_load %arg6[%swap3A_672, %swap3A_673, %swap3A_674] {strides = array<i32>} : memref<32x8x128xf32, #tpu.memory_space<vmem>>, vector<1x1x16xf32>,
        %swap3A_676 = vector.shape_cast %swap3A_675 : vector<1x1x16xf32> to vector<16xf32>
        %swap3A_677 = vector.shape_cast %mul3A_670 : vector<16xf32> to vector<1x1x16xf32>
        tpu.vector_store %arg6[%swap3A_672, %swap3A_673, %swap3A_674], %swap3A_677 {strides = array<i32>} : memref<32x8x128xf32, #tpu.memory_space<vmem>>, vector<1x1x16xf32>,
        %get3A_678 = arith.constant 4 : i32
        %get3A_679 = arith.index_cast %scan3A_247 : i32 to index
        %get3A_680 = arith.index_cast %get3A_678 : i32 to index
        %get3A_681 = arith.constant 48 : index
        %get3A_682 = tpu.vector_load %arg6[%get3A_679, %get3A_680, %get3A_681] {strides = array<i32>} : memref<32x8x128xf32, #tpu.memory_space<vmem>>, vector<1x1x16xf32>,
        %get3A_683 = vector.shape_cast %get3A_682 : vector<1x1x16xf32> to vector<16xf32>
        %mul3A_684 = arith.mulf %get3A_683, %get3A_621 : vector<16xf32>
        %swap3A_685 = arith.constant 4 : i32
        %swap3A_686 = arith.index_cast %scan3A_247 : i32 to index
        %swap3A_687 = arith.index_cast %swap3A_685 : i32 to index
        %swap3A_688 = arith.constant 48 : index
        %swap3A_689 = tpu.vector_load %arg6[%swap3A_686, %swap3A_687, %swap3A_688] {strides = array<i32>} : memref<32x8x128xf32, #tpu.memory_space<vmem>>, vector<1x1x16xf32>,
        %swap3A_690 = vector.shape_cast %swap3A_689 : vector<1x1x16xf32> to vector<16xf32>
        %swap3A_691 = vector.shape_cast %mul3A_684 : vector<16xf32> to vector<1x1x16xf32>
        tpu.vector_store %arg6[%swap3A_686, %swap3A_687, %swap3A_688], %swap3A_691 {strides = array<i32>} : memref<32x8x128xf32, #tpu.memory_space<vmem>>, vector<1x1x16xf32>,
        %get3A_692 = arith.constant 5 : i32
        %get3A_693 = arith.index_cast %scan3A_247 : i32 to index
        %get3A_694 = arith.index_cast %get3A_692 : i32 to index
        %get3A_695 = arith.constant 48 : index
        %get3A_696 = tpu.vector_load %arg6[%get3A_693, %get3A_694, %get3A_695] {strides = array<i32>} : memref<32x8x128xf32, #tpu.memory_space<vmem>>, vector<1x1x16xf32>,
        %get3A_697 = vector.shape_cast %get3A_696 : vector<1x1x16xf32> to vector<16xf32>
        %mul3A_698 = arith.mulf %get3A_697, %get3A_621 : vector<16xf32>
        %swap3A_699 = arith.constant 5 : i32
        %swap3A_700 = arith.index_cast %scan3A_247 : i32 to index
        %swap3A_701 = arith.index_cast %swap3A_699 : i32 to index
        %swap3A_702 = arith.constant 48 : index
        %swap3A_703 = tpu.vector_load %arg6[%swap3A_700, %swap3A_701, %swap3A_702] {strides = array<i32>} : memref<32x8x128xf32, #tpu.memory_space<vmem>>, vector<1x1x16xf32>,
        %swap3A_704 = vector.shape_cast %swap3A_703 : vector<1x1x16xf32> to vector<16xf32>
        %swap3A_705 = vector.shape_cast %mul3A_698 : vector<16xf32> to vector<1x1x16xf32>
        tpu.vector_store %arg6[%swap3A_700, %swap3A_701, %swap3A_702], %swap3A_705 {strides = array<i32>} : memref<32x8x128xf32, #tpu.memory_space<vmem>>, vector<1x1x16xf32>,
        %get3A_706 = arith.constant 6 : i32
        %get3A_707 = arith.index_cast %scan3A_247 : i32 to index
        %get3A_708 = arith.index_cast %get3A_706 : i32 to index
        %get3A_709 = arith.constant 48 : index
        %get3A_710 = tpu.vector_load %arg6[%get3A_707, %get3A_708, %get3A_709] {strides = array<i32>} : memref<32x8x128xf32, #tpu.memory_space<vmem>>, vector<1x1x16xf32>,
        %get3A_711 = vector.shape_cast %get3A_710 : vector<1x1x16xf32> to vector<16xf32>
        %mul3A_712 = arith.mulf %get3A_711, %get3A_621 : vector<16xf32>
        %swap3A_713 = arith.constant 6 : i32
        %swap3A_714 = arith.index_cast %scan3A_247 : i32 to index
        %swap3A_715 = arith.index_cast %swap3A_713 : i32 to index
        %swap3A_716 = arith.constant 48 : index
        %swap3A_717 = tpu.vector_load %arg6[%swap3A_714, %swap3A_715, %swap3A_716] {strides = array<i32>} : memref<32x8x128xf32, #tpu.memory_space<vmem>>, vector<1x1x16xf32>,
        %swap3A_718 = vector.shape_cast %swap3A_717 : vector<1x1x16xf32> to vector<16xf32>
        %swap3A_719 = vector.shape_cast %mul3A_712 : vector<16xf32> to vector<1x1x16xf32>
        tpu.vector_store %arg6[%swap3A_714, %swap3A_715, %swap3A_716], %swap3A_719 {strides = array<i32>} : memref<32x8x128xf32, #tpu.memory_space<vmem>>, vector<1x1x16xf32>,
        %get3A_720 = arith.constant 7 : i32
        %get3A_721 = arith.index_cast %scan3A_247 : i32 to index
        %get3A_722 = arith.index_cast %get3A_720 : i32 to index
        %get3A_723 = arith.constant 48 : index
        %get3A_724 = tpu.vector_load %arg6[%get3A_721, %get3A_722, %get3A_723] {strides = array<i32>} : memref<32x8x128xf32, #tpu.memory_space<vmem>>, vector<1x1x16xf32>,
        %get3A_725 = vector.shape_cast %get3A_724 : vector<1x1x16xf32> to vector<16xf32>
        %mul3A_726 = arith.mulf %get3A_725, %get3A_621 : vector<16xf32>
        %swap3A_727 = arith.constant 7 : i32
        %swap3A_728 = arith.index_cast %scan3A_247 : i32 to index
        %swap3A_729 = arith.index_cast %swap3A_727 : i32 to index
        %swap3A_730 = arith.constant 48 : index
        %swap3A_731 = tpu.vector_load %arg6[%swap3A_728, %swap3A_729, %swap3A_730] {strides = array<i32>} : memref<32x8x128xf32, #tpu.memory_space<vmem>>, vector<1x1x16xf32>,
        %swap3A_732 = vector.shape_cast %swap3A_731 : vector<1x1x16xf32> to vector<16xf32>
        %swap3A_733 = vector.shape_cast %mul3A_726 : vector<16xf32> to vector<1x1x16xf32>
        tpu.vector_store %arg6[%swap3A_728, %swap3A_729, %swap3A_730], %swap3A_733 {strides = array<i32>} : memref<32x8x128xf32, #tpu.memory_space<vmem>>, vector<1x1x16xf32>,
        %mul3A_734 = arith.constant 32 : i32
        %mul3A_735 = arith.muli %add3A_188, %mul3A_734 : i32
        %add3A_736 = arith.addi %mul3A_735, %scan3A_247 : i32
        %mul3A_737 = arith.constant 128 : i32
        %mul3A_738 = arith.muli %add3A_736, %mul3A_737 : i32
        %add3A_739 = arith.constant 64 : i32
        %add3A_740 = arith.addi %mul3A_738, %add3A_739 : i32
        %get3A_741 = arith.index_cast %add3A_740 : i32 to index
        %get3A_742 = tpu.vector_load %arg7[%get3A_741] {strides = array<i32>} : memref<32768xf32, #tpu.memory_space<vmem>>, vector<16xf32>,
        %get3A_743 = vector.shape_cast %get3A_742 : vector<16xf32> to vector<16xf32>
        %get3A_744 = arith.constant 0 : i32
        %get3A_745 = arith.index_cast %scan3A_247 : i32 to index
        %get3A_746 = arith.index_cast %get3A_744 : i32 to index
        %get3A_747 = arith.constant 64 : index
        %get3A_748 = tpu.vector_load %arg6[%get3A_745, %get3A_746, %get3A_747] {strides = array<i32>} : memref<32x8x128xf32, #tpu.memory_space<vmem>>, vector<1x1x16xf32>,
        %get3A_749 = vector.shape_cast %get3A_748 : vector<1x1x16xf32> to vector<16xf32>
        %mul3A_750 = arith.mulf %get3A_749, %get3A_743 : vector<16xf32>
        %swap3A_751 = arith.constant 0 : i32
        %swap3A_752 = arith.index_cast %scan3A_247 : i32 to index
        %swap3A_753 = arith.index_cast %swap3A_751 : i32 to index
        %swap3A_754 = arith.constant 64 : index
        %swap3A_755 = tpu.vector_load %arg6[%swap3A_752, %swap3A_753, %swap3A_754] {strides = array<i32>} : memref<32x8x128xf32, #tpu.memory_space<vmem>>, vector<1x1x16xf32>,
        %swap3A_756 = vector.shape_cast %swap3A_755 : vector<1x1x16xf32> to vector<16xf32>
        %swap3A_757 = vector.shape_cast %mul3A_750 : vector<16xf32> to vector<1x1x16xf32>
        tpu.vector_store %arg6[%swap3A_752, %swap3A_753, %swap3A_754], %swap3A_757 {strides = array<i32>} : memref<32x8x128xf32, #tpu.memory_space<vmem>>, vector<1x1x16xf32>,
        %get3A_758 = arith.constant 1 : i32
        %get3A_759 = arith.index_cast %scan3A_247 : i32 to index
        %get3A_760 = arith.index_cast %get3A_758 : i32 to index
        %get3A_761 = arith.constant 64 : index
        %get3A_762 = tpu.vector_load %arg6[%get3A_759, %get3A_760, %get3A_761] {strides = array<i32>} : memref<32x8x128xf32, #tpu.memory_space<vmem>>, vector<1x1x16xf32>,
        %get3A_763 = vector.shape_cast %get3A_762 : vector<1x1x16xf32> to vector<16xf32>
        %mul3A_764 = arith.mulf %get3A_763, %get3A_743 : vector<16xf32>
        %swap3A_765 = arith.constant 1 : i32
        %swap3A_766 = arith.index_cast %scan3A_247 : i32 to index
        %swap3A_767 = arith.index_cast %swap3A_765 : i32 to index
        %swap3A_768 = arith.constant 64 : index
        %swap3A_769 = tpu.vector_load %arg6[%swap3A_766, %swap3A_767, %swap3A_768] {strides = array<i32>} : memref<32x8x128xf32, #tpu.memory_space<vmem>>, vector<1x1x16xf32>,
        %swap3A_770 = vector.shape_cast %swap3A_769 : vector<1x1x16xf32> to vector<16xf32>
        %swap3A_771 = vector.shape_cast %mul3A_764 : vector<16xf32> to vector<1x1x16xf32>
        tpu.vector_store %arg6[%swap3A_766, %swap3A_767, %swap3A_768], %swap3A_771 {strides = array<i32>} : memref<32x8x128xf32, #tpu.memory_space<vmem>>, vector<1x1x16xf32>,
        %get3A_772 = arith.constant 2 : i32
        %get3A_773 = arith.index_cast %scan3A_247 : i32 to index
        %get3A_774 = arith.index_cast %get3A_772 : i32 to index
        %get3A_775 = arith.constant 64 : index
        %get3A_776 = tpu.vector_load %arg6[%get3A_773, %get3A_774, %get3A_775] {strides = array<i32>} : memref<32x8x128xf32, #tpu.memory_space<vmem>>, vector<1x1x16xf32>,
        %get3A_777 = vector.shape_cast %get3A_776 : vector<1x1x16xf32> to vector<16xf32>
        %mul3A_778 = arith.mulf %get3A_777, %get3A_743 : vector<16xf32>
        %swap3A_779 = arith.constant 2 : i32
        %swap3A_780 = arith.index_cast %scan3A_247 : i32 to index
        %swap3A_781 = arith.index_cast %swap3A_779 : i32 to index
        %swap3A_782 = arith.constant 64 : index
        %swap3A_783 = tpu.vector_load %arg6[%swap3A_780, %swap3A_781, %swap3A_782] {strides = array<i32>} : memref<32x8x128xf32, #tpu.memory_space<vmem>>, vector<1x1x16xf32>,
        %swap3A_784 = vector.shape_cast %swap3A_783 : vector<1x1x16xf32> to vector<16xf32>
        %swap3A_785 = vector.shape_cast %mul3A_778 : vector<16xf32> to vector<1x1x16xf32>
        tpu.vector_store %arg6[%swap3A_780, %swap3A_781, %swap3A_782], %swap3A_785 {strides = array<i32>} : memref<32x8x128xf32, #tpu.memory_space<vmem>>, vector<1x1x16xf32>,
        %get3A_786 = arith.constant 3 : i32
        %get3A_787 = arith.index_cast %scan3A_247 : i32 to index
        %get3A_788 = arith.index_cast %get3A_786 : i32 to index
        %get3A_789 = arith.constant 64 : index
        %get3A_790 = tpu.vector_load %arg6[%get3A_787, %get3A_788, %get3A_789] {strides = array<i32>} : memref<32x8x128xf32, #tpu.memory_space<vmem>>, vector<1x1x16xf32>,
        %get3A_791 = vector.shape_cast %get3A_790 : vector<1x1x16xf32> to vector<16xf32>
        %mul3A_792 = arith.mulf %get3A_791, %get3A_743 : vector<16xf32>
        %swap3A_793 = arith.constant 3 : i32
        %swap3A_794 = arith.index_cast %scan3A_247 : i32 to index
        %swap3A_795 = arith.index_cast %swap3A_793 : i32 to index
        %swap3A_796 = arith.constant 64 : index
        %swap3A_797 = tpu.vector_load %arg6[%swap3A_794, %swap3A_795, %swap3A_796] {strides = array<i32>} : memref<32x8x128xf32, #tpu.memory_space<vmem>>, vector<1x1x16xf32>,
        %swap3A_798 = vector.shape_cast %swap3A_797 : vector<1x1x16xf32> to vector<16xf32>
        %swap3A_799 = vector.shape_cast %mul3A_792 : vector<16xf32> to vector<1x1x16xf32>
        tpu.vector_store %arg6[%swap3A_794, %swap3A_795, %swap3A_796], %swap3A_799 {strides = array<i32>} : memref<32x8x128xf32, #tpu.memory_space<vmem>>, vector<1x1x16xf32>,
        %get3A_800 = arith.constant 4 : i32
        %get3A_801 = arith.index_cast %scan3A_247 : i32 to index
        %get3A_802 = arith.index_cast %get3A_800 : i32 to index
        %get3A_803 = arith.constant 64 : index
        %get3A_804 = tpu.vector_load %arg6[%get3A_801, %get3A_802, %get3A_803] {strides = array<i32>} : memref<32x8x128xf32, #tpu.memory_space<vmem>>, vector<1x1x16xf32>,
        %get3A_805 = vector.shape_cast %get3A_804 : vector<1x1x16xf32> to vector<16xf32>
        %mul3A_806 = arith.mulf %get3A_805, %get3A_743 : vector<16xf32>
        %swap3A_807 = arith.constant 4 : i32
        %swap3A_808 = arith.index_cast %scan3A_247 : i32 to index
        %swap3A_809 = arith.index_cast %swap3A_807 : i32 to index
        %swap3A_810 = arith.constant 64 : index
        %swap3A_811 = tpu.vector_load %arg6[%swap3A_808, %swap3A_809, %swap3A_810] {strides = array<i32>} : memref<32x8x128xf32, #tpu.memory_space<vmem>>, vector<1x1x16xf32>,
        %swap3A_812 = vector.shape_cast %swap3A_811 : vector<1x1x16xf32> to vector<16xf32>
        %swap3A_813 = vector.shape_cast %mul3A_806 : vector<16xf32> to vector<1x1x16xf32>
        tpu.vector_store %arg6[%swap3A_808, %swap3A_809, %swap3A_810], %swap3A_813 {strides = array<i32>} : memref<32x8x128xf32, #tpu.memory_space<vmem>>, vector<1x1x16xf32>,
        %get3A_814 = arith.constant 5 : i32
        %get3A_815 = arith.index_cast %scan3A_247 : i32 to index
        %get3A_816 = arith.index_cast %get3A_814 : i32 to index
        %get3A_817 = arith.constant 64 : index
        %get3A_818 = tpu.vector_load %arg6[%get3A_815, %get3A_816, %get3A_817] {strides = array<i32>} : memref<32x8x128xf32, #tpu.memory_space<vmem>>, vector<1x1x16xf32>,
        %get3A_819 = vector.shape_cast %get3A_818 : vector<1x1x16xf32> to vector<16xf32>
        %mul3A_820 = arith.mulf %get3A_819, %get3A_743 : vector<16xf32>
        %swap3A_821 = arith.constant 5 : i32
        %swap3A_822 = arith.index_cast %scan3A_247 : i32 to index
        %swap3A_823 = arith.index_cast %swap3A_821 : i32 to index
        %swap3A_824 = arith.constant 64 : index
        %swap3A_825 = tpu.vector_load %arg6[%swap3A_822, %swap3A_823, %swap3A_824] {strides = array<i32>} : memref<32x8x128xf32, #tpu.memory_space<vmem>>, vector<1x1x16xf32>,
        %swap3A_826 = vector.shape_cast %swap3A_825 : vector<1x1x16xf32> to vector<16xf32>
        %swap3A_827 = vector.shape_cast %mul3A_820 : vector<16xf32> to vector<1x1x16xf32>
        tpu.vector_store %arg6[%swap3A_822, %swap3A_823, %swap3A_824], %swap3A_827 {strides = array<i32>} : memref<32x8x128xf32, #tpu.memory_space<vmem>>, vector<1x1x16xf32>,
        %get3A_828 = arith.constant 6 : i32
        %get3A_829 = arith.index_cast %scan3A_247 : i32 to index
        %get3A_830 = arith.index_cast %get3A_828 : i32 to index
        %get3A_831 = arith.constant 64 : index
        %get3A_832 = tpu.vector_load %arg6[%get3A_829, %get3A_830, %get3A_831] {strides = array<i32>} : memref<32x8x128xf32, #tpu.memory_space<vmem>>, vector<1x1x16xf32>,
        %get3A_833 = vector.shape_cast %get3A_832 : vector<1x1x16xf32> to vector<16xf32>
        %mul3A_834 = arith.mulf %get3A_833, %get3A_743 : vector<16xf32>
        %swap3A_835 = arith.constant 6 : i32
        %swap3A_836 = arith.index_cast %scan3A_247 : i32 to index
        %swap3A_837 = arith.index_cast %swap3A_835 : i32 to index
        %swap3A_838 = arith.constant 64 : index
        %swap3A_839 = tpu.vector_load %arg6[%swap3A_836, %swap3A_837, %swap3A_838] {strides = array<i32>} : memref<32x8x128xf32, #tpu.memory_space<vmem>>, vector<1x1x16xf32>,
        %swap3A_840 = vector.shape_cast %swap3A_839 : vector<1x1x16xf32> to vector<16xf32>
        %swap3A_841 = vector.shape_cast %mul3A_834 : vector<16xf32> to vector<1x1x16xf32>
        tpu.vector_store %arg6[%swap3A_836, %swap3A_837, %swap3A_838], %swap3A_841 {strides = array<i32>} : memref<32x8x128xf32, #tpu.memory_space<vmem>>, vector<1x1x16xf32>,
        %get3A_842 = arith.constant 7 : i32
        %get3A_843 = arith.index_cast %scan3A_247 : i32 to index
        %get3A_844 = arith.index_cast %get3A_842 : i32 to index
        %get3A_845 = arith.constant 64 : index
        %get3A_846 = tpu.vector_load %arg6[%get3A_843, %get3A_844, %get3A_845] {strides = array<i32>} : memref<32x8x128xf32, #tpu.memory_space<vmem>>, vector<1x1x16xf32>,
        %get3A_847 = vector.shape_cast %get3A_846 : vector<1x1x16xf32> to vector<16xf32>
        %mul3A_848 = arith.mulf %get3A_847, %get3A_743 : vector<16xf32>
        %swap3A_849 = arith.constant 7 : i32
        %swap3A_850 = arith.index_cast %scan3A_247 : i32 to index
        %swap3A_851 = arith.index_cast %swap3A_849 : i32 to index
        %swap3A_852 = arith.constant 64 : index
        %swap3A_853 = tpu.vector_load %arg6[%swap3A_850, %swap3A_851, %swap3A_852] {strides = array<i32>} : memref<32x8x128xf32, #tpu.memory_space<vmem>>, vector<1x1x16xf32>,
        %swap3A_854 = vector.shape_cast %swap3A_853 : vector<1x1x16xf32> to vector<16xf32>
        %swap3A_855 = vector.shape_cast %mul3A_848 : vector<16xf32> to vector<1x1x16xf32>
        tpu.vector_store %arg6[%swap3A_850, %swap3A_851, %swap3A_852], %swap3A_855 {strides = array<i32>} : memref<32x8x128xf32, #tpu.memory_space<vmem>>, vector<1x1x16xf32>,
        %mul3A_856 = arith.constant 32 : i32
        %mul3A_857 = arith.muli %add3A_188, %mul3A_856 : i32
        %add3A_858 = arith.addi %mul3A_857, %scan3A_247 : i32
        %mul3A_859 = arith.constant 128 : i32
        %mul3A_860 = arith.muli %add3A_858, %mul3A_859 : i32
        %add3A_861 = arith.constant 80 : i32
        %add3A_862 = arith.addi %mul3A_860, %add3A_861 : i32
        %get3A_863 = arith.index_cast %add3A_862 : i32 to index
        %get3A_864 = tpu.vector_load %arg7[%get3A_863] {strides = array<i32>} : memref<32768xf32, #tpu.memory_space<vmem>>, vector<16xf32>,
        %get3A_865 = vector.shape_cast %get3A_864 : vector<16xf32> to vector<16xf32>
        %get3A_866 = arith.constant 0 : i32
        %get3A_867 = arith.index_cast %scan3A_247 : i32 to index
        %get3A_868 = arith.index_cast %get3A_866 : i32 to index
        %get3A_869 = arith.constant 80 : index
        %get3A_870 = tpu.vector_load %arg6[%get3A_867, %get3A_868, %get3A_869] {strides = array<i32>} : memref<32x8x128xf32, #tpu.memory_space<vmem>>, vector<1x1x16xf32>,
        %get3A_871 = vector.shape_cast %get3A_870 : vector<1x1x16xf32> to vector<16xf32>
        %mul3A_872 = arith.mulf %get3A_871, %get3A_865 : vector<16xf32>
        %swap3A_873 = arith.constant 0 : i32
        %swap3A_874 = arith.index_cast %scan3A_247 : i32 to index
        %swap3A_875 = arith.index_cast %swap3A_873 : i32 to index
        %swap3A_876 = arith.constant 80 : index
        %swap3A_877 = tpu.vector_load %arg6[%swap3A_874, %swap3A_875, %swap3A_876] {strides = array<i32>} : memref<32x8x128xf32, #tpu.memory_space<vmem>>, vector<1x1x16xf32>,
        %swap3A_878 = vector.shape_cast %swap3A_877 : vector<1x1x16xf32> to vector<16xf32>
        %swap3A_879 = vector.shape_cast %mul3A_872 : vector<16xf32> to vector<1x1x16xf32>
        tpu.vector_store %arg6[%swap3A_874, %swap3A_875, %swap3A_876], %swap3A_879 {strides = array<i32>} : memref<32x8x128xf32, #tpu.memory_space<vmem>>, vector<1x1x16xf32>,
        %get3A_880 = arith.constant 1 : i32
        %get3A_881 = arith.index_cast %scan3A_247 : i32 to index
        %get3A_882 = arith.index_cast %get3A_880 : i32 to index
        %get3A_883 = arith.constant 80 : index
        %get3A_884 = tpu.vector_load %arg6[%get3A_881, %get3A_882, %get3A_883] {strides = array<i32>} : memref<32x8x128xf32, #tpu.memory_space<vmem>>, vector<1x1x16xf32>,
        %get3A_885 = vector.shape_cast %get3A_884 : vector<1x1x16xf32> to vector<16xf32>
        %mul3A_886 = arith.mulf %get3A_885, %get3A_865 : vector<16xf32>
        %swap3A_887 = arith.constant 1 : i32
        %swap3A_888 = arith.index_cast %scan3A_247 : i32 to index
        %swap3A_889 = arith.index_cast %swap3A_887 : i32 to index
        %swap3A_890 = arith.constant 80 : index
        %swap3A_891 = tpu.vector_load %arg6[%swap3A_888, %swap3A_889, %swap3A_890] {strides = array<i32>} : memref<32x8x128xf32, #tpu.memory_space<vmem>>, vector<1x1x16xf32>,
        %swap3A_892 = vector.shape_cast %swap3A_891 : vector<1x1x16xf32> to vector<16xf32>
        %swap3A_893 = vector.shape_cast %mul3A_886 : vector<16xf32> to vector<1x1x16xf32>
        tpu.vector_store %arg6[%swap3A_888, %swap3A_889, %swap3A_890], %swap3A_893 {strides = array<i32>} : memref<32x8x128xf32, #tpu.memory_space<vmem>>, vector<1x1x16xf32>,
        %get3A_894 = arith.constant 2 : i32
        %get3A_895 = arith.index_cast %scan3A_247 : i32 to index
        %get3A_896 = arith.index_cast %get3A_894 : i32 to index
        %get3A_897 = arith.constant 80 : index
        %get3A_898 = tpu.vector_load %arg6[%get3A_895, %get3A_896, %get3A_897] {strides = array<i32>} : memref<32x8x128xf32, #tpu.memory_space<vmem>>, vector<1x1x16xf32>,
        %get3A_899 = vector.shape_cast %get3A_898 : vector<1x1x16xf32> to vector<16xf32>
        %mul3A_900 = arith.mulf %get3A_899, %get3A_865 : vector<16xf32>
        %swap3A_901 = arith.constant 2 : i32
        %swap3A_902 = arith.index_cast %scan3A_247 : i32 to index
        %swap3A_903 = arith.index_cast %swap3A_901 : i32 to index
        %swap3A_904 = arith.constant 80 : index
        %swap3A_905 = tpu.vector_load %arg6[%swap3A_902, %swap3A_903, %swap3A_904] {strides = array<i32>} : memref<32x8x128xf32, #tpu.memory_space<vmem>>, vector<1x1x16xf32>,
        %swap3A_906 = vector.shape_cast %swap3A_905 : vector<1x1x16xf32> to vector<16xf32>
        %swap3A_907 = vector.shape_cast %mul3A_900 : vector<16xf32> to vector<1x1x16xf32>
        tpu.vector_store %arg6[%swap3A_902, %swap3A_903, %swap3A_904], %swap3A_907 {strides = array<i32>} : memref<32x8x128xf32, #tpu.memory_space<vmem>>, vector<1x1x16xf32>,
        %get3A_908 = arith.constant 3 : i32
        %get3A_909 = arith.index_cast %scan3A_247 : i32 to index
        %get3A_910 = arith.index_cast %get3A_908 : i32 to index
        %get3A_911 = arith.constant 80 : index
        %get3A_912 = tpu.vector_load %arg6[%get3A_909, %get3A_910, %get3A_911] {strides = array<i32>} : memref<32x8x128xf32, #tpu.memory_space<vmem>>, vector<1x1x16xf32>,
        %get3A_913 = vector.shape_cast %get3A_912 : vector<1x1x16xf32> to vector<16xf32>
        %mul3A_914 = arith.mulf %get3A_913, %get3A_865 : vector<16xf32>
        %swap3A_915 = arith.constant 3 : i32
        %swap3A_916 = arith.index_cast %scan3A_247 : i32 to index
        %swap3A_917 = arith.index_cast %swap3A_915 : i32 to index
        %swap3A_918 = arith.constant 80 : index
        %swap3A_919 = tpu.vector_load %arg6[%swap3A_916, %swap3A_917, %swap3A_918] {strides = array<i32>} : memref<32x8x128xf32, #tpu.memory_space<vmem>>, vector<1x1x16xf32>,
        %swap3A_920 = vector.shape_cast %swap3A_919 : vector<1x1x16xf32> to vector<16xf32>
        %swap3A_921 = vector.shape_cast %mul3A_914 : vector<16xf32> to vector<1x1x16xf32>
        tpu.vector_store %arg6[%swap3A_916, %swap3A_917, %swap3A_918], %swap3A_921 {strides = array<i32>} : memref<32x8x128xf32, #tpu.memory_space<vmem>>, vector<1x1x16xf32>,
        %get3A_922 = arith.constant 4 : i32
        %get3A_923 = arith.index_cast %scan3A_247 : i32 to index
        %get3A_924 = arith.index_cast %get3A_922 : i32 to index
        %get3A_925 = arith.constant 80 : index
        %get3A_926 = tpu.vector_load %arg6[%get3A_923, %get3A_924, %get3A_925] {strides = array<i32>} : memref<32x8x128xf32, #tpu.memory_space<vmem>>, vector<1x1x16xf32>,
        %get3A_927 = vector.shape_cast %get3A_926 : vector<1x1x16xf32> to vector<16xf32>
        %mul3A_928 = arith.mulf %get3A_927, %get3A_865 : vector<16xf32>
        %swap3A_929 = arith.constant 4 : i32
        %swap3A_930 = arith.index_cast %scan3A_247 : i32 to index
        %swap3A_931 = arith.index_cast %swap3A_929 : i32 to index
        %swap3A_932 = arith.constant 80 : index
        %swap3A_933 = tpu.vector_load %arg6[%swap3A_930, %swap3A_931, %swap3A_932] {strides = array<i32>} : memref<32x8x128xf32, #tpu.memory_space<vmem>>, vector<1x1x16xf32>,
        %swap3A_934 = vector.shape_cast %swap3A_933 : vector<1x1x16xf32> to vector<16xf32>
        %swap3A_935 = vector.shape_cast %mul3A_928 : vector<16xf32> to vector<1x1x16xf32>
        tpu.vector_store %arg6[%swap3A_930, %swap3A_931, %swap3A_932], %swap3A_935 {strides = array<i32>} : memref<32x8x128xf32, #tpu.memory_space<vmem>>, vector<1x1x16xf32>,
        %get3A_936 = arith.constant 5 : i32
        %get3A_937 = arith.index_cast %scan3A_247 : i32 to index
        %get3A_938 = arith.index_cast %get3A_936 : i32 to index
        %get3A_939 = arith.constant 80 : index
        %get3A_940 = tpu.vector_load %arg6[%get3A_937, %get3A_938, %get3A_939] {strides = array<i32>} : memref<32x8x128xf32, #tpu.memory_space<vmem>>, vector<1x1x16xf32>,
        %get3A_941 = vector.shape_cast %get3A_940 : vector<1x1x16xf32> to vector<16xf32>
        %mul3A_942 = arith.mulf %get3A_941, %get3A_865 : vector<16xf32>
        %swap3A_943 = arith.constant 5 : i32
        %swap3A_944 = arith.index_cast %scan3A_247 : i32 to index
        %swap3A_945 = arith.index_cast %swap3A_943 : i32 to index
        %swap3A_946 = arith.constant 80 : index
        %swap3A_947 = tpu.vector_load %arg6[%swap3A_944, %swap3A_945, %swap3A_946] {strides = array<i32>} : memref<32x8x128xf32, #tpu.memory_space<vmem>>, vector<1x1x16xf32>,
        %swap3A_948 = vector.shape_cast %swap3A_947 : vector<1x1x16xf32> to vector<16xf32>
        %swap3A_949 = vector.shape_cast %mul3A_942 : vector<16xf32> to vector<1x1x16xf32>
        tpu.vector_store %arg6[%swap3A_944, %swap3A_945, %swap3A_946], %swap3A_949 {strides = array<i32>} : memref<32x8x128xf32, #tpu.memory_space<vmem>>, vector<1x1x16xf32>,
        %get3A_950 = arith.constant 6 : i32
        %get3A_951 = arith.index_cast %scan3A_247 : i32 to index
        %get3A_952 = arith.index_cast %get3A_950 : i32 to index
        %get3A_953 = arith.constant 80 : index
        %get3A_954 = tpu.vector_load %arg6[%get3A_951, %get3A_952, %get3A_953] {strides = array<i32>} : memref<32x8x128xf32, #tpu.memory_space<vmem>>, vector<1x1x16xf32>,
        %get3A_955 = vector.shape_cast %get3A_954 : vector<1x1x16xf32> to vector<16xf32>
        %mul3A_956 = arith.mulf %get3A_955, %get3A_865 : vector<16xf32>
        %swap3A_957 = arith.constant 6 : i32
        %swap3A_958 = arith.index_cast %scan3A_247 : i32 to index
        %swap3A_959 = arith.index_cast %swap3A_957 : i32 to index
        %swap3A_960 = arith.constant 80 : index
        %swap3A_961 = tpu.vector_load %arg6[%swap3A_958, %swap3A_959, %swap3A_960] {strides = array<i32>} : memref<32x8x128xf32, #tpu.memory_space<vmem>>, vector<1x1x16xf32>,
        %swap3A_962 = vector.shape_cast %swap3A_961 : vector<1x1x16xf32> to vector<16xf32>
        %swap3A_963 = vector.shape_cast %mul3A_956 : vector<16xf32> to vector<1x1x16xf32>
        tpu.vector_store %arg6[%swap3A_958, %swap3A_959, %swap3A_960], %swap3A_963 {strides = array<i32>} : memref<32x8x128xf32, #tpu.memory_space<vmem>>, vector<1x1x16xf32>,
        %get3A_964 = arith.constant 7 : i32
        %get3A_965 = arith.index_cast %scan3A_247 : i32 to index
        %get3A_966 = arith.index_cast %get3A_964 : i32 to index
        %get3A_967 = arith.constant 80 : index
        %get3A_968 = tpu.vector_load %arg6[%get3A_965, %get3A_966, %get3A_967] {strides = array<i32>} : memref<32x8x128xf32, #tpu.memory_space<vmem>>, vector<1x1x16xf32>,
        %get3A_969 = vector.shape_cast %get3A_968 : vector<1x1x16xf32> to vector<16xf32>
        %mul3A_970 = arith.mulf %get3A_969, %get3A_865 : vector<16xf32>
        %swap3A_971 = arith.constant 7 : i32
        %swap3A_972 = arith.index_cast %scan3A_247 : i32 to index
        %swap3A_973 = arith.index_cast %swap3A_971 : i32 to index
        %swap3A_974 = arith.constant 80 : index
        %swap3A_975 = tpu.vector_load %arg6[%swap3A_972, %swap3A_973, %swap3A_974] {strides = array<i32>} : memref<32x8x128xf32, #tpu.memory_space<vmem>>, vector<1x1x16xf32>,
        %swap3A_976 = vector.shape_cast %swap3A_975 : vector<1x1x16xf32> to vector<16xf32>
        %swap3A_977 = vector.shape_cast %mul3A_970 : vector<16xf32> to vector<1x1x16xf32>
        tpu.vector_store %arg6[%swap3A_972, %swap3A_973, %swap3A_974], %swap3A_977 {strides = array<i32>} : memref<32x8x128xf32, #tpu.memory_space<vmem>>, vector<1x1x16xf32>,
        %mul3A_978 = arith.constant 32 : i32
        %mul3A_979 = arith.muli %add3A_188, %mul3A_978 : i32
        %add3A_980 = arith.addi %mul3A_979, %scan3A_247 : i32
        %mul3A_981 = arith.constant 128 : i32
        %mul3A_982 = arith.muli %add3A_980, %mul3A_981 : i32
        %add3A_983 = arith.constant 96 : i32
        %add3A_984 = arith.addi %mul3A_982, %add3A_983 : i32
        %get3A_985 = arith.index_cast %add3A_984 : i32 to index
        %get3A_986 = tpu.vector_load %arg7[%get3A_985] {strides = array<i32>} : memref<32768xf32, #tpu.memory_space<vmem>>, vector<16xf32>,
        %get3A_987 = vector.shape_cast %get3A_986 : vector<16xf32> to vector<16xf32>
        %get3A_988 = arith.constant 0 : i32
        %get3A_989 = arith.index_cast %scan3A_247 : i32 to index
        %get3A_990 = arith.index_cast %get3A_988 : i32 to index
        %get3A_991 = arith.constant 96 : index
        %get3A_992 = tpu.vector_load %arg6[%get3A_989, %get3A_990, %get3A_991] {strides = array<i32>} : memref<32x8x128xf32, #tpu.memory_space<vmem>>, vector<1x1x16xf32>,
        %get3A_993 = vector.shape_cast %get3A_992 : vector<1x1x16xf32> to vector<16xf32>
        %mul3A_994 = arith.mulf %get3A_993, %get3A_987 : vector<16xf32>
        %swap3A_995 = arith.constant 0 : i32
        %swap3A_996 = arith.index_cast %scan3A_247 : i32 to index
        %swap3A_997 = arith.index_cast %swap3A_995 : i32 to index
        %swap3A_998 = arith.constant 96 : index
        %swap3A_999 = tpu.vector_load %arg6[%swap3A_996, %swap3A_997, %swap3A_998] {strides = array<i32>} : memref<32x8x128xf32, #tpu.memory_space<vmem>>, vector<1x1x16xf32>,
        %swap3A_1000 = vector.shape_cast %swap3A_999 : vector<1x1x16xf32> to vector<16xf32>
        %swap3A_1001 = vector.shape_cast %mul3A_994 : vector<16xf32> to vector<1x1x16xf32>
        tpu.vector_store %arg6[%swap3A_996, %swap3A_997, %swap3A_998], %swap3A_1001 {strides = array<i32>} : memref<32x8x128xf32, #tpu.memory_space<vmem>>, vector<1x1x16xf32>,
        %get3A_1002 = arith.constant 1 : i32
        %get3A_1003 = arith.index_cast %scan3A_247 : i32 to index
        %get3A_1004 = arith.index_cast %get3A_1002 : i32 to index
        %get3A_1005 = arith.constant 96 : index
        %get3A_1006 = tpu.vector_load %arg6[%get3A_1003, %get3A_1004, %get3A_1005] {strides = array<i32>} : memref<32x8x128xf32, #tpu.memory_space<vmem>>, vector<1x1x16xf32>,
        %get3A_1007 = vector.shape_cast %get3A_1006 : vector<1x1x16xf32> to vector<16xf32>
        %mul3A_1008 = arith.mulf %get3A_1007, %get3A_987 : vector<16xf32>
        %swap3A_1009 = arith.constant 1 : i32
        %swap3A_1010 = arith.index_cast %scan3A_247 : i32 to index
        %swap3A_1011 = arith.index_cast %swap3A_1009 : i32 to index
        %swap3A_1012 = arith.constant 96 : index
        %swap3A_1013 = tpu.vector_load %arg6[%swap3A_1010, %swap3A_1011, %swap3A_1012] {strides = array<i32>} : memref<32x8x128xf32, #tpu.memory_space<vmem>>, vector<1x1x16xf32>,
        %swap3A_1014 = vector.shape_cast %swap3A_1013 : vector<1x1x16xf32> to vector<16xf32>
        %swap3A_1015 = vector.shape_cast %mul3A_1008 : vector<16xf32> to vector<1x1x16xf32>
        tpu.vector_store %arg6[%swap3A_1010, %swap3A_1011, %swap3A_1012], %swap3A_1015 {strides = array<i32>} : memref<32x8x128xf32, #tpu.memory_space<vmem>>, vector<1x1x16xf32>,
        %get3A_1016 = arith.constant 2 : i32
        %get3A_1017 = arith.index_cast %scan3A_247 : i32 to index
        %get3A_1018 = arith.index_cast %get3A_1016 : i32 to index
        %get3A_1019 = arith.constant 96 : index
        %get3A_1020 = tpu.vector_load %arg6[%get3A_1017, %get3A_1018, %get3A_1019] {strides = array<i32>} : memref<32x8x128xf32, #tpu.memory_space<vmem>>, vector<1x1x16xf32>,
        %get3A_1021 = vector.shape_cast %get3A_1020 : vector<1x1x16xf32> to vector<16xf32>
        %mul3A_1022 = arith.mulf %get3A_1021, %get3A_987 : vector<16xf32>
        %swap3A_1023 = arith.constant 2 : i32
        %swap3A_1024 = arith.index_cast %scan3A_247 : i32 to index
        %swap3A_1025 = arith.index_cast %swap3A_1023 : i32 to index
        %swap3A_1026 = arith.constant 96 : index
        %swap3A_1027 = tpu.vector_load %arg6[%swap3A_1024, %swap3A_1025, %swap3A_1026] {strides = array<i32>} : memref<32x8x128xf32, #tpu.memory_space<vmem>>, vector<1x1x16xf32>,
        %swap3A_1028 = vector.shape_cast %swap3A_1027 : vector<1x1x16xf32> to vector<16xf32>
        %swap3A_1029 = vector.shape_cast %mul3A_1022 : vector<16xf32> to vector<1x1x16xf32>
        tpu.vector_store %arg6[%swap3A_1024, %swap3A_1025, %swap3A_1026], %swap3A_1029 {strides = array<i32>} : memref<32x8x128xf32, #tpu.memory_space<vmem>>, vector<1x1x16xf32>,
        %get3A_1030 = arith.constant 3 : i32
        %get3A_1031 = arith.index_cast %scan3A_247 : i32 to index
        %get3A_1032 = arith.index_cast %get3A_1030 : i32 to index
        %get3A_1033 = arith.constant 96 : index
        %get3A_1034 = tpu.vector_load %arg6[%get3A_1031, %get3A_1032, %get3A_1033] {strides = array<i32>} : memref<32x8x128xf32, #tpu.memory_space<vmem>>, vector<1x1x16xf32>,
        %get3A_1035 = vector.shape_cast %get3A_1034 : vector<1x1x16xf32> to vector<16xf32>
        %mul3A_1036 = arith.mulf %get3A_1035, %get3A_987 : vector<16xf32>
        %swap3A_1037 = arith.constant 3 : i32
        %swap3A_1038 = arith.index_cast %scan3A_247 : i32 to index
        %swap3A_1039 = arith.index_cast %swap3A_1037 : i32 to index
        %swap3A_1040 = arith.constant 96 : index
        %swap3A_1041 = tpu.vector_load %arg6[%swap3A_1038, %swap3A_1039, %swap3A_1040] {strides = array<i32>} : memref<32x8x128xf32, #tpu.memory_space<vmem>>, vector<1x1x16xf32>,
        %swap3A_1042 = vector.shape_cast %swap3A_1041 : vector<1x1x16xf32> to vector<16xf32>
        %swap3A_1043 = vector.shape_cast %mul3A_1036 : vector<16xf32> to vector<1x1x16xf32>
        tpu.vector_store %arg6[%swap3A_1038, %swap3A_1039, %swap3A_1040], %swap3A_1043 {strides = array<i32>} : memref<32x8x128xf32, #tpu.memory_space<vmem>>, vector<1x1x16xf32>,
        %get3A_1044 = arith.constant 4 : i32
        %get3A_1045 = arith.index_cast %scan3A_247 : i32 to index
        %get3A_1046 = arith.index_cast %get3A_1044 : i32 to index
        %get3A_1047 = arith.constant 96 : index
        %get3A_1048 = tpu.vector_load %arg6[%get3A_1045, %get3A_1046, %get3A_1047] {strides = array<i32>} : memref<32x8x128xf32, #tpu.memory_space<vmem>>, vector<1x1x16xf32>,
        %get3A_1049 = vector.shape_cast %get3A_1048 : vector<1x1x16xf32> to vector<16xf32>
        %mul3A_1050 = arith.mulf %get3A_1049, %get3A_987 : vector<16xf32>
        %swap3A_1051 = arith.constant 4 : i32
        %swap3A_1052 = arith.index_cast %scan3A_247 : i32 to index
        %swap3A_1053 = arith.index_cast %swap3A_1051 : i32 to index
        %swap3A_1054 = arith.constant 96 : index
        %swap3A_1055 = tpu.vector_load %arg6[%swap3A_1052, %swap3A_1053, %swap3A_1054] {strides = array<i32>} : memref<32x8x128xf32, #tpu.memory_space<vmem>>, vector<1x1x16xf32>,
        %swap3A_1056 = vector.shape_cast %swap3A_1055 : vector<1x1x16xf32> to vector<16xf32>
        %swap3A_1057 = vector.shape_cast %mul3A_1050 : vector<16xf32> to vector<1x1x16xf32>
        tpu.vector_store %arg6[%swap3A_1052, %swap3A_1053, %swap3A_1054], %swap3A_1057 {strides = array<i32>} : memref<32x8x128xf32, #tpu.memory_space<vmem>>, vector<1x1x16xf32>,
        %get3A_1058 = arith.constant 5 : i32
        %get3A_1059 = arith.index_cast %scan3A_247 : i32 to index
        %get3A_1060 = arith.index_cast %get3A_1058 : i32 to index
        %get3A_1061 = arith.constant 96 : index
        %get3A_1062 = tpu.vector_load %arg6[%get3A_1059, %get3A_1060, %get3A_1061] {strides = array<i32>} : memref<32x8x128xf32, #tpu.memory_space<vmem>>, vector<1x1x16xf32>,
        %get3A_1063 = vector.shape_cast %get3A_1062 : vector<1x1x16xf32> to vector<16xf32>
        %mul3A_1064 = arith.mulf %get3A_1063, %get3A_987 : vector<16xf32>
        %swap3A_1065 = arith.constant 5 : i32
        %swap3A_1066 = arith.index_cast %scan3A_247 : i32 to index
        %swap3A_1067 = arith.index_cast %swap3A_1065 : i32 to index
        %swap3A_1068 = arith.constant 96 : index
        %swap3A_1069 = tpu.vector_load %arg6[%swap3A_1066, %swap3A_1067, %swap3A_1068] {strides = array<i32>} : memref<32x8x128xf32, #tpu.memory_space<vmem>>, vector<1x1x16xf32>,
        %swap3A_1070 = vector.shape_cast %swap3A_1069 : vector<1x1x16xf32> to vector<16xf32>
        %swap3A_1071 = vector.shape_cast %mul3A_1064 : vector<16xf32> to vector<1x1x16xf32>
        tpu.vector_store %arg6[%swap3A_1066, %swap3A_1067, %swap3A_1068], %swap3A_1071 {strides = array<i32>} : memref<32x8x128xf32, #tpu.memory_space<vmem>>, vector<1x1x16xf32>,
        %get3A_1072 = arith.constant 6 : i32
        %get3A_1073 = arith.index_cast %scan3A_247 : i32 to index
        %get3A_1074 = arith.index_cast %get3A_1072 : i32 to index
        %get3A_1075 = arith.constant 96 : index
        %get3A_1076 = tpu.vector_load %arg6[%get3A_1073, %get3A_1074, %get3A_1075] {strides = array<i32>} : memref<32x8x128xf32, #tpu.memory_space<vmem>>, vector<1x1x16xf32>,
        %get3A_1077 = vector.shape_cast %get3A_1076 : vector<1x1x16xf32> to vector<16xf32>
        %mul3A_1078 = arith.mulf %get3A_1077, %get3A_987 : vector<16xf32>
        %swap3A_1079 = arith.constant 6 : i32
        %swap3A_1080 = arith.index_cast %scan3A_247 : i32 to index
        %swap3A_1081 = arith.index_cast %swap3A_1079 : i32 to index
        %swap3A_1082 = arith.constant 96 : index
        %swap3A_1083 = tpu.vector_load %arg6[%swap3A_1080, %swap3A_1081, %swap3A_1082] {strides = array<i32>} : memref<32x8x128xf32, #tpu.memory_space<vmem>>, vector<1x1x16xf32>,
        %swap3A_1084 = vector.shape_cast %swap3A_1083 : vector<1x1x16xf32> to vector<16xf32>
        %swap3A_1085 = vector.shape_cast %mul3A_1078 : vector<16xf32> to vector<1x1x16xf32>
        tpu.vector_store %arg6[%swap3A_1080, %swap3A_1081, %swap3A_1082], %swap3A_1085 {strides = array<i32>} : memref<32x8x128xf32, #tpu.memory_space<vmem>>, vector<1x1x16xf32>,
        %get3A_1086 = arith.constant 7 : i32
        %get3A_1087 = arith.index_cast %scan3A_247 : i32 to index
        %get3A_1088 = arith.index_cast %get3A_1086 : i32 to index
        %get3A_1089 = arith.constant 96 : index
        %get3A_1090 = tpu.vector_load %arg6[%get3A_1087, %get3A_1088, %get3A_1089] {strides = array<i32>} : memref<32x8x128xf32, #tpu.memory_space<vmem>>, vector<1x1x16xf32>,
        %get3A_1091 = vector.shape_cast %get3A_1090 : vector<1x1x16xf32> to vector<16xf32>
        %mul3A_1092 = arith.mulf %get3A_1091, %get3A_987 : vector<16xf32>
        %swap3A_1093 = arith.constant 7 : i32
        %swap3A_1094 = arith.index_cast %scan3A_247 : i32 to index
        %swap3A_1095 = arith.index_cast %swap3A_1093 : i32 to index
        %swap3A_1096 = arith.constant 96 : index
        %swap3A_1097 = tpu.vector_load %arg6[%swap3A_1094, %swap3A_1095, %swap3A_1096] {strides = array<i32>} : memref<32x8x128xf32, #tpu.memory_space<vmem>>, vector<1x1x16xf32>,
        %swap3A_1098 = vector.shape_cast %swap3A_1097 : vector<1x1x16xf32> to vector<16xf32>
        %swap3A_1099 = vector.shape_cast %mul3A_1092 : vector<16xf32> to vector<1x1x16xf32>
        tpu.vector_store %arg6[%swap3A_1094, %swap3A_1095, %swap3A_1096], %swap3A_1099 {strides = array<i32>} : memref<32x8x128xf32, #tpu.memory_space<vmem>>, vector<1x1x16xf32>,
        %mul3A_1100 = arith.constant 32 : i32
        %mul3A_1101 = arith.muli %add3A_188, %mul3A_1100 : i32
        %add3A_1102 = arith.addi %mul3A_1101, %scan3A_247 : i32
        %mul3A_1103 = arith.constant 128 : i32
        %mul3A_1104 = arith.muli %add3A_1102, %mul3A_1103 : i32
        %add3A_1105 = arith.constant 112 : i32
        %add3A_1106 = arith.addi %mul3A_1104, %add3A_1105 : i32
        %get3A_1107 = arith.index_cast %add3A_1106 : i32 to index
        %get3A_1108 = tpu.vector_load %arg7[%get3A_1107] {strides = array<i32>} : memref<32768xf32, #tpu.memory_space<vmem>>, vector<16xf32>,
        %get3A_1109 = vector.shape_cast %get3A_1108 : vector<16xf32> to vector<16xf32>
        %get3A_1110 = arith.constant 0 : i32
        %get3A_1111 = arith.index_cast %scan3A_247 : i32 to index
        %get3A_1112 = arith.index_cast %get3A_1110 : i32 to index
        %get3A_1113 = arith.constant 112 : index
        %get3A_1114 = tpu.vector_load %arg6[%get3A_1111, %get3A_1112, %get3A_1113] {strides = array<i32>} : memref<32x8x128xf32, #tpu.memory_space<vmem>>, vector<1x1x16xf32>,
        %get3A_1115 = vector.shape_cast %get3A_1114 : vector<1x1x16xf32> to vector<16xf32>
        %mul3A_1116 = arith.mulf %get3A_1115, %get3A_1109 : vector<16xf32>
        %swap3A_1117 = arith.constant 0 : i32
        %swap3A_1118 = arith.index_cast %scan3A_247 : i32 to index
        %swap3A_1119 = arith.index_cast %swap3A_1117 : i32 to index
        %swap3A_1120 = arith.constant 112 : index
        %swap3A_1121 = tpu.vector_load %arg6[%swap3A_1118, %swap3A_1119, %swap3A_1120] {strides = array<i32>} : memref<32x8x128xf32, #tpu.memory_space<vmem>>, vector<1x1x16xf32>,
        %swap3A_1122 = vector.shape_cast %swap3A_1121 : vector<1x1x16xf32> to vector<16xf32>
        %swap3A_1123 = vector.shape_cast %mul3A_1116 : vector<16xf32> to vector<1x1x16xf32>
        tpu.vector_store %arg6[%swap3A_1118, %swap3A_1119, %swap3A_1120], %swap3A_1123 {strides = array<i32>} : memref<32x8x128xf32, #tpu.memory_space<vmem>>, vector<1x1x16xf32>,
        %get3A_1124 = arith.constant 1 : i32
        %get3A_1125 = arith.index_cast %scan3A_247 : i32 to index
        %get3A_1126 = arith.index_cast %get3A_1124 : i32 to index
        %get3A_1127 = arith.constant 112 : index
        %get3A_1128 = tpu.vector_load %arg6[%get3A_1125, %get3A_1126, %get3A_1127] {strides = array<i32>} : memref<32x8x128xf32, #tpu.memory_space<vmem>>, vector<1x1x16xf32>,
        %get3A_1129 = vector.shape_cast %get3A_1128 : vector<1x1x16xf32> to vector<16xf32>
        %mul3A_1130 = arith.mulf %get3A_1129, %get3A_1109 : vector<16xf32>
        %swap3A_1131 = arith.constant 1 : i32
        %swap3A_1132 = arith.index_cast %scan3A_247 : i32 to index
        %swap3A_1133 = arith.index_cast %swap3A_1131 : i32 to index
        %swap3A_1134 = arith.constant 112 : index
        %swap3A_1135 = tpu.vector_load %arg6[%swap3A_1132, %swap3A_1133, %swap3A_1134] {strides = array<i32>} : memref<32x8x128xf32, #tpu.memory_space<vmem>>, vector<1x1x16xf32>,
        %swap3A_1136 = vector.shape_cast %swap3A_1135 : vector<1x1x16xf32> to vector<16xf32>
        %swap3A_1137 = vector.shape_cast %mul3A_1130 : vector<16xf32> to vector<1x1x16xf32>
        tpu.vector_store %arg6[%swap3A_1132, %swap3A_1133, %swap3A_1134], %swap3A_1137 {strides = array<i32>} : memref<32x8x128xf32, #tpu.memory_space<vmem>>, vector<1x1x16xf32>,
        %get3A_1138 = arith.constant 2 : i32
        %get3A_1139 = arith.index_cast %scan3A_247 : i32 to index
        %get3A_1140 = arith.index_cast %get3A_1138 : i32 to index
        %get3A_1141 = arith.constant 112 : index
        %get3A_1142 = tpu.vector_load %arg6[%get3A_1139, %get3A_1140, %get3A_1141] {strides = array<i32>} : memref<32x8x128xf32, #tpu.memory_space<vmem>>, vector<1x1x16xf32>,
        %get3A_1143 = vector.shape_cast %get3A_1142 : vector<1x1x16xf32> to vector<16xf32>
        %mul3A_1144 = arith.mulf %get3A_1143, %get3A_1109 : vector<16xf32>
        %swap3A_1145 = arith.constant 2 : i32
        %swap3A_1146 = arith.index_cast %scan3A_247 : i32 to index
        %swap3A_1147 = arith.index_cast %swap3A_1145 : i32 to index
        %swap3A_1148 = arith.constant 112 : index
        %swap3A_1149 = tpu.vector_load %arg6[%swap3A_1146, %swap3A_1147, %swap3A_1148] {strides = array<i32>} : memref<32x8x128xf32, #tpu.memory_space<vmem>>, vector<1x1x16xf32>,
        %swap3A_1150 = vector.shape_cast %swap3A_1149 : vector<1x1x16xf32> to vector<16xf32>
        %swap3A_1151 = vector.shape_cast %mul3A_1144 : vector<16xf32> to vector<1x1x16xf32>
        tpu.vector_store %arg6[%swap3A_1146, %swap3A_1147, %swap3A_1148], %swap3A_1151 {strides = array<i32>} : memref<32x8x128xf32, #tpu.memory_space<vmem>>, vector<1x1x16xf32>,
        %get3A_1152 = arith.constant 3 : i32
        %get3A_1153 = arith.index_cast %scan3A_247 : i32 to index
        %get3A_1154 = arith.index_cast %get3A_1152 : i32 to index
        %get3A_1155 = arith.constant 112 : index
        %get3A_1156 = tpu.vector_load %arg6[%get3A_1153, %get3A_1154, %get3A_1155] {strides = array<i32>} : memref<32x8x128xf32, #tpu.memory_space<vmem>>, vector<1x1x16xf32>,
        %get3A_1157 = vector.shape_cast %get3A_1156 : vector<1x1x16xf32> to vector<16xf32>
        %mul3A_1158 = arith.mulf %get3A_1157, %get3A_1109 : vector<16xf32>
        %swap3A_1159 = arith.constant 3 : i32
        %swap3A_1160 = arith.index_cast %scan3A_247 : i32 to index
        %swap3A_1161 = arith.index_cast %swap3A_1159 : i32 to index
        %swap3A_1162 = arith.constant 112 : index
        %swap3A_1163 = tpu.vector_load %arg6[%swap3A_1160, %swap3A_1161, %swap3A_1162] {strides = array<i32>} : memref<32x8x128xf32, #tpu.memory_space<vmem>>, vector<1x1x16xf32>,
        %swap3A_1164 = vector.shape_cast %swap3A_1163 : vector<1x1x16xf32> to vector<16xf32>
        %swap3A_1165 = vector.shape_cast %mul3A_1158 : vector<16xf32> to vector<1x1x16xf32>
        tpu.vector_store %arg6[%swap3A_1160, %swap3A_1161, %swap3A_1162], %swap3A_1165 {strides = array<i32>} : memref<32x8x128xf32, #tpu.memory_space<vmem>>, vector<1x1x16xf32>,
        %get3A_1166 = arith.constant 4 : i32
        %get3A_1167 = arith.index_cast %scan3A_247 : i32 to index
        %get3A_1168 = arith.index_cast %get3A_1166 : i32 to index
        %get3A_1169 = arith.constant 112 : index
        %get3A_1170 = tpu.vector_load %arg6[%get3A_1167, %get3A_1168, %get3A_1169] {strides = array<i32>} : memref<32x8x128xf32, #tpu.memory_space<vmem>>, vector<1x1x16xf32>,
        %get3A_1171 = vector.shape_cast %get3A_1170 : vector<1x1x16xf32> to vector<16xf32>
        %mul3A_1172 = arith.mulf %get3A_1171, %get3A_1109 : vector<16xf32>
        %swap3A_1173 = arith.constant 4 : i32
        %swap3A_1174 = arith.index_cast %scan3A_247 : i32 to index
        %swap3A_1175 = arith.index_cast %swap3A_1173 : i32 to index
        %swap3A_1176 = arith.constant 112 : index
        %swap3A_1177 = tpu.vector_load %arg6[%swap3A_1174, %swap3A_1175, %swap3A_1176] {strides = array<i32>} : memref<32x8x128xf32, #tpu.memory_space<vmem>>, vector<1x1x16xf32>,
        %swap3A_1178 = vector.shape_cast %swap3A_1177 : vector<1x1x16xf32> to vector<16xf32>
        %swap3A_1179 = vector.shape_cast %mul3A_1172 : vector<16xf32> to vector<1x1x16xf32>
        tpu.vector_store %arg6[%swap3A_1174, %swap3A_1175, %swap3A_1176], %swap3A_1179 {strides = array<i32>} : memref<32x8x128xf32, #tpu.memory_space<vmem>>, vector<1x1x16xf32>,
        %get3A_1180 = arith.constant 5 : i32
        %get3A_1181 = arith.index_cast %scan3A_247 : i32 to index
        %get3A_1182 = arith.index_cast %get3A_1180 : i32 to index
        %get3A_1183 = arith.constant 112 : index
        %get3A_1184 = tpu.vector_load %arg6[%get3A_1181, %get3A_1182, %get3A_1183] {strides = array<i32>} : memref<32x8x128xf32, #tpu.memory_space<vmem>>, vector<1x1x16xf32>,
        %get3A_1185 = vector.shape_cast %get3A_1184 : vector<1x1x16xf32> to vector<16xf32>
        %mul3A_1186 = arith.mulf %get3A_1185, %get3A_1109 : vector<16xf32>
        %swap3A_1187 = arith.constant 5 : i32
        %swap3A_1188 = arith.index_cast %scan3A_247 : i32 to index
        %swap3A_1189 = arith.index_cast %swap3A_1187 : i32 to index
        %swap3A_1190 = arith.constant 112 : index
        %swap3A_1191 = tpu.vector_load %arg6[%swap3A_1188, %swap3A_1189, %swap3A_1190] {strides = array<i32>} : memref<32x8x128xf32, #tpu.memory_space<vmem>>, vector<1x1x16xf32>,
        %swap3A_1192 = vector.shape_cast %swap3A_1191 : vector<1x1x16xf32> to vector<16xf32>
        %swap3A_1193 = vector.shape_cast %mul3A_1186 : vector<16xf32> to vector<1x1x16xf32>
        tpu.vector_store %arg6[%swap3A_1188, %swap3A_1189, %swap3A_1190], %swap3A_1193 {strides = array<i32>} : memref<32x8x128xf32, #tpu.memory_space<vmem>>, vector<1x1x16xf32>,
        %get3A_1194 = arith.constant 6 : i32
        %get3A_1195 = arith.index_cast %scan3A_247 : i32 to index
        %get3A_1196 = arith.index_cast %get3A_1194 : i32 to index
        %get3A_1197 = arith.constant 112 : index
        %get3A_1198 = tpu.vector_load %arg6[%get3A_1195, %get3A_1196, %get3A_1197] {strides = array<i32>} : memref<32x8x128xf32, #tpu.memory_space<vmem>>, vector<1x1x16xf32>,
        %get3A_1199 = vector.shape_cast %get3A_1198 : vector<1x1x16xf32> to vector<16xf32>
        %mul3A_1200 = arith.mulf %get3A_1199, %get3A_1109 : vector<16xf32>
        %swap3A_1201 = arith.constant 6 : i32
        %swap3A_1202 = arith.index_cast %scan3A_247 : i32 to index
        %swap3A_1203 = arith.index_cast %swap3A_1201 : i32 to index
        %swap3A_1204 = arith.constant 112 : index
        %swap3A_1205 = tpu.vector_load %arg6[%swap3A_1202, %swap3A_1203, %swap3A_1204] {strides = array<i32>} : memref<32x8x128xf32, #tpu.memory_space<vmem>>, vector<1x1x16xf32>,
        %swap3A_1206 = vector.shape_cast %swap3A_1205 : vector<1x1x16xf32> to vector<16xf32>
        %swap3A_1207 = vector.shape_cast %mul3A_1200 : vector<16xf32> to vector<1x1x16xf32>
        tpu.vector_store %arg6[%swap3A_1202, %swap3A_1203, %swap3A_1204], %swap3A_1207 {strides = array<i32>} : memref<32x8x128xf32, #tpu.memory_space<vmem>>, vector<1x1x16xf32>,
        %get3A_1208 = arith.constant 7 : i32
        %get3A_1209 = arith.index_cast %scan3A_247 : i32 to index
        %get3A_1210 = arith.index_cast %get3A_1208 : i32 to index
        %get3A_1211 = arith.constant 112 : index
        %get3A_1212 = tpu.vector_load %arg6[%get3A_1209, %get3A_1210, %get3A_1211] {strides = array<i32>} : memref<32x8x128xf32, #tpu.memory_space<vmem>>, vector<1x1x16xf32>,
        %get3A_1213 = vector.shape_cast %get3A_1212 : vector<1x1x16xf32> to vector<16xf32>
        %mul3A_1214 = arith.mulf %get3A_1213, %get3A_1109 : vector<16xf32>
        %swap3A_1215 = arith.constant 7 : i32
        %swap3A_1216 = arith.index_cast %scan3A_247 : i32 to index
        %swap3A_1217 = arith.index_cast %swap3A_1215 : i32 to index
        %swap3A_1218 = arith.constant 112 : index
        %swap3A_1219 = tpu.vector_load %arg6[%swap3A_1216, %swap3A_1217, %swap3A_1218] {strides = array<i32>} : memref<32x8x128xf32, #tpu.memory_space<vmem>>, vector<1x1x16xf32>,
        %swap3A_1220 = vector.shape_cast %swap3A_1219 : vector<1x1x16xf32> to vector<16xf32>
        %swap3A_1221 = vector.shape_cast %mul3A_1214 : vector<16xf32> to vector<1x1x16xf32>
        tpu.vector_store %arg6[%swap3A_1216, %swap3A_1217, %swap3A_1218], %swap3A_1221 {strides = array<i32>} : memref<32x8x128xf32, #tpu.memory_space<vmem>>, vector<1x1x16xf32>,
      }
      %scan3A_193 = arith.constant 32 : i32
      %add3A_194 = arith.constant 1 : i32
      %add3A_195 = arith.addi %mul3A_42, %add3A_194 : i32
      %jit3A_196 = arith.constant 8 : i32
      %div3A_197 = arith.divsi %add3A_195, %jit3A_196 : i32
      %sign3A_198 = arith.constant 0 : i32
      %sign3A_199 = arith.cmpi sgt, %add3A_195, %sign3A_198 : i32
      %sign3A_200 = arith.extui %sign3A_199 : i1 to i32
      %sign3A_201 = arith.constant 0 : i32
      %sign3A_202 = arith.cmpi slt, %add3A_195, %sign3A_201 : i32
      %sign3A_203 = arith.extui %sign3A_202 : i1 to i32
      %sign3A_204 = arith.subi %sign3A_200, %sign3A_203 : i32
      %sign3A_205 = arith.constant 0 : i32
      %sign3A_206 = arith.cmpi sgt, %jit3A_196, %sign3A_205 : i32
      %sign3A_207 = arith.extui %sign3A_206 : i1 to i32
      %sign3A_208 = arith.constant 0 : i32
      %sign3A_209 = arith.cmpi slt, %jit3A_196, %sign3A_208 : i32
      %sign3A_210 = arith.extui %sign3A_209 : i1 to i32
      %sign3A_211 = arith.subi %sign3A_207, %sign3A_210 : i32
      %ne3A_212 = arith.cmpi ne, %sign3A_204, %sign3A_211 : i32
      %rem3A_213 = arith.remsi %add3A_195, %jit3A_196 : i32
      %ne3A_214 = arith.constant 0 : i32
      %ne3A_215 = arith.cmpi ne, %rem3A_213, %ne3A_214 : i32
      %and3A_216 = arith.andi %ne3A_212, %ne3A_215 : i1
      %sub3A_217 = arith.constant 1 : i32
      %sub3A_218 = arith.subi %div3A_197, %sub3A_217 : i32
      %select_n3A_219 = arith.select %and3A_216, %sub3A_218, %div3A_197 : i32
      %jit3A_220 = arith.constant 8 : i32
      %eq3A_221 = arith.constant 0 : i32
      %eq3A_222 = arith.cmpi eq, %jit3A_220, %eq3A_221 : i32
      %jit3A_223 = arith.constant 1 : i32
      %select_n3A_224 = arith.select %eq3A_222, %jit3A_223, %jit3A_220 : i32
      %rem3A_225 = arith.remsi %add3A_195, %select_n3A_224 : i32
      %ne3A_226 = arith.constant 0 : i32
      %ne3A_227 = arith.cmpi ne, %rem3A_225, %ne3A_226 : i32
      %lt3A_228 = arith.constant 0 : i32
      %lt3A_229 = arith.cmpi slt, %rem3A_225, %lt3A_228 : i32
      %lt3A_230 = arith.constant 0 : i32
      %lt3A_231 = arith.cmpi slt, %select_n3A_224, %lt3A_230 : i32
      %ne3A_232 = arith.xori %lt3A_229, %lt3A_231 : i1
      %and3A_233 = arith.andi %ne3A_232, %ne3A_227 : i1
      %add3A_234 = arith.addi %rem3A_225, %select_n3A_224 : i32
      %select_n3A_235 = arith.select %and3A_233, %add3A_234, %rem3A_225 : i32
      %mul3A_236 = arith.constant 32 : i32
      %mul3A_237 = arith.muli %select_n3A_235, %mul3A_236 : i32
      %add3A_238 = arith.addi %mul3A_2, %mul3A_237 : i32
      %dma_start3A_239 = arith.constant 0 : i32
      %dma_start3A_240 = arith.constant 0 : i32
      %dma_start3A_241 = tpu.memref_slice %arg4[%select_n3A_219, %add3A_238, %dma_start3A_239, %dma_start3A_240] : memref<8x8192x8x128xf32, #tpu.memory_space<hbm>> -> memref<1x32x8x128xf32, #tpu.memory_space<hbm>>
      %dma_start3A_242 = tpu.memref_squeeze %dma_start3A_241 : memref<1x32x8x128xf32, #tpu.memory_space<hbm>> -> memref<32x8x128xf32, #tpu.memory_space<hbm>>
      %dma_start3A_243 = arith.constant 0 : i32
      %dma_start3A_244 = arith.constant 0 : i32
      %dma_start3A_245 = tpu.memref_slice %arg4[%select_n3A_219, %add3A_238, %dma_start3A_243, %dma_start3A_244] : memref<8x8192x8x128xf32, #tpu.memory_space<hbm>> -> memref<1x32x8x128xf32, #tpu.memory_space<hbm>>
      %dma_start3A_246 = tpu.memref_squeeze %dma_start3A_245 : memref<1x32x8x128xf32, #tpu.memory_space<hbm>> -> memref<32x8x128xf32, #tpu.memory_space<hbm>>
      tpu.enqueue_dma source(%arg6 : memref<32x8x128xf32, #tpu.memory_space<vmem>>) target(%dma_start3A_246 : memref<32x8x128xf32, #tpu.memory_space<hbm>>) target_semaphore(%arg11 : memref<!tpu.dma_semaphore, #tpu.memory_space<semaphore_mem>>)
    }
    %scan3A_18 = arith.constant 32 : i32
    %dma_wait3A = arith.constant 0 : i32
    %dma_wait3A_19 = arith.constant 0 : i32
    %dma_wait3A_20 = arith.constant 0 : i32
    %dma_wait3A_21 = arith.constant 0 : i32
    %dma_wait3A_22 = tpu.memref_slice %arg4[%dma_wait3A, %dma_wait3A_19, %dma_wait3A_20, %dma_wait3A_21] : memref<8x8192x8x128xf32, #tpu.memory_space<hbm>> -> memref<1x32x8x128xf32, #tpu.memory_space<hbm>>
    %dma_wait3A_23 = tpu.memref_squeeze %dma_wait3A_22 : memref<1x32x8x128xf32, #tpu.memory_space<hbm>> -> memref<32x8x128xf32, #tpu.memory_space<hbm>>
    %dma_wait3A_24 = arith.constant 0 : i32
    %dma_wait3A_25 = arith.constant 0 : i32
    %dma_wait3A_26 = arith.constant 0 : i32
    %dma_wait3A_27 = tpu.memref_slice %arg4[%dma_wait3A, %dma_wait3A_24, %dma_wait3A_25, %dma_wait3A_26] : memref<8x8192x8x128xf32, #tpu.memory_space<hbm>> -> memref<1x32x8x128xf32, #tpu.memory_space<hbm>>
    %dma_wait3A_28 = tpu.memref_squeeze %dma_wait3A_27 : memref<1x32x8x128xf32, #tpu.memory_space<hbm>> -> memref<32x8x128xf32, #tpu.memory_space<hbm>>
    tpu.wait_dma2 semaphore(%arg10 : memref<!tpu.dma_semaphore, #tpu.memory_space<semaphore_mem>>) src(%arg5 : memref<32x8x128xf32, #tpu.memory_space<vmem>>) dst(%dma_wait3A_28 : memref<32x8x128xf32, #tpu.memory_space<hbm>>)
    %dma_wait3A_29 = arith.constant 0 : i32
    %dma_wait3A_30 = arith.constant 0 : i32
    %dma_wait3A_31 = arith.constant 0 : i32
    %dma_wait3A_32 = arith.constant 0 : i32
    %dma_wait3A_33 = tpu.memref_slice %arg4[%dma_wait3A_29, %dma_wait3A_30, %dma_wait3A_31, %dma_wait3A_32] : memref<8x8192x8x128xf32, #tpu.memory_space<hbm>> -> memref<1x32x8x128xf32, #tpu.memory_space<hbm>>
    %dma_wait3A_34 = tpu.memref_squeeze %dma_wait3A_33 : memref<1x32x8x128xf32, #tpu.memory_space<hbm>> -> memref<32x8x128xf32, #tpu.memory_space<hbm>>
    %dma_wait3A_35 = arith.constant 0 : i32
    %dma_wait3A_36 = arith.constant 0 : i32
    %dma_wait3A_37 = arith.constant 0 : i32
    %dma_wait3A_38 = tpu.memref_slice %arg4[%dma_wait3A_29, %dma_wait3A_35, %dma_wait3A_36, %dma_wait3A_37] : memref<8x8192x8x128xf32, #tpu.memory_space<hbm>> -> memref<1x32x8x128xf32, #tpu.memory_space<hbm>>
    %dma_wait3A_39 = tpu.memref_squeeze %dma_wait3A_38 : memref<1x32x8x128xf32, #tpu.memory_space<hbm>> -> memref<32x8x128xf32, #tpu.memory_space<hbm>>
    tpu.wait_dma2 semaphore(%arg11 : memref<!tpu.dma_semaphore, #tpu.memory_space<semaphore_mem>>) src(%arg6 : memref<32x8x128xf32, #tpu.memory_space<vmem>>) dst(%dma_wait3A_39 : memref<32x8x128xf32, #tpu.memory_space<hbm>>)
    return
  }
}

</mosaic_0001>

<sc_bundles>
// kernel: kernel.3.cloned.1.call-start
scs
__scs_entry_jumppad:
0x0: {  	(pc) =	sbr.rel $0x88, $3  }
0x1: {  	(tag) =	ssettag $0x0;
	lr =	simm.s32 $0x1  }
0x2: {  	[smem:$0x3F9F] =	sst lr;
	_ =	strace $0xD0000000  }
0x3: {  	_ = 	snop  }
0x4: {  	_ = 	snop  }
0x5: {  	_ = 	snop  }
0x6: {  	_ = 	snop  }
0x7: {  	_ = 	snop  }
__scs_overlays_trampoline_lowered:
0x8: {  	[smem:$0x3FAE] =	sst s0  }
0x9: {  	[smem:$0x3FAF] =	sst s1  }
0xa: {  	[smem:$0x3FB0] =	sst s2  }
0xb: {  	[smem:$0x3FB1] =	sst s3  }
0xc: {  	[smem:$0x3FB2] =	sst s4  }
0xd: {  	[smem:$0x3FB3] =	sst s5  }
0xe: {  	[smem:$0x3FB4] =	sst s6  }
0xf: {  	[smem:$0x3FB5] =	sst s7  }
0x10: {  	[smem:$0x3FB6] =	sst s8  }
0x11: {  	[smem:$0x3FB7] =	sst s9;
	s0 =	simm.s32 @!p0 $0x0  }
0x12: {  	s1 =	sld [smem:$0x3F9D];
	s0 =	simm.s32 @p0 $0x1  }
0x13: {  	[smem:$0x3FB8] =	sst s0;
	s0 =	simm.s32 @!p1 $0x0  }
0x14: {  	s2 =	sld [smem:$0x3F9C];
	s0 =	simm.s32 @p1 $0x1  }
0x15: {  	[smem:$0x3FB9] =	sst s0;
	s0 =	simm.s32 @!p2 $0x0  }
0x16: {  	s3 =	sld [smem:$0x3FDB];
	s0 =	simm.s32 @p2 $0x1  }
0x17: {  	s4 =	simm.s32 $0x1BF5;
	[smem:$0x3FBB] =	sst s0  }
0x18: {  	s0 =	sld [smem:$0x3F9E];
	_ =	swait.ge [sflag:s4], $0x0  }
0x19: {  	s7 =	sld [smem:$0x3F9F]  }
0x1a: {  	s8 =	sadd.s32 $0xFFFFE003, lr  }
0x1b: {  	s9 =	sadd.s32 $0xFFFFFEF7, lr;
	s5 =	simm.s32 $0xFFFFFFFF;
	p2 =	slt.u32 s8, $0xFFFFF086  }
0x1c: {  	p1 =	slt.u32 s9, $0xF7A;
	s5 =	simm.s32 @!p2 $0x0  }
0x1d: {  	s5 =	simm.s32 @p1 $0x1;
	p0 =	seq.s32 s7, s2  }
0x1e: {  	s7 =	smul.u32 @!p0 $0xF7A, s2;
	p2 =	seq.s32 @!p0 s5, $0x0  }
0x1f: {  	s9 =	smul.u32 $0xF7A, s1;
	s8 =	simm.s32 @!p0 $0x1BF5;
	p2 =	por !p2, p0  }
0x20: {  	[sflag:s8] =	ssyncset.s32 @!p0 $0xFFFFF086;
	s6 =	sadd.s32 @!p0 s3, s7;
	s7 =	simm.s32 @!p0 $0x108  }
0x21: {  	s3 =	sadd.s32 s3, s9;
	s6 =	sadd.s32 @!p0 $0x88, s6;
	s7 =	simm.s32 @p2 $0x1082  }
0x22: {  	[simem:s7], [sflag:s8] =	dma.local @!p0 [hbm:s6], $0xF7A  }
0x23: {  	s9 =	sor.u32 $0xD0000000, s2;
	s6 =	simm.s32 $0x108;
	_ =	swait.ge @!p0 [sflag:s8], $0x0  }
0x24: {  	s3 =	sadd.s32 $0x88, s3;
	s6 =	simm.s32 @!p1 $0x1082;
	[sflag:s4] =	ssyncset.s32 $0xFFFFF086  }
0x25: {  	[simem:s6], [sflag:s4] =	dma.local [hbm:s3], $0xF7A  }
0x26: {  	[smem:$0x3F9F] =	sst s1;
	(tag) =	ssettag s2;
	_ =	strace s9  }
0x27: {  	s1 =	sld [smem:$0x3FAF]  }
0x28: {  	s2 =	sld [smem:$0x3FB0]  }
0x29: {  	s4 =	sld [smem:$0x3FB2]  }
0x2a: {  	p0 =	seq.s32 s5, $0x0;
	s5 =	sld [smem:$0x3FB3]  }
0x2b: {  	s6 =	sld [smem:$0x3FB4]  }
0x2c: {  	s7 =	sld [smem:$0x3FB5]  }
0x2d: {  	s3 =	simm.s32 $0x108;
	s8 =	sld [smem:$0x3FB6]  }
0x2e: {  	s3 =	simm.s32 @!p0 $0x1082;
	s9 =	sld [smem:$0x3FB7]  }
0x2f: {  	lr =	sadd.s32 s0, s3;
	s0 =	sld [smem:$0x3FAE]  }
0x30: {  	s3 =	sld [smem:$0x3FB1]  }
0x31: {  	[smem:$0x3FBA] =	sst s10  }
0x32: {  	s10 =	sld [smem:$0x3FB8];
	_ =	sdelay $0x3  }
0x33: {  	p0 =	seq.s32 s10, $0x1;
	s10 =	sld [smem:$0x3FBA];
	_ =	sdelay $0x3  }
0x34: {  	[smem:$0x3FBA] =	sst s10  }
0x35: {  	s10 =	sld [smem:$0x3FB9];
	_ =	sdelay $0x3  }
0x36: {  	p1 =	seq.s32 s10, $0x1;
	s10 =	sld [smem:$0x3FBA];
	_ =	sdelay $0x3  }
0x37: {  	[smem:$0x3FBA] =	sst s10  }
0x38: {  	s10 =	sld [smem:$0x3FBB]  }
0x39: {  	_ = 	snop;
	(pc) =	sbr.ind lr, $3  }
0x3a: {  	_ = 	snop  }
0x3b: {  	_ = 	snop  }
0x3c: {  	p2 =	seq.s32 s10, $0x1;
	s10 =	sld [smem:$0x3FBA]  }
0x3d: {  	_ =	shalt  }
0x3e: {  	_ =	shalt  }
0x3f: {  	_ =	shalt  }
0x40: {  	_ =	shalt  }
0x41: {  	_ =	shalt  }
0x42: {  	_ =	shalt  }
0x43: {  	_ =	shalt  }
0x44: {  	_ =	shalt  }
0x45: {  	_ =	shalt  }
0x46: {  	_ =	shalt  }
0x47: {  	_ =	shalt  }
0x48: {  	_ =	shalt  }
0x49: {  	_ =	shalt  }
0x4a: {  	_ =	shalt  }
0x4b: {  	_ =	shalt  }
0x4c: {  	_ =	shalt  }
0x4d: {  	_ =	shalt  }
0x4e: {  	_ =	shalt  }
0x4f: {  	_ =	shalt  }
0x50: {  	_ =	shalt  }
0x51: {  	_ =	shalt  }
0x52: {  	_ =	shalt  }
0x53: {  	_ =	shalt  }
0x54: {  	_ =	shalt  }
0x55: {  	_ =	shalt  }
0x56: {  	_ =	shalt  }
0x57: {  	_ =	shalt  }
0x58: {  	_ =	shalt  }
0x59: {  	_ =	shalt  }
0x5a: {  	_ =	shalt  }
0x5b: {  	_ =	shalt  }
0x5c: {  	_ =	shalt  }
0x5d: {  	_ =	shalt  }
0x5e: {  	_ =	shalt  }
0x5f: {  	_ =	shalt  }
0x60: {  	_ =	shalt  }
0x61: {  	_ =	shalt  }
0x62: {  	_ =	shalt  }
0x63: {  	_ =	shalt  }
0x64: {  	_ =	shalt  }
0x65: {  	_ =	shalt  }
0x66: {  	_ =	shalt  }
0x67: {  	_ =	shalt  }
0x68: {  	_ =	shalt  }
0x69: {  	_ =	shalt  }
0x6a: {  	_ =	shalt  }
0x6b: {  	_ =	shalt  }
0x6c: {  	_ =	shalt  }
0x6d: {  	_ =	shalt  }
0x6e: {  	_ =	shalt  }
0x6f: {  	_ =	shalt  }
0x70: {  	_ =	shalt  }
0x71: {  	_ =	shalt  }
0x72: {  	_ =	shalt  }
0x73: {  	_ =	shalt  }
0x74: {  	_ =	shalt  }
0x75: {  	_ =	shalt  }
0x76: {  	_ =	shalt  }
0x77: {  	_ =	shalt  }
0x78: {  	_ =	shalt  }
0x79: {  	_ =	shalt  }
0x7a: {  	_ =	shalt  }
0x7b: {  	_ =	shalt  }
0x7c: {  	_ =	shalt  }
0x7d: {  	_ =	shalt  }
0x7e: {  	_ =	shalt  }
0x7f: {  	_ =	shalt  }
0x80: {  	_ =	shalt  }
0x81: {  	_ =	shalt  }
0x82: {  	_ =	shalt  }
0x83: {  	_ =	shalt  }
0x84: {  	_ =	shalt  }
0x85: {  	_ =	shalt  }
0x86: {  	_ =	shalt  }
0x87: {  	_ =	shalt  }
.Lfunc_end0:
.L_simem_size_0:
called_computation_lowered:
.L_overlay_start_0:
0x88: {  	s2 =	sld [smem:$0x3FD9]  }
0x89: {  	s3 =	sld [smem:$0x3FFE];
	_ =	sdelay $0x1  }
0x8a: {  	s1 =	srdreg.scid  }
0x8b: {  	s0 =	sand.u32 $0x1, s1  }
0x8c: {  	s18 =	sshll.u32 s0, $0xA;
	s2 =	sadd.s32 s3, s2  }
0x8d: {  	s2 =	sadd.s32 s2, s18  }
0x8e: {  	[smem:$0x3FC6] =	sst s2  }
0x8f: {  	_ = 	snop  }
0x90: {  	s2 =	sld [smem:$0x3FC9]  }
0x91: {  	s19 =	sld [smem:$0x3FC8]  }
0x92: {  	s4 =	sld [smem:$0x3FD0];
	(tm) =	ssettm $0x1  }
0x93: {  	s5 =	sld [smem:$0x3FFB];
	_ =	sdelay $0x3  }
0x94: {  	_ =	strace s5  }
0x95: {  	s5 =	sld [smem:$0x3FFC];
	_ =	sdelay $0x3  }
0x96: {  	_ =	strace s5  }
0x97: {  	s5 =	sld [smem:$0x3FFD];
	_ =	sdelay $0x3  }
0x98: {  	_ =	strace s5  }
0x99: {  	_ =	strace $0x8FFFFFFF  }
0x9a: {  	s20 =	sld [smem:$0x3FDB];
	_ =	sdelay $0x1  }
0x9b: {  	s6 =	simm.s32 $_scs_section_size  }
0x9c: {  	s7 =	simm.s32 $_size__tile_overlayer_lowered;
	s8 =	simm.s32 $_tile_overlayer_lowered  }
0x9d: {  	s23 =	simm.s32 $0x1BFF;
	s22 =	sshll.u32 s8, $0x1;
	s5 =	sadd.s32 s6, s20  }
0x9e: {  	s9 =	simm.s32 $0x0;
	s21 =	sshll.u32 s7, $0x1;
	s7 =	sadd.s32 s22, s5  }
0x9f: {  	[timem:s9], [sflag:s23] =	dma.local [hbm:s7], s21  }
0xa0: {  	_ =	swait.ge [sflag:s23], s21  }
0xa1: {  	s6 =	ssub.s32 $0x0, s21;
	[sflag:s23] =	ssyncset.done $0x0  }
0xa2: {  	[sflag:s23] =	ssyncadd.s32 s6;
	_ =	sdelay $0x1  }
0xa3: {  	s24 =	simm.s32 $0x1B8B  }
0xa4: {  	_ =	swait.ge [sflag:s24], $0x1  }
0xa5: {  	[sflag:s24] =	ssyncset.done $0x0  }
0xa6: {  	s25 =	simm.s32 $0x1B8E;
	[sflag:s24] =	ssyncadd.s32 $0xFFFFFFFF  }
0xa7: {  	s26 =	simm.s32 $execute0_lowered;
	[smem:$0x3FD2] =	sst s25  }
0xa8: {  	s6 =	sshll.u32 s26, $0x1;
	_ =	strace $0x80000046;
	[dreg:$0x1] =	wrdreg $0xFFFFFFFF  }
0xa9: {  	s28 =	simm.s32 $_size_execute0_lowered;
	s5 =	sadd.s32 s5, s6;
	[dreg:$0x0] =	wrdreg $0x0  }
0xaa: {  	s6 =	sshll.u32 s28, $0x1;
	[dreg:$0x2] =	wrdreg s5  }
0xab: {  	[dreg:$0x3] =	wrdreg s6  }
0xac: {  	[dreg:$0x4] =	wrdreg $0xC0  }
0xad: {  	_ =	task [dreg:s9], $0x5FFFF  }
0xae: {  	[dreg:$0x1] =	wrdreg $0xFFFFFFFF  }
0xaf: {  	[dreg:$0x0] =	wrdreg $0x60  }
0xb0: {  	[dreg:$0x2] =	wrdreg s2  }
0xb1: {  	[dreg:$0x3] =	wrdreg s19  }
0xb2: {  	[dreg:$0x4] =	wrdreg s4  }
0xb3: {  	[dreg:$0x5] =	wrdreg $0x9  }
0xb4: {  	_ =	task.clear_ibuf [dreg:s9], $0x6FFFF;
	_ =	strace $0x90000046  }
0xb5: {  	s29 =	simm.s32 $0x9;
	_ =	strace $0x80000048  }
0xb6: {  	_ =	swait.ge [sflag:s29], $0x1  }
0xb7: {  	[sflag:s29] =	ssyncadd.s32 $0xFFFFFFFF  }
0xb8: {  	_ =	strace $0x90000048  }
0xb9: {  	_ =	sfence  }
0xba: {  	s30 =	sld [smem:$0x0];
	_ =	sdelay $0x2  }
0xbb: {  	s31 =	sshll.u32 s1, $0xD;
	s1 =	sshrl.u32 s1, $0x2  }
0xbc: {  	s3 =	sand.u32 $0x4000, s31;
	s1 =	sadd.s32 s1, s30  }
0xbd: {  	s0 =	sor.u32 s3, s0;
	s1 =	sshll.u32 s1, $0x11  }
0xbe: {  	s0 =	sor.u32 s1, s0  }
0xbf: {  	s0 =	sadd.s32 $0x8F2B, s0  }
0xc0: {  	[sflag:s0] =	ssyncadd.remote.s32 $0x1  }
0xc1: {  	_ =	sfence.sel $0xFFFF  }
0xc2: {  	[dreg:$0x0] =	wrdreg $0xFFFFFFFF;
	(pc) =	sbr.abs _section_cstart, $3  }
0xc3: {  	[dreg:$0x1] =	wrdreg $0xFFFFFFFF  }
0xc4: {  	_ =	task.clear_ibuf [dreg:s9], $0x2FFFF;
	_ =	strace $0x9FFFFFFF  }
0xc5: {  	(tm) =	ssettm $0x7FFFFFFF  }
tec
execute0_lowered:
.L_overlay_start_1:
0x0: {  	(tag) =	ssettag $0x1  }
0x1: {  	s1 =	rddreg [dreg:$0x0]  }
0x2: {  	s6 =	rddreg [dreg:$0x1]  }
0x3: {  	s2 =	rddreg [dreg:$0x2]  }
0x4: {  	s3 =	srdreg.scid;
	s0 =	rddreg [dreg:$0x3];
	s4 =	simm.s32 $0x0  }
0x5: {  	s11 =	simm.s32 $0x5;
	s12 =	simm.s32 $0x1;
	s13 =	simm.s32 $0x8000  }
0x6: {  	s14 =	simm.s32 $0x2;
	s15 =	simm.s32 $0x3;
	s16 =	simm.s32 $0x4  }
0x7: {  	s17 =	simm.s32 $0x0;
	s5 =	sand.u32 $0x1, s3;
	s3 =	stileid.u32  }
0x8: {  	[smem:$0x7FF] =	sst s4;
	s7 =	ssub.s32 $0x2, s5;
	s9 =	sshll.u32 s3, $0x1  }
0x9: {  	_ =	strace $0x80000047;
	s8 =	sshrl.u32 s7, $0x1;
	s30 =	sor.u32 s5, s9  }
0xa: {  	s10 =	ssub.s32 s7, s8;
	s31 =	sshll.u32 s30, $0xC;
	s9 =	sshll.u32 s30, $0xF  }
0xb: {  	s5 =	sshll.u32 s30, $0x8;
	s6 =	sadd.s32 s6, s31;
	s7 =	sadd.s32 s1, s9  }
0xc: {  	s8 =	sadd.s32 s2, s9;
	s9 =	smax.u32 s10, $0x1;
	s10 =	simm.s32 $0x10000  }
.LBB2_1:
0xd: {  	[tilespmem:s10], [sflag:$0x5] =	stream.linear.gather [hbm4b:s6+s4], $0x8000, $0x38;
	[tilespmem:$0x18000] =	vst v63  }
0xe: {  	_ =	swait.ge [sflag:s11], $0x8000  }
0xf: {  	[sflag:s11] =	ssyncset.done $0x0  }
0x10: {  	s18 =	simm.s32 $0x0;
	s19 =	simm.s32 $0x0;
	[sflag:s11] =	ssyncadd.s32 $0xFFFF8000  }
0x11: {  	[tilespmem:s4], [sflag:$0x1] =	stream.linear.gather [hbm4b:s7+s4], $0x8000, $0x38;
	[tilespmem:$0x18000] =	vst v63  }
.LBB2_2:
0x12: {  	_ =	swait.ge [sflag:s12], $0x8000;
	s20 =	sshll.u32 s18, $0xD  }
0x13: {  	s21 =	sshll.u32 s19, $0x6;
	p0 =	seq.s32 s19, $0x0;
	s26 =	sshll.u32 s19, $0x12  }
0x14: {  	[sflag:s12] =	ssyncset.done $0x0;
	s23 =	sand.u32 $0x6000, s20;
	s25 =	sand.u32 $0xC0, s21  }
0x15: {  	s22 =	simm.s32 @!p0 $0x4;
	s21 =	sand.u32 $0x700000, s26;
	s20 =	sor.u32 s5, s25  }
0x16: {  	[sflag:s12] =	ssyncadd.s32 $0xFFFF8000;
	s24 =	sor.u32 $0x10040, s23;
	s20 =	sshll.u32 s20, $0x7  }
0x17: {  	_ =	swait.ge @!p0 [sflag:s22], $0x8000;
	v0 =	vmov s24;
	s20 =	sor.u32 s20, s21  }
0x18: {  	s31 =	simm.s32 $0x0;
	[sflag:s22] =	ssyncset.done @!p0 $0x0;
	s20 =	sadd.s32 $0x1000, s20  }
0x19: {  	s24 =	simm.s32 $0x200;
	[sflag:s22] =	ssyncadd.s32 @!p0 $0xFFFF8000;
	s30 =	sadd.s32 s1, s20  }
0x1a: {  	[tilespmem:s13], [sflag:$0x2] =	stream.linear.gather [hbm4b:s30+s31], $0x8000, $0x38;
	[tilespmem:$0x18000] =	vst v63  }
0x1b: {  	s22 =	simm.s32 $0x0;
	v1 =	vld [tilespmem:s24+$0x180]  }
0x1c: {  	v2 =	vld.idx.msk [tilespmem:v0+s22+$0xFFFFFFC0 ss:$0x1], $0xffff  }
0x1d: {  	v3 =	vld [tilespmem:s24+$0xFFFFFE00]  }
0x1e: {  	v4 =	vld [tilespmem:s24+$0xFFFFFF00]  }
0x1f: {  	v5 =	vld [tilespmem:s24+$0xFFFFFF80]  }
0x20: {  	v6 =	vld [tilespmem:s24+$0x80]  }
0x21: {  	v7 =	vld [tilespmem:s24+$0xFFFFFE80];
	v1 =	vmul.f32 v1, v2  }
0x22: {  	v8 =	vld [tilespmem:s24+$0x100];
	v3 =	vmul.f32 v3, v2  }
0x23: {  	v9 =	vld [tilespmem:s24+$0x0];
	v4 =	vmul.f32 v4, v2;
	[tilespmem:s24+$0x180] =	vst v1  }
0x24: {  	v1 =	vmul.f32 v5, v2;
	[tilespmem:s24+$0xFFFFFE00] =	vst v3  }
0x25: {  	v3 =	vmul.f32 v6, v2;
	[tilespmem:s24+$0xFFFFFF00] =	vst v4  }
0x26: {  	v4 =	vmul.f32 v7, v2;
	[tilespmem:s24+$0xFFFFFF80] =	vst v1  }
0x27: {  	v1 =	vmul.f32 v8, v2;
	[tilespmem:s24+$0x80] =	vst v3  }
0x28: {  	v2 =	vmul.f32 v9, v2;
	[tilespmem:s24+$0xFFFFFE80] =	vst v4  }
0x29: {  	[tilespmem:s24+$0x100] =	vst v1  }
0x2a: {  	[tilespmem:s24+$0x0] =	vst v2;
	v2 =	vld [tilespmem:s24+$0xFFFFFE90]  }
0x2b: {  	v1 =	vld.idx.msk [tilespmem:v0+s22+$0xFFFFFFD0 ss:$0x1], $0xffff  }
0x2c: {  	v3 =	vld [tilespmem:s24+$0x10]  }
0x2d: {  	v4 =	vld [tilespmem:s24+$0x110]  }
0x2e: {  	v5 =	vld [tilespmem:s24+$0xFFFFFE10]  }
0x2f: {  	v6 =	vld [tilespmem:s24+$0x190]  }
0x30: {  	v7 =	vld [tilespmem:s24+$0x90];
	v2 =	vmul.f32 v2, v1  }
0x31: {  	v8 =	vld [tilespmem:s24+$0xFFFFFF90];
	v3 =	vmul.f32 v3, v1  }
0x32: {  	v9 =	vld [tilespmem:s24+$0xFFFFFF10];
	v4 =	vmul.f32 v4, v1;
	[tilespmem:s24+$0xFFFFFE90] =	vst v2  }
0x33: {  	v2 =	vmul.f32 v5, v1;
	[tilespmem:s24+$0x10] =	vst v3  }
0x34: {  	v3 =	vmul.f32 v6, v1;
	[tilespmem:s24+$0x110] =	vst v4  }
0x35: {  	v4 =	vmul.f32 v7, v1;
	[tilespmem:s24+$0xFFFFFE10] =	vst v2  }
0x36: {  	v2 =	vmul.f32 v8, v1;
	[tilespmem:s24+$0x190] =	vst v3  }
0x37: {  	v1 =	vmul.f32 v9, v1;
	[tilespmem:s24+$0x90] =	vst v4  }
0x38: {  	[tilespmem:s24+$0xFFFFFF90] =	vst v2  }
0x39: {  	[tilespmem:s24+$0xFFFFFF10] =	vst v1;
	v2 =	vld [tilespmem:s24+$0xFFFFFF20]  }
0x3a: {  	v1 =	vld.idx.msk [tilespmem:v0+s22+$0xFFFFFFE0 ss:$0x1], $0xffff  }
0x3b: {  	v3 =	vld [tilespmem:s24+$0xFFFFFE20]  }
0x3c: {  	v4 =	vld [tilespmem:s24+$0x120]  }
0x3d: {  	v5 =	vld [tilespmem:s24+$0xA0]  }
0x3e: {  	v6 =	vld [tilespmem:s24+$0x1A0]  }
0x3f: {  	v7 =	vld [tilespmem:s24+$0xFFFFFEA0];
	v2 =	vmul.f32 v2, v1  }
0x40: {  	v8 =	vld [tilespmem:s24+$0xFFFFFFA0];
	v3 =	vmul.f32 v3, v1  }
0x41: {  	v9 =	vld [tilespmem:s24+$0x20];
	v4 =	vmul.f32 v4, v1;
	[tilespmem:s24+$0xFFFFFF20] =	vst v2  }
0x42: {  	v2 =	vmul.f32 v5, v1;
	[tilespmem:s24+$0xFFFFFE20] =	vst v3  }
0x43: {  	v3 =	vmul.f32 v6, v1;
	[tilespmem:s24+$0x120] =	vst v4  }
0x44: {  	v4 =	vmul.f32 v7, v1;
	[tilespmem:s24+$0xA0] =	vst v2  }
0x45: {  	v2 =	vmul.f32 v8, v1;
	[tilespmem:s24+$0x1A0] =	vst v3  }
0x46: {  	v1 =	vmul.f32 v9, v1;
	[tilespmem:s24+$0xFFFFFEA0] =	vst v4  }
0x47: {  	[tilespmem:s24+$0xFFFFFFA0] =	vst v2  }
0x48: {  	[tilespmem:s24+$0x20] =	vst v1;
	v2 =	vld [tilespmem:s24+$0xFFFFFE30]  }
0x49: {  	v1 =	vld.idx.msk [tilespmem:v0+s22+$0xFFFFFFF0 ss:$0x1], $0xffff  }
0x4a: {  	v3 =	vld [tilespmem:s24+$0xFFFFFEB0]  }
0x4b: {  	v4 =	vld [tilespmem:s24+$0x130]  }
0x4c: {  	v5 =	vld [tilespmem:s24+$0xFFFFFF30]  }
0x4d: {  	v6 =	vld [tilespmem:s24+$0xFFFFFFB0]  }
0x4e: {  	v7 =	vld [tilespmem:s24+$0x1B0];
	v2 =	vmul.f32 v2, v1  }
0x4f: {  	v8 =	vld [tilespmem:s24+$0x30];
	v3 =	vmul.f32 v3, v1  }
0x50: {  	v9 =	vld [tilespmem:s24+$0xB0];
	v4 =	vmul.f32 v4, v1;
	[tilespmem:s24+$0xFFFFFE30] =	vst v2  }
0x51: {  	v2 =	vmul.f32 v5, v1;
	[tilespmem:s24+$0xFFFFFEB0] =	vst v3  }
0x52: {  	v3 =	vmul.f32 v6, v1;
	[tilespmem:s24+$0x130] =	vst v4  }
0x53: {  	v4 =	vmul.f32 v7, v1;
	[tilespmem:s24+$0xFFFFFF30] =	vst v2  }
0x54: {  	v10 =	vld [tilespmem:s24+$0x40];
	v2 =	vmul.f32 v8, v1;
	[tilespmem:s24+$0xFFFFFFB0] =	vst v3  }
0x55: {  	v6 =	vld [tilespmem:s24+$0xFFFFFF40];
	v3 =	vmul.f32 v9, v1;
	[tilespmem:s24+$0x1B0] =	vst v4  }
0x56: {  	v7 =	vld [tilespmem:s24+$0xFFFFFFC0];
	[tilespmem:s24+$0x30] =	vst v2  }
0x57: {  	v8 =	vld [tilespmem:s24+$0xFFFFFE40];
	[tilespmem:s24+$0xB0] =	vst v3  }
0x58: {  	v2 =	vld.idx.msk [tilespmem:v0+s22+$0x0 ss:$0x1], $0xffff  }
0x59: {  	v5 =	vld [tilespmem:s24+$0x140]  }
0x5a: {  	v4 =	vld [tilespmem:s24+$0xC0]  }
0x5b: {  	v3 =	vld [tilespmem:s24+$0xFFFFFEC0]  }
0x5c: {  	s29 =	simm.s32 $0x200;
	s25 =	sshll.u32 s19, $0x1;
	v1 =	vld [tilespmem:s24+$0x1C0]  }
0x5d: {  	s28 =	simm.s32 $0x200;
	s23 =	sor.u32 $0x11000, s23;
	s26 =	sand.u32 $0x6, s25;
	v9 =	vmul.f32 v8, v2;
	v8 =	vmul.f32 v10, v2  }
.LBB2_3:
0x5e: {  	p0 =	sne.s32 s29, $0x3E00  }
0x5f: {  	v6 =	vmul.f32 v6, v2;
	v7 =	vmul.f32 v7, v2;
	s24 =	sadd.s32 $0x400, s24;
	s30 =	smov.u32 s29;
	s29 =	sadd.s32 $0x200, s29  }
0x60: {  	v3 =	vmul.f32 v3, v2;
	[tilespmem:s28+$0xFFFFFE40] =	vst v9;
	v4 =	vmul.f32 v4, v2  }
0x61: {  	v1 =	vmul.f32 v1, v2;
	[tilespmem:s28+$0x40] =	vst v8;
	v5 =	vmul.f32 v5, v2  }
0x62: {  	[tilespmem:s28+$0xFFFFFF40] =	vst v6  }
0x63: {  	[tilespmem:s28+$0xFFFFFEC0] =	vst v3  }
0x64: {  	[tilespmem:s28+$0x1C0] =	vst v1;
	v1 =	vld [tilespmem:s28+$0xFFFFFF50]  }
0x65: {  	[tilespmem:s28+$0xFFFFFFC0] =	vst v7;
	v2 =	vld [tilespmem:s28+$0xFFFFFE50]  }
0x66: {  	[tilespmem:s28+$0x140] =	vst v5;
	v3 =	vld [tilespmem:s28+$0x1D0]  }
0x67: {  	[tilespmem:s28+$0xC0] =	vst v4;
	v4 =	vld [tilespmem:s28+$0x150]  }
0x68: {  	v5 =	vld.idx.msk [tilespmem:v0+s22+$0x10 ss:$0x1], $0xffff  }
0x69: {  	v6 =	vld [tilespmem:s28+$0xFFFFFED0]  }
0x6a: {  	v7 =	vld [tilespmem:s28+$0xFFFFFFD0]  }
0x6b: {  	v8 =	vld [tilespmem:s28+$0x50]  }
0x6c: {  	v9 =	vld [tilespmem:s28+$0xD0];
	_ =	sdelay $0x1  }
0x6d: {  	v2 =	vmul.f32 v2, v5;
	v6 =	vmul.f32 v6, v5  }
0x6e: {  	v1 =	vmul.f32 v1, v5;
	v7 =	vmul.f32 v7, v5  }
0x6f: {  	v3 =	vmul.f32 v3, v5;
	[tilespmem:s28+$0xFFFFFE50] =	vst v2;
	v2 =	vmul.f32 v8, v5  }
0x70: {  	v4 =	vmul.f32 v4, v5;
	[tilespmem:s28+$0xFFFFFF50] =	vst v1;
	v1 =	vmul.f32 v9, v5  }
0x71: {  	[tilespmem:s28+$0xFFFFFFD0] =	vst v7  }
0x72: {  	[tilespmem:s28+$0x1D0] =	vst v3  }
0x73: {  	[tilespmem:s28+$0x150] =	vst v4;
	v3 =	vld [tilespmem:s28+$0xFFFFFF60]  }
0x74: {  	[tilespmem:s28+$0xFFFFFED0] =	vst v6;
	v4 =	vld [tilespmem:s28+$0xFFFFFE60]  }
0x75: {  	[tilespmem:s28+$0x50] =	vst v2;
	v2 =	vld [tilespmem:s28+$0xFFFFFEE0]  }
0x76: {  	[tilespmem:s28+$0xD0] =	vst v1;
	v1 =	vld [tilespmem:s28+$0xFFFFFFE0]  }
0x77: {  	v5 =	vld.idx.msk [tilespmem:v0+s22+$0x20 ss:$0x1], $0xffff  }
0x78: {  	v6 =	vld [tilespmem:s28+$0x160]  }
0x79: {  	v7 =	vld [tilespmem:s28+$0x60]  }
0x7a: {  	v8 =	vld [tilespmem:s28+$0xE0]  }
0x7b: {  	v9 =	vld [tilespmem:s28+$0x1E0];
	_ =	sdelay $0x1  }
0x7c: {  	v4 =	vmul.f32 v4, v5;
	v6 =	vmul.f32 v6, v5  }
0x7d: {  	v3 =	vmul.f32 v3, v5;
	v1 =	vmul.f32 v1, v5  }
0x7e: {  	[tilespmem:s28+$0xFFFFFE60] =	vst v4;
	v4 =	vmul.f32 v7, v5;
	v7 =	vmul.f32 v8, v5  }
0x7f: {  	v2 =	vmul.f32 v2, v5;
	[tilespmem:s28+$0xFFFFFF60] =	vst v3;
	v3 =	vmul.f32 v9, v5  }
0x80: {  	[tilespmem:s28+$0xFFFFFFE0] =	vst v1  }
0x81: {  	[tilespmem:s28+$0x160] =	vst v6  }
0x82: {  	[tilespmem:s28+$0xFFFFFEE0] =	vst v2;
	v1 =	vld [tilespmem:s28+$0xFFFFFFF0]  }
0x83: {  	[tilespmem:s28+$0x60] =	vst v4;
	v2 =	vld [tilespmem:s28+$0xFFFFFE70]  }
0x84: {  	[tilespmem:s28+$0xE0] =	vst v7;
	v4 =	vld [tilespmem:s28+$0x70]  }
0x85: {  	[tilespmem:s28+$0x1E0] =	vst v3;
	v3 =	vld [tilespmem:s28+$0x1F0]  }
0x86: {  	v5 =	vld.idx.msk [tilespmem:v0+s22+$0x30 ss:$0x1], $0xffff  }
0x87: {  	v6 =	vld [tilespmem:s28+$0xFFFFFEF0]  }
0x88: {  	v7 =	vld [tilespmem:s28+$0xFFFFFF70]  }
0x89: {  	v8 =	vld [tilespmem:s28+$0xF0]  }
0x8a: {  	v9 =	vld [tilespmem:s28+$0x170];
	_ =	sdelay $0x1  }
0x8b: {  	v2 =	vmul.f32 v2, v5;
	v6 =	vmul.f32 v6, v5  }
0x8c: {  	v1 =	vmul.f32 v1, v5;
	v7 =	vmul.f32 v7, v5  }
0x8d: {  	[tilespmem:s28+$0xFFFFFE70] =	vst v2;
	v2 =	vmul.f32 v4, v5;
	v4 =	vmul.f32 v8, v5  }
0x8e: {  	v3 =	vmul.f32 v3, v5;
	[tilespmem:s28+$0xFFFFFFF0] =	vst v1;
	v1 =	vmul.f32 v9, v5  }
0x8f: {  	[tilespmem:s28+$0xFFFFFEF0] =	vst v6  }
0x90: {  	[tilespmem:s28+$0x70] =	vst v2  }
0x91: {  	v2 =	vld [tilespmem:s24+$0x80];
	[tilespmem:s28+$0xFFFFFF70] =	vst v7  }
0x92: {  	v5 =	vld [tilespmem:s24+$0xFFFFFF80];
	[tilespmem:s28+$0x1F0] =	vst v3  }
0x93: {  	v3 =	vld [tilespmem:s24+$0x100];
	[tilespmem:s28+$0xF0] =	vst v4  }
0x94: {  	s22 =	sshra.s32 s30, $0x2;
	v4 =	vld [tilespmem:s24+$0x180];
	[tilespmem:s28+$0x170] =	vst v1;
	s28 =	smov.u32 s24  }
0x95: {  	v1 =	vld.idx.msk [tilespmem:v0+s22+$0xFFFFFFC0 ss:$0x1], $0xffff  }
0x96: {  	v6 =	vld [tilespmem:s24+$0xFFFFFE00]  }
0x97: {  	v7 =	vld [tilespmem:s24+$0xFFFFFF00]  }
0x98: {  	v8 =	vld [tilespmem:s24+$0xFFFFFE80]  }
0x99: {  	v9 =	vld [tilespmem:s24+$0x0];
	_ =	sdelay $0x1  }
0x9a: {  	v4 =	vmul.f32 v4, v1;
	v6 =	vmul.f32 v6, v1  }
0x9b: {  	v3 =	vmul.f32 v3, v1;
	v7 =	vmul.f32 v7, v1  }
0x9c: {  	v5 =	vmul.f32 v5, v1;
	v8 =	vmul.f32 v8, v1;
	[tilespmem:s24+$0x180] =	vst v4  }
0x9d: {  	[tilespmem:s24+$0xFFFFFE00] =	vst v6;
	v4 =	vmul.f32 v9, v1;
	v1 =	vmul.f32 v2, v1  }
0x9e: {  	[tilespmem:s24+$0xFFFFFF00] =	vst v7  }
0x9f: {  	[tilespmem:s24+$0xFFFFFF80] =	vst v5  }
0xa0: {  	[tilespmem:s24+$0x80] =	vst v1;
	v1 =	vld [tilespmem:s24+$0x190]  }
0xa1: {  	[tilespmem:s24+$0xFFFFFE80] =	vst v8;
	v2 =	vld [tilespmem:s24+$0x90]  }
0xa2: {  	[tilespmem:s24+$0x100] =	vst v3;
	v3 =	vld [tilespmem:s24+$0x110]  }
0xa3: {  	[tilespmem:s24+$0x0] =	vst v4;
	v4 =	vld [tilespmem:s24+$0x10]  }
0xa4: {  	v5 =	vld.idx.msk [tilespmem:v0+s22+$0xFFFFFFD0 ss:$0x1], $0xffff  }
0xa5: {  	v6 =	vld [tilespmem:s24+$0xFFFFFE90]  }
0xa6: {  	v7 =	vld [tilespmem:s24+$0xFFFFFE10]  }
0xa7: {  	v8 =	vld [tilespmem:s24+$0xFFFFFF10]  }
0xa8: {  	v9 =	vld [tilespmem:s24+$0xFFFFFF90];
	_ =	sdelay $0x1  }
0xa9: {  	v4 =	vmul.f32 v4, v5;
	v6 =	vmul.f32 v6, v5  }
0xaa: {  	v3 =	vmul.f32 v3, v5;
	v7 =	vmul.f32 v7, v5  }
0xab: {  	v2 =	vmul.f32 v2, v5;
	[tilespmem:s24+$0xFFFFFE90] =	vst v6;
	v6 =	vmul.f32 v8, v5  }
0xac: {  	v1 =	vmul.f32 v1, v5;
	v8 =	vmul.f32 v9, v5;
	[tilespmem:s24+$0x10] =	vst v4  }
0xad: {  	[tilespmem:s24+$0x110] =	vst v3  }
0xae: {  	[tilespmem:s24+$0xFFFFFE10] =	vst v7  }
0xaf: {  	[tilespmem:s24+$0x190] =	vst v1;
	v1 =	vld [tilespmem:s24+$0x1A0]  }
0xb0: {  	[tilespmem:s24+$0x90] =	vst v2;
	v2 =	vld [tilespmem:s24+$0xA0]  }
0xb1: {  	[tilespmem:s24+$0xFFFFFF90] =	vst v8;
	v3 =	vld [tilespmem:s24+$0xFFFFFEA0]  }
0xb2: {  	[tilespmem:s24+$0xFFFFFF10] =	vst v6;
	v4 =	vld [tilespmem:s24+$0x120]  }
0xb3: {  	v5 =	vld.idx.msk [tilespmem:v0+s22+$0xFFFFFFE0 ss:$0x1], $0xffff  }
0xb4: {  	v6 =	vld [tilespmem:s24+$0xFFFFFF20]  }
0xb5: {  	v7 =	vld [tilespmem:s24+$0xFFFFFE20]  }
0xb6: {  	v8 =	vld [tilespmem:s24+$0x20]  }
0xb7: {  	v9 =	vld [tilespmem:s24+$0xFFFFFFA0];
	_ =	sdelay $0x1  }
0xb8: {  	v4 =	vmul.f32 v4, v5;
	v6 =	vmul.f32 v6, v5  }
0xb9: {  	v3 =	vmul.f32 v3, v5;
	v7 =	vmul.f32 v7, v5  }
0xba: {  	v2 =	vmul.f32 v2, v5;
	[tilespmem:s24+$0xFFFFFF20] =	vst v6;
	v6 =	vmul.f32 v8, v5  }
0xbb: {  	v1 =	vmul.f32 v1, v5;
	[tilespmem:s24+$0xFFFFFE20] =	vst v7;
	v7 =	vmul.f32 v9, v5  }
0xbc: {  	[tilespmem:s24+$0x120] =	vst v4  }
0xbd: {  	[tilespmem:s24+$0xA0] =	vst v2  }
0xbe: {  	[tilespmem:s24+$0x1A0] =	vst v1;
	v1 =	vld [tilespmem:s24+$0x1B0]  }
0xbf: {  	[tilespmem:s24+$0xFFFFFEA0] =	vst v3;
	v2 =	vld [tilespmem:s24+$0xB0]  }
0xc0: {  	[tilespmem:s24+$0xFFFFFFA0] =	vst v7;
	v3 =	vld [tilespmem:s24+$0xFFFFFFB0]  }
0xc1: {  	[tilespmem:s24+$0x20] =	vst v6;
	v4 =	vld [tilespmem:s24+$0x130]  }
0xc2: {  	v5 =	vld.idx.msk [tilespmem:v0+s22+$0xFFFFFFF0 ss:$0x1], $0xffff  }
0xc3: {  	v6 =	vld [tilespmem:s24+$0xFFFFFE30]  }
0xc4: {  	v7 =	vld [tilespmem:s24+$0xFFFFFEB0]  }
0xc5: {  	v8 =	vld [tilespmem:s24+$0xFFFFFF30]  }
0xc6: {  	v9 =	vld [tilespmem:s24+$0x30];
	_ =	sdelay $0x1  }
0xc7: {  	v4 =	vmul.f32 v4, v5;
	v6 =	vmul.f32 v6, v5  }
0xc8: {  	v3 =	vmul.f32 v3, v5;
	v7 =	vmul.f32 v7, v5  }
0xc9: {  	v2 =	vmul.f32 v2, v5;
	[tilespmem:s24+$0xFFFFFE30] =	vst v6;
	v6 =	vmul.f32 v8, v5  }
0xca: {  	v1 =	vmul.f32 v1, v5;
	[tilespmem:s24+$0xFFFFFEB0] =	vst v7;
	v7 =	vmul.f32 v9, v5  }
0xcb: {  	[tilespmem:s24+$0x130] =	vst v4  }
0xcc: {  	[tilespmem:s24+$0xFFFFFF30] =	vst v6  }
0xcd: {  	[tilespmem:s24+$0xFFFFFFB0] =	vst v3;
	v8 =	vld [tilespmem:s24+$0xFFFFFE40]  }
0xce: {  	[tilespmem:s24+$0x1B0] =	vst v1;
	v1 =	vld [tilespmem:s24+$0x1C0]  }
0xcf: {  	[tilespmem:s24+$0x30] =	vst v7;
	v3 =	vld [tilespmem:s24+$0xFFFFFEC0]  }
0xd0: {  	[tilespmem:s24+$0xB0] =	vst v2;
	v6 =	vld [tilespmem:s24+$0xFFFFFF40]  }
0xd1: {  	v2 =	vld.idx.msk [tilespmem:v0+s22+$0x0 ss:$0x1], $0xffff  }
0xd2: {  	v10 =	vld [tilespmem:s24+$0x40]  }
.Ltmp0:
0xd3: {  	v7 =	vld [tilespmem:s24+$0xFFFFFFC0];
	(pc) =	sbr.rel @p0 .LBB2_3-.Ltmp0, $3  }
0xd4: {  	v4 =	vld [tilespmem:s24+$0xC0]  }
0xd5: {  	v5 =	vld [tilespmem:s24+$0x140];
	_ =	sdelay $0x1  }
0xd6: {  	v9 =	vmul.f32 v8, v2;
	v8 =	vmul.f32 v10, v2  }
0xd7: {  	_ = 	snop  }
0xd8: {  	v6 =	vmul.f32 v6, v2;
	[tilespmem:s28+$0xFFFFFE40] =	vst v9  }
0xd9: {  	v3 =	vmul.f32 v3, v2;
	[tilespmem:s28+$0x40] =	vst v8  }
0xda: {  	v1 =	vmul.f32 v1, v2;
	[tilespmem:s28+$0xFFFFFF40] =	vst v6  }
0xdb: {  	v6 =	vmul.f32 v7, v2;
	[tilespmem:s28+$0xFFFFFEC0] =	vst v3  }
0xdc: {  	v3 =	vmul.f32 v5, v2;
	[tilespmem:s28+$0x1C0] =	vst v1  }
0xdd: {  	v1 =	vmul.f32 v4, v2;
	[tilespmem:s28+$0xFFFFFFC0] =	vst v6  }
0xde: {  	[tilespmem:s28+$0x140] =	vst v3  }
0xdf: {  	v2 =	vld [tilespmem:s28+$0xFFFFFE50];
	[tilespmem:s28+$0xC0] =	vst v1  }
0xe0: {  	v1 =	vld.idx.msk [tilespmem:v0+s22+$0x10 ss:$0x1], $0xffff  }
0xe1: {  	v3 =	vld [tilespmem:s28+$0xFFFFFF50]  }
0xe2: {  	v4 =	vld [tilespmem:s28+$0xFFFFFFD0]  }
0xe3: {  	v5 =	vld [tilespmem:s28+$0x1D0]  }
0xe4: {  	v6 =	vld [tilespmem:s28+$0x150]  }
0xe5: {  	v7 =	vld [tilespmem:s28+$0xFFFFFED0];
	v2 =	vmul.f32 v2, v1  }
0xe6: {  	v8 =	vld [tilespmem:s28+$0x50];
	v3 =	vmul.f32 v3, v1  }
0xe7: {  	v9 =	vld [tilespmem:s28+$0xD0];
	v4 =	vmul.f32 v4, v1;
	[tilespmem:s28+$0xFFFFFE50] =	vst v2  }
0xe8: {  	v2 =	vmul.f32 v5, v1;
	[tilespmem:s28+$0xFFFFFF50] =	vst v3  }
0xe9: {  	v3 =	vmul.f32 v6, v1;
	[tilespmem:s28+$0xFFFFFFD0] =	vst v4  }
0xea: {  	v4 =	vmul.f32 v7, v1;
	[tilespmem:s28+$0x1D0] =	vst v2  }
0xeb: {  	v2 =	vmul.f32 v8, v1;
	[tilespmem:s28+$0x150] =	vst v3  }
0xec: {  	v1 =	vmul.f32 v9, v1;
	[tilespmem:s28+$0xFFFFFED0] =	vst v4  }
0xed: {  	[tilespmem:s28+$0x50] =	vst v2  }
0xee: {  	v2 =	vld [tilespmem:s28+$0xFFFFFE60];
	[tilespmem:s28+$0xD0] =	vst v1  }
0xef: {  	v1 =	vld.idx.msk [tilespmem:v0+s22+$0x20 ss:$0x1], $0xffff  }
0xf0: {  	v3 =	vld [tilespmem:s28+$0xFFFFFF60]  }
0xf1: {  	v4 =	vld [tilespmem:s28+$0xFFFFFFE0]  }
0xf2: {  	v5 =	vld [tilespmem:s28+$0x160]  }
0xf3: {  	v6 =	vld [tilespmem:s28+$0xFFFFFEE0]  }
0xf4: {  	v7 =	vld [tilespmem:s28+$0x60];
	v2 =	vmul.f32 v2, v1  }
0xf5: {  	v8 =	vld [tilespmem:s28+$0xE0];
	v3 =	vmul.f32 v3, v1  }
0xf6: {  	v9 =	vld [tilespmem:s28+$0x1E0];
	v4 =	vmul.f32 v4, v1;
	[tilespmem:s28+$0xFFFFFE60] =	vst v2  }
0xf7: {  	v2 =	vmul.f32 v5, v1;
	[tilespmem:s28+$0xFFFFFF60] =	vst v3  }
0xf8: {  	v3 =	vmul.f32 v6, v1;
	[tilespmem:s28+$0xFFFFFFE0] =	vst v4  }
0xf9: {  	v4 =	vmul.f32 v7, v1;
	[tilespmem:s28+$0x160] =	vst v2  }
0xfa: {  	v2 =	vmul.f32 v8, v1;
	[tilespmem:s28+$0xFFFFFEE0] =	vst v3  }
0xfb: {  	v1 =	vmul.f32 v9, v1;
	[tilespmem:s28+$0x60] =	vst v4  }
0xfc: {  	[tilespmem:s28+$0xE0] =	vst v2  }
0xfd: {  	v2 =	vld [tilespmem:s28+$0xFFFFFE70];
	[tilespmem:s28+$0x1E0] =	vst v1  }
0xfe: {  	v0 =	vld.idx.msk [tilespmem:v0+s22+$0x30 ss:$0x1], $0xffff  }
0xff: {  	v1 =	vld [tilespmem:s28+$0xFFFFFFF0]  }
0x100: {  	v3 =	vld [tilespmem:s28+$0xFFFFFEF0]  }
0x101: {  	v4 =	vld [tilespmem:s28+$0x70]  }
0x102: {  	v5 =	vld [tilespmem:s28+$0xFFFFFF70]  }
0x103: {  	v6 =	vld [tilespmem:s28+$0x1F0];
	v2 =	vmul.f32 v2, v0  }
0x104: {  	v7 =	vld [tilespmem:s28+$0xF0];
	v1 =	vmul.f32 v1, v0  }
0x105: {  	v8 =	vld [tilespmem:s28+$0x170];
	v3 =	vmul.f32 v3, v0;
	[tilespmem:s28+$0xFFFFFE70] =	vst v2  }
0x106: {  	v2 =	vmul.f32 v4, v0;
	[tilespmem:s28+$0xFFFFFFF0] =	vst v1  }
0x107: {  	v1 =	vmul.f32 v5, v0;
	[tilespmem:s28+$0xFFFFFEF0] =	vst v3  }
0x108: {  	v3 =	vmul.f32 v6, v0;
	[tilespmem:s28+$0x70] =	vst v2  }
0x109: {  	v2 =	vmul.f32 v7, v0;
	[tilespmem:s28+$0xFFFFFF70] =	vst v1  }
0x10a: {  	v0 =	vmul.f32 v8, v0;
	[tilespmem:s28+$0x1F0] =	vst v3  }
0x10b: {  	s31 =	sshll.u32 s26, $0xC;
	s21 =	sadd.s32 s21, s8;
	[tilespmem:s28+$0xF0] =	vst v2  }
0x10c: {  	p0 =	seq.s32 s19, $0x1F;
	s21 =	sadd.s32 s31, s21;
	[tilespmem:s28+$0x170] =	vst v0  }
0x10d: {  	[hbm4b:s21+s4] =	stream.linear.scatter [tilespmem:s4], [sflag:$0x3], $0x8000, $0x38;
	[tilespmem:$0x18000] =	vst v63  }
0x10e: {  	s21 =	sadd.s32 @!p0 $0x2, s25;
	_ =	swait.ge [sflag:s14], $0x8000  }
0x10f: {  	s24 =	simm.s32 @!p0 $0x3;
	s22 =	sshll.u32 @!p0 s21, $0x5;
	[sflag:s14] =	ssyncset.done $0x0  }
0x110: {  	s21 =	sshll.u32 @!p0 s21, $0x11;
	s22 =	sand.u32 @!p0 $0xC0, s22;
	[sflag:s14] =	ssyncadd.s32 $0xFFFF8000  }
0x111: {  	s21 =	sand.u32 @!p0 $0xF00000, s21;
	s22 =	sor.u32 @!p0 s5, s22;
	_ =	swait.ge @!p0 [sflag:s24], $0x8000  }
0x112: {  	v0 =	vmov s23;
	s21 =	sadd.s32 @!p0 s1, s21;
	s22 =	sshll.u32 @!p0 s22, $0x7;
	[sflag:s24] =	ssyncset.done @!p0 $0x0  }
0x113: {  	s21 =	sadd.s32 @!p0 s22, s21;
	s22 =	simm.s32 @!p0 $0x0;
	[sflag:s24] =	ssyncadd.s32 @!p0 $0xFFFF8000  }
0x114: {  	[tilespmem:s22], [sflag:$0x1] =	stream.linear.gather @!p0 [hbm4b:s21+s22], $0x8000, $0x38;
	[tilespmem:$0x18000] =	vst v63  }
0x115: {  	s22 =	simm.s32 $0x8200  }
0x116: {  	s21 =	simm.s32 $0x0;
	v1 =	vld [tilespmem:s22+$0x180]  }
0x117: {  	v2 =	vld.idx.msk [tilespmem:v0+s21+$0x0 ss:$0x1], $0xffff  }
0x118: {  	v3 =	vld [tilespmem:s22+$0xFFFFFE00]  }
0x119: {  	v4 =	vld [tilespmem:s22+$0xFFFFFF00]  }
0x11a: {  	v5 =	vld [tilespmem:s22+$0xFFFFFF80]  }
0x11b: {  	v6 =	vld [tilespmem:s22+$0x80]  }
0x11c: {  	v7 =	vld [tilespmem:s22+$0xFFFFFE80];
	v1 =	vmul.f32 v1, v2  }
0x11d: {  	v8 =	vld [tilespmem:s22+$0x100];
	v3 =	vmul.f32 v3, v2  }
0x11e: {  	v9 =	vld [tilespmem:s22+$0x0];
	v4 =	vmul.f32 v4, v2;
	[tilespmem:s22+$0x180] =	vst v1  }
0x11f: {  	v1 =	vmul.f32 v5, v2;
	[tilespmem:s22+$0xFFFFFE00] =	vst v3  }
0x120: {  	v3 =	vmul.f32 v6, v2;
	[tilespmem:s22+$0xFFFFFF00] =	vst v4  }
0x121: {  	v4 =	vmul.f32 v7, v2;
	[tilespmem:s22+$0xFFFFFF80] =	vst v1  }
0x122: {  	v1 =	vmul.f32 v8, v2;
	[tilespmem:s22+$0x80] =	vst v3  }
0x123: {  	v2 =	vmul.f32 v9, v2;
	[tilespmem:s22+$0xFFFFFE80] =	vst v4  }
0x124: {  	[tilespmem:s22+$0x100] =	vst v1  }
0x125: {  	[tilespmem:s22+$0x0] =	vst v2;
	v2 =	vld [tilespmem:s22+$0xFFFFFE90]  }
0x126: {  	v1 =	vld.idx.msk [tilespmem:v0+s21+$0x10 ss:$0x1], $0xffff  }
0x127: {  	v3 =	vld [tilespmem:s22+$0x10]  }
0x128: {  	v4 =	vld [tilespmem:s22+$0x110]  }
0x129: {  	v5 =	vld [tilespmem:s22+$0xFFFFFE10]  }
0x12a: {  	v6 =	vld [tilespmem:s22+$0x190]  }
0x12b: {  	v7 =	vld [tilespmem:s22+$0x90];
	v2 =	vmul.f32 v2, v1  }
0x12c: {  	v8 =	vld [tilespmem:s22+$0xFFFFFF90];
	v3 =	vmul.f32 v3, v1  }
0x12d: {  	v9 =	vld [tilespmem:s22+$0xFFFFFF10];
	v4 =	vmul.f32 v4, v1;
	[tilespmem:s22+$0xFFFFFE90] =	vst v2  }
0x12e: {  	v2 =	vmul.f32 v5, v1;
	[tilespmem:s22+$0x10] =	vst v3  }
0x12f: {  	v3 =	vmul.f32 v6, v1;
	[tilespmem:s22+$0x110] =	vst v4  }
0x130: {  	v4 =	vmul.f32 v7, v1;
	[tilespmem:s22+$0xFFFFFE10] =	vst v2  }
0x131: {  	v2 =	vmul.f32 v8, v1;
	[tilespmem:s22+$0x190] =	vst v3  }
0x132: {  	v1 =	vmul.f32 v9, v1;
	[tilespmem:s22+$0x90] =	vst v4  }
0x133: {  	[tilespmem:s22+$0xFFFFFF90] =	vst v2  }
0x134: {  	[tilespmem:s22+$0xFFFFFF10] =	vst v1;
	v2 =	vld [tilespmem:s22+$0xFFFFFF20]  }
0x135: {  	v1 =	vld.idx.msk [tilespmem:v0+s21+$0x20 ss:$0x1], $0xffff  }
0x136: {  	v3 =	vld [tilespmem:s22+$0xFFFFFE20]  }
0x137: {  	v4 =	vld [tilespmem:s22+$0x120]  }
0x138: {  	v5 =	vld [tilespmem:s22+$0xA0]  }
0x139: {  	v6 =	vld [tilespmem:s22+$0x1A0]  }
0x13a: {  	v7 =	vld [tilespmem:s22+$0xFFFFFEA0];
	v2 =	vmul.f32 v2, v1  }
0x13b: {  	v8 =	vld [tilespmem:s22+$0xFFFFFFA0];
	v3 =	vmul.f32 v3, v1  }
0x13c: {  	v9 =	vld [tilespmem:s22+$0x20];
	v4 =	vmul.f32 v4, v1;
	[tilespmem:s22+$0xFFFFFF20] =	vst v2  }
0x13d: {  	v2 =	vmul.f32 v5, v1;
	[tilespmem:s22+$0xFFFFFE20] =	vst v3  }
0x13e: {  	v3 =	vmul.f32 v6, v1;
	[tilespmem:s22+$0x120] =	vst v4  }
0x13f: {  	v4 =	vmul.f32 v7, v1;
	[tilespmem:s22+$0xA0] =	vst v2  }
0x140: {  	v2 =	vmul.f32 v8, v1;
	[tilespmem:s22+$0x1A0] =	vst v3  }
0x141: {  	v1 =	vmul.f32 v9, v1;
	[tilespmem:s22+$0xFFFFFEA0] =	vst v4  }
0x142: {  	[tilespmem:s22+$0xFFFFFFA0] =	vst v2  }
0x143: {  	[tilespmem:s22+$0x20] =	vst v1;
	v2 =	vld [tilespmem:s22+$0xFFFFFE30]  }
0x144: {  	v1 =	vld.idx.msk [tilespmem:v0+s21+$0x30 ss:$0x1], $0xffff  }
0x145: {  	v3 =	vld [tilespmem:s22+$0xFFFFFEB0]  }
0x146: {  	v4 =	vld [tilespmem:s22+$0x130]  }
0x147: {  	v5 =	vld [tilespmem:s22+$0xFFFFFF30]  }
0x148: {  	v6 =	vld [tilespmem:s22+$0xFFFFFFB0]  }
0x149: {  	v7 =	vld [tilespmem:s22+$0x1B0];
	v2 =	vmul.f32 v2, v1  }
0x14a: {  	v8 =	vld [tilespmem:s22+$0x30];
	v3 =	vmul.f32 v3, v1  }
0x14b: {  	v9 =	vld [tilespmem:s22+$0xB0];
	v4 =	vmul.f32 v4, v1;
	[tilespmem:s22+$0xFFFFFE30] =	vst v2  }
0x14c: {  	v2 =	vmul.f32 v5, v1;
	[tilespmem:s22+$0xFFFFFEB0] =	vst v3  }
0x14d: {  	v3 =	vmul.f32 v6, v1;
	[tilespmem:s22+$0x130] =	vst v4  }
0x14e: {  	v4 =	vmul.f32 v7, v1;
	[tilespmem:s22+$0xFFFFFF30] =	vst v2  }
0x14f: {  	v10 =	vld [tilespmem:s22+$0x40];
	v2 =	vmul.f32 v8, v1;
	[tilespmem:s22+$0xFFFFFFB0] =	vst v3  }
0x150: {  	v6 =	vld [tilespmem:s22+$0xFFFFFF40];
	v3 =	vmul.f32 v9, v1;
	[tilespmem:s22+$0x1B0] =	vst v4  }
0x151: {  	v7 =	vld [tilespmem:s22+$0xFFFFFFC0];
	[tilespmem:s22+$0x30] =	vst v2  }
0x152: {  	v8 =	vld [tilespmem:s22+$0xFFFFFE40];
	[tilespmem:s22+$0xB0] =	vst v3  }
0x153: {  	v2 =	vld.idx.msk [tilespmem:v0+s21+$0x40 ss:$0x1], $0xffff  }
0x154: {  	v5 =	vld [tilespmem:s22+$0x140]  }
0x155: {  	v4 =	vld [tilespmem:s22+$0xC0]  }
0x156: {  	v3 =	vld [tilespmem:s22+$0xFFFFFEC0]  }
0x157: {  	v1 =	vld [tilespmem:s22+$0x1C0]  }
0x158: {  	s23 =	simm.s32 $0x8200;
	s24 =	simm.s32 $0x200;
	v9 =	vmul.f32 v8, v2;
	v8 =	vmul.f32 v10, v2  }
.LBB2_5:
0x159: {  	p0 =	sne.s32 s24, $0x3E00  }
0x15a: {  	v6 =	vmul.f32 v6, v2;
	v7 =	vmul.f32 v7, v2;
	s22 =	sadd.s32 $0x400, s22;
	s25 =	smov.u32 s24;
	s24 =	sadd.s32 $0x200, s24  }
0x15b: {  	v3 =	vmul.f32 v3, v2;
	[tilespmem:s23+$0xFFFFFE40] =	vst v9;
	v4 =	vmul.f32 v4, v2  }
0x15c: {  	v1 =	vmul.f32 v1, v2;
	[tilespmem:s23+$0x40] =	vst v8;
	v5 =	vmul.f32 v5, v2  }
0x15d: {  	[tilespmem:s23+$0xFFFFFF40] =	vst v6  }
0x15e: {  	[tilespmem:s23+$0xFFFFFEC0] =	vst v3  }
0x15f: {  	[tilespmem:s23+$0x1C0] =	vst v1;
	v1 =	vld [tilespmem:s23+$0xFFFFFF50]  }
0x160: {  	[tilespmem:s23+$0xFFFFFFC0] =	vst v7;
	v2 =	vld [tilespmem:s23+$0xFFFFFE50]  }
0x161: {  	[tilespmem:s23+$0x140] =	vst v5;
	v3 =	vld [tilespmem:s23+$0x1D0]  }
0x162: {  	[tilespmem:s23+$0xC0] =	vst v4;
	v4 =	vld [tilespmem:s23+$0x150]  }
0x163: {  	v5 =	vld.idx.msk [tilespmem:v0+s21+$0x50 ss:$0x1], $0xffff  }
0x164: {  	v6 =	vld [tilespmem:s23+$0xFFFFFED0]  }
0x165: {  	v7 =	vld [tilespmem:s23+$0xFFFFFFD0]  }
0x166: {  	v8 =	vld [tilespmem:s23+$0x50]  }
0x167: {  	v9 =	vld [tilespmem:s23+$0xD0];
	_ =	sdelay $0x1  }
0x168: {  	v2 =	vmul.f32 v2, v5;
	v6 =	vmul.f32 v6, v5  }
0x169: {  	v1 =	vmul.f32 v1, v5;
	v7 =	vmul.f32 v7, v5  }
0x16a: {  	v3 =	vmul.f32 v3, v5;
	[tilespmem:s23+$0xFFFFFE50] =	vst v2;
	v2 =	vmul.f32 v8, v5  }
0x16b: {  	v4 =	vmul.f32 v4, v5;
	[tilespmem:s23+$0xFFFFFF50] =	vst v1;
	v1 =	vmul.f32 v9, v5  }
0x16c: {  	[tilespmem:s23+$0xFFFFFFD0] =	vst v7  }
0x16d: {  	[tilespmem:s23+$0x1D0] =	vst v3  }
0x16e: {  	[tilespmem:s23+$0x150] =	vst v4;
	v3 =	vld [tilespmem:s23+$0xFFFFFF60]  }
0x16f: {  	[tilespmem:s23+$0xFFFFFED0] =	vst v6;
	v4 =	vld [tilespmem:s23+$0xFFFFFE60]  }
0x170: {  	[tilespmem:s23+$0x50] =	vst v2;
	v2 =	vld [tilespmem:s23+$0xFFFFFEE0]  }
0x171: {  	[tilespmem:s23+$0xD0] =	vst v1;
	v1 =	vld [tilespmem:s23+$0xFFFFFFE0]  }
0x172: {  	v5 =	vld.idx.msk [tilespmem:v0+s21+$0x60 ss:$0x1], $0xffff  }
0x173: {  	v6 =	vld [tilespmem:s23+$0x160]  }
0x174: {  	v7 =	vld [tilespmem:s23+$0x60]  }
0x175: {  	v8 =	vld [tilespmem:s23+$0xE0]  }
0x176: {  	v9 =	vld [tilespmem:s23+$0x1E0];
	_ =	sdelay $0x1  }
0x177: {  	v4 =	vmul.f32 v4, v5;
	v6 =	vmul.f32 v6, v5  }
0x178: {  	v3 =	vmul.f32 v3, v5;
	v1 =	vmul.f32 v1, v5  }
0x179: {  	[tilespmem:s23+$0xFFFFFE60] =	vst v4;
	v4 =	vmul.f32 v7, v5;
	v7 =	vmul.f32 v8, v5  }
0x17a: {  	v2 =	vmul.f32 v2, v5;
	[tilespmem:s23+$0xFFFFFF60] =	vst v3;
	v3 =	vmul.f32 v9, v5  }
0x17b: {  	[tilespmem:s23+$0xFFFFFFE0] =	vst v1  }
0x17c: {  	[tilespmem:s23+$0x160] =	vst v6  }
0x17d: {  	[tilespmem:s23+$0xFFFFFEE0] =	vst v2;
	v1 =	vld [tilespmem:s23+$0xFFFFFFF0]  }
0x17e: {  	[tilespmem:s23+$0x60] =	vst v4;
	v2 =	vld [tilespmem:s23+$0xFFFFFE70]  }
0x17f: {  	[tilespmem:s23+$0xE0] =	vst v7;
	v4 =	vld [tilespmem:s23+$0x70]  }
0x180: {  	[tilespmem:s23+$0x1E0] =	vst v3;
	v3 =	vld [tilespmem:s23+$0x1F0]  }
0x181: {  	v5 =	vld.idx.msk [tilespmem:v0+s21+$0x70 ss:$0x1], $0xffff  }
0x182: {  	v6 =	vld [tilespmem:s23+$0xFFFFFEF0]  }
0x183: {  	v7 =	vld [tilespmem:s23+$0xFFFFFF70]  }
0x184: {  	v8 =	vld [tilespmem:s23+$0xF0]  }
0x185: {  	v9 =	vld [tilespmem:s23+$0x170];
	_ =	sdelay $0x1  }
0x186: {  	v2 =	vmul.f32 v2, v5;
	v6 =	vmul.f32 v6, v5  }
0x187: {  	v1 =	vmul.f32 v1, v5;
	v7 =	vmul.f32 v7, v5  }
0x188: {  	[tilespmem:s23+$0xFFFFFE70] =	vst v2;
	v2 =	vmul.f32 v4, v5;
	v4 =	vmul.f32 v8, v5  }
0x189: {  	v3 =	vmul.f32 v3, v5;
	[tilespmem:s23+$0xFFFFFFF0] =	vst v1;
	v1 =	vmul.f32 v9, v5  }
0x18a: {  	[tilespmem:s23+$0xFFFFFEF0] =	vst v6  }
0x18b: {  	[tilespmem:s23+$0x70] =	vst v2  }
0x18c: {  	v2 =	vld [tilespmem:s22+$0x80];
	[tilespmem:s23+$0xFFFFFF70] =	vst v7  }
0x18d: {  	v5 =	vld [tilespmem:s22+$0xFFFFFF80];
	[tilespmem:s23+$0x1F0] =	vst v3  }
0x18e: {  	v3 =	vld [tilespmem:s22+$0x100];
	[tilespmem:s23+$0xF0] =	vst v4  }
0x18f: {  	s21 =	sshra.s32 s25, $0x2;
	v4 =	vld [tilespmem:s22+$0x180];
	[tilespmem:s23+$0x170] =	vst v1;
	s23 =	smov.u32 s22  }
0x190: {  	v1 =	vld.idx.msk [tilespmem:v0+s21+$0x0 ss:$0x1], $0xffff  }
0x191: {  	v6 =	vld [tilespmem:s22+$0xFFFFFE00]  }
0x192: {  	v7 =	vld [tilespmem:s22+$0xFFFFFF00]  }
0x193: {  	v8 =	vld [tilespmem:s22+$0xFFFFFE80]  }
0x194: {  	v9 =	vld [tilespmem:s22+$0x0];
	_ =	sdelay $0x1  }
0x195: {  	v4 =	vmul.f32 v4, v1;
	v6 =	vmul.f32 v6, v1  }
0x196: {  	v3 =	vmul.f32 v3, v1;
	v7 =	vmul.f32 v7, v1  }
0x197: {  	v5 =	vmul.f32 v5, v1;
	v8 =	vmul.f32 v8, v1;
	[tilespmem:s22+$0x180] =	vst v4  }
0x198: {  	[tilespmem:s22+$0xFFFFFE00] =	vst v6;
	v4 =	vmul.f32 v9, v1;
	v1 =	vmul.f32 v2, v1  }
0x199: {  	[tilespmem:s22+$0xFFFFFF00] =	vst v7  }
0x19a: {  	[tilespmem:s22+$0xFFFFFF80] =	vst v5  }
0x19b: {  	[tilespmem:s22+$0x80] =	vst v1;
	v1 =	vld [tilespmem:s22+$0x190]  }
0x19c: {  	[tilespmem:s22+$0xFFFFFE80] =	vst v8;
	v2 =	vld [tilespmem:s22+$0x90]  }
0x19d: {  	[tilespmem:s22+$0x100] =	vst v3;
	v3 =	vld [tilespmem:s22+$0x110]  }
0x19e: {  	[tilespmem:s22+$0x0] =	vst v4;
	v4 =	vld [tilespmem:s22+$0x10]  }
0x19f: {  	v5 =	vld.idx.msk [tilespmem:v0+s21+$0x10 ss:$0x1], $0xffff  }
0x1a0: {  	v6 =	vld [tilespmem:s22+$0xFFFFFE90]  }
0x1a1: {  	v7 =	vld [tilespmem:s22+$0xFFFFFE10]  }
0x1a2: {  	v8 =	vld [tilespmem:s22+$0xFFFFFF10]  }
0x1a3: {  	v9 =	vld [tilespmem:s22+$0xFFFFFF90];
	_ =	sdelay $0x1  }
0x1a4: {  	v4 =	vmul.f32 v4, v5;
	v6 =	vmul.f32 v6, v5  }
0x1a5: {  	v3 =	vmul.f32 v3, v5;
	v7 =	vmul.f32 v7, v5  }
0x1a6: {  	v2 =	vmul.f32 v2, v5;
	[tilespmem:s22+$0xFFFFFE90] =	vst v6;
	v6 =	vmul.f32 v8, v5  }
0x1a7: {  	v1 =	vmul.f32 v1, v5;
	v8 =	vmul.f32 v9, v5;
	[tilespmem:s22+$0x10] =	vst v4  }
0x1a8: {  	[tilespmem:s22+$0x110] =	vst v3  }
0x1a9: {  	[tilespmem:s22+$0xFFFFFE10] =	vst v7  }
0x1aa: {  	[tilespmem:s22+$0x190] =	vst v1;
	v1 =	vld [tilespmem:s22+$0x1A0]  }
0x1ab: {  	[tilespmem:s22+$0x90] =	vst v2;
	v2 =	vld [tilespmem:s22+$0xA0]  }
0x1ac: {  	[tilespmem:s22+$0xFFFFFF90] =	vst v8;
	v3 =	vld [tilespmem:s22+$0xFFFFFEA0]  }
0x1ad: {  	[tilespmem:s22+$0xFFFFFF10] =	vst v6;
	v4 =	vld [tilespmem:s22+$0x120]  }
0x1ae: {  	v5 =	vld.idx.msk [tilespmem:v0+s21+$0x20 ss:$0x1], $0xffff  }
0x1af: {  	v6 =	vld [tilespmem:s22+$0xFFFFFF20]  }
0x1b0: {  	v7 =	vld [tilespmem:s22+$0xFFFFFE20]  }
0x1b1: {  	v8 =	vld [tilespmem:s22+$0x20]  }
0x1b2: {  	v9 =	vld [tilespmem:s22+$0xFFFFFFA0];
	_ =	sdelay $0x1  }
0x1b3: {  	v4 =	vmul.f32 v4, v5;
	v6 =	vmul.f32 v6, v5  }
0x1b4: {  	v3 =	vmul.f32 v3, v5;
	v7 =	vmul.f32 v7, v5  }
0x1b5: {  	v2 =	vmul.f32 v2, v5;
	[tilespmem:s22+$0xFFFFFF20] =	vst v6;
	v6 =	vmul.f32 v8, v5  }
0x1b6: {  	v1 =	vmul.f32 v1, v5;
	[tilespmem:s22+$0xFFFFFE20] =	vst v7;
	v7 =	vmul.f32 v9, v5  }
0x1b7: {  	[tilespmem:s22+$0x120] =	vst v4  }
0x1b8: {  	[tilespmem:s22+$0xA0] =	vst v2  }
0x1b9: {  	[tilespmem:s22+$0x1A0] =	vst v1;
	v1 =	vld [tilespmem:s22+$0x1B0]  }
0x1ba: {  	[tilespmem:s22+$0xFFFFFEA0] =	vst v3;
	v2 =	vld [tilespmem:s22+$0xB0]  }
0x1bb: {  	[tilespmem:s22+$0xFFFFFFA0] =	vst v7;
	v3 =	vld [tilespmem:s22+$0xFFFFFFB0]  }
0x1bc: {  	[tilespmem:s22+$0x20] =	vst v6;
	v4 =	vld [tilespmem:s22+$0x130]  }
0x1bd: {  	v5 =	vld.idx.msk [tilespmem:v0+s21+$0x30 ss:$0x1], $0xffff  }
0x1be: {  	v6 =	vld [tilespmem:s22+$0xFFFFFE30]  }
0x1bf: {  	v7 =	vld [tilespmem:s22+$0xFFFFFEB0]  }
0x1c0: {  	v8 =	vld [tilespmem:s22+$0xFFFFFF30]  }
0x1c1: {  	v9 =	vld [tilespmem:s22+$0x30];
	_ =	sdelay $0x1  }
0x1c2: {  	v4 =	vmul.f32 v4, v5;
	v6 =	vmul.f32 v6, v5  }
0x1c3: {  	v3 =	vmul.f32 v3, v5;
	v7 =	vmul.f32 v7, v5  }
0x1c4: {  	v2 =	vmul.f32 v2, v5;
	[tilespmem:s22+$0xFFFFFE30] =	vst v6;
	v6 =	vmul.f32 v8, v5  }
0x1c5: {  	v1 =	vmul.f32 v1, v5;
	[tilespmem:s22+$0xFFFFFEB0] =	vst v7;
	v7 =	vmul.f32 v9, v5  }
0x1c6: {  	[tilespmem:s22+$0x130] =	vst v4  }
0x1c7: {  	[tilespmem:s22+$0xFFFFFF30] =	vst v6  }
0x1c8: {  	[tilespmem:s22+$0xFFFFFFB0] =	vst v3;
	v8 =	vld [tilespmem:s22+$0xFFFFFE40]  }
0x1c9: {  	[tilespmem:s22+$0x1B0] =	vst v1;
	v1 =	vld [tilespmem:s22+$0x1C0]  }
0x1ca: {  	[tilespmem:s22+$0x30] =	vst v7;
	v3 =	vld [tilespmem:s22+$0xFFFFFEC0]  }
0x1cb: {  	[tilespmem:s22+$0xB0] =	vst v2;
	v6 =	vld [tilespmem:s22+$0xFFFFFF40]  }
0x1cc: {  	v2 =	vld.idx.msk [tilespmem:v0+s21+$0x40 ss:$0x1], $0xffff  }
0x1cd: {  	v10 =	vld [tilespmem:s22+$0x40]  }
.Ltmp1:
0x1ce: {  	v7 =	vld [tilespmem:s22+$0xFFFFFFC0];
	(pc) =	sbr.rel @p0 .LBB2_5-.Ltmp1, $3  }
0x1cf: {  	v4 =	vld [tilespmem:s22+$0xC0]  }
0x1d0: {  	v5 =	vld [tilespmem:s22+$0x140];
	_ =	sdelay $0x1  }
0x1d1: {  	v9 =	vmul.f32 v8, v2;
	v8 =	vmul.f32 v10, v2  }
0x1d2: {  	_ = 	snop  }
0x1d3: {  	v6 =	vmul.f32 v6, v2;
	[tilespmem:s23+$0xFFFFFE40] =	vst v9  }
0x1d4: {  	v3 =	vmul.f32 v3, v2;
	[tilespmem:s23+$0x40] =	vst v8  }
0x1d5: {  	v1 =	vmul.f32 v1, v2;
	[tilespmem:s23+$0xFFFFFF40] =	vst v6  }
0x1d6: {  	v24 =	vmul.f32 v7, v2;
	[tilespmem:s23+$0xFFFFFEC0] =	vst v3  }
0x1d7: {  	v26 =	vmul.f32 v4, v2;
	[tilespmem:s23+$0x1C0] =	vst v1  }
0x1d8: {  	v25 =	vmul.f32 v5, v2;
	[tilespmem:s23+$0xFFFFFFC0] =	vst v24  }
0x1d9: {  	[tilespmem:s23+$0xC0] =	vst v26  }
0x1da: {  	v27 =	vld [tilespmem:s23+$0xFFFFFE50];
	[tilespmem:s23+$0x140] =	vst v25  }
0x1db: {  	v1 =	vld.idx.msk [tilespmem:v0+s21+$0x50 ss:$0x1], $0xffff  }
0x1dc: {  	v28 =	vld [tilespmem:s23+$0xFFFFFF50]  }
0x1dd: {  	v29 =	vld [tilespmem:s23+$0xFFFFFFD0]  }
0x1de: {  	v30 =	vld [tilespmem:s23+$0x1D0]  }
0x1df: {  	v31 =	vld [tilespmem:s23+$0x150]  }
0x1e0: {  	v32 =	vld [tilespmem:s23+$0xFFFFFED0];
	v2 =	vmul.f32 v27, v1  }
0x1e1: {  	v33 =	vld [tilespmem:s23+$0x50];
	v3 =	vmul.f32 v28, v1  }
0x1e2: {  	v34 =	vld [tilespmem:s23+$0xD0];
	v4 =	vmul.f32 v29, v1;
	[tilespmem:s23+$0xFFFFFE50] =	vst v2  }
0x1e3: {  	v35 =	vmul.f32 v30, v1;
	[tilespmem:s23+$0xFFFFFF50] =	vst v3  }
0x1e4: {  	v36 =	vmul.f32 v31, v1;
	[tilespmem:s23+$0xFFFFFFD0] =	vst v4  }
0x1e5: {  	v37 =	vmul.f32 v32, v1;
	[tilespmem:s23+$0x1D0] =	vst v35  }
0x1e6: {  	v38 =	vmul.f32 v33, v1;
	[tilespmem:s23+$0x150] =	vst v36  }
0x1e7: {  	v1 =	vmul.f32 v34, v1;
	[tilespmem:s23+$0xFFFFFED0] =	vst v37  }
0x1e8: {  	[tilespmem:s23+$0x50] =	vst v38  }
0x1e9: {  	v39 =	vld [tilespmem:s23+$0xFFFFFE60];
	[tilespmem:s23+$0xD0] =	vst v1  }
0x1ea: {  	v1 =	vld.idx.msk [tilespmem:v0+s21+$0x60 ss:$0x1], $0xffff  }
0x1eb: {  	v40 =	vld [tilespmem:s23+$0xFFFFFF60]  }
0x1ec: {  	v41 =	vld [tilespmem:s23+$0xFFFFFFE0]  }
0x1ed: {  	v42 =	vld [tilespmem:s23+$0x160]  }
0x1ee: {  	v43 =	vld [tilespmem:s23+$0xFFFFFEE0]  }
0x1ef: {  	v44 =	vld [tilespmem:s23+$0x60];
	v2 =	vmul.f32 v39, v1  }
0x1f0: {  	v45 =	vld [tilespmem:s23+$0xE0];
	v3 =	vmul.f32 v40, v1  }
0x1f1: {  	v46 =	vld [tilespmem:s23+$0x1E0];
	v4 =	vmul.f32 v41, v1;
	[tilespmem:s23+$0xFFFFFE60] =	vst v2  }
0x1f2: {  	v47 =	vmul.f32 v42, v1;
	[tilespmem:s23+$0xFFFFFF60] =	vst v3  }
0x1f3: {  	v48 =	vmul.f32 v43, v1;
	[tilespmem:s23+$0xFFFFFFE0] =	vst v4  }
0x1f4: {  	v49 =	vmul.f32 v44, v1;
	[tilespmem:s23+$0x160] =	vst v47  }
0x1f5: {  	v50 =	vmul.f32 v45, v1;
	[tilespmem:s23+$0xFFFFFEE0] =	vst v48  }
0x1f6: {  	v1 =	vmul.f32 v46, v1;
	[tilespmem:s23+$0x60] =	vst v49  }
0x1f7: {  	[tilespmem:s23+$0xE0] =	vst v50  }
0x1f8: {  	v51 =	vld [tilespmem:s23+$0xFFFFFE70];
	[tilespmem:s23+$0x1E0] =	vst v1  }
0x1f9: {  	v52 =	vld.idx.msk [tilespmem:v0+s21+$0x70 ss:$0x1], $0xffff  }
0x1fa: {  	v53 =	vld [tilespmem:s23+$0xFFFFFFF0]  }
0x1fb: {  	v54 =	vld [tilespmem:s23+$0xFFFFFEF0]  }
0x1fc: {  	v55 =	vld [tilespmem:s23+$0x70]  }
0x1fd: {  	v56 =	vld [tilespmem:s23+$0xFFFFFF70]  }
0x1fe: {  	v57 =	vld [tilespmem:s23+$0x1F0];
	v2 =	vmul.f32 v51, v52  }
0x1ff: {  	v58 =	vld [tilespmem:s23+$0xF0];
	v1 =	vmul.f32 v53, v52  }
0x200: {  	v59 =	vld [tilespmem:s23+$0x170];
	v3 =	vmul.f32 v54, v52;
	[tilespmem:s23+$0xFFFFFE70] =	vst v2  }
0x201: {  	v60 =	vmul.f32 v55, v52;
	[tilespmem:s23+$0xFFFFFFF0] =	vst v1  }
0x202: {  	s19 =	sadd.s32 $0x1, s19;
	v61 =	vmul.f32 v56, v52;
	[tilespmem:s23+$0xFFFFFEF0] =	vst v3  }
0x203: {  	p0 =	sne.s32 s19, $0x20;
	v62 =	vmul.f32 v57, v52;
	[tilespmem:s23+$0x70] =	vst v60  }
.Ltmp2:
0x204: {  	v63 =	vmul.f32 v58, v52;
	[tilespmem:s23+$0xFFFFFF70] =	vst v61;
	(pc) =	sbr.rel @p0 .LBB2_2-.Ltmp2, $4  }
0x205: {  	v0 =	vmul.f32 v59, v52;
	[tilespmem:s23+$0x1F0] =	vst v62  }
0x206: {  	[tilespmem:s23+$0xF0] =	vst v63  }
0x207: {  	s20 =	sadd.s32 s2, s20;
	s18 =	sadd.s32 $0x1, s18;
	[tilespmem:s23+$0x170] =	vst v0  }
0x208: {  	[hbm4b:s20+s4] =	stream.linear.scatter [tilespmem:s13], [sflag:$0x4], $0x8000, $0x38;
	[tilespmem:$0x18000] =	vst v63  }
0x209: {  	s17 =	sadd.s32 $0x1, s17  }
0x20a: {  	_ =	swait.ge [sflag:s15], $0x8000;
	p0 =	sne.s32 s17, s9  }
.Ltmp3:
0x20b: {  	[sflag:s15] =	ssyncset.done $0x0;
	(pc) =	sbr.rel @p0 .LBB2_1-.Ltmp3, $4  }
0x20c: {  	[sflag:s15] =	ssyncadd.s32 $0xFFFF8000  }
0x20d: {  	_ =	swait.ge [sflag:s16], $0x8000  }
0x20e: {  	[sflag:s16] =	ssyncset.done $0x0  }
0x20f: {  	[sflag:s16] =	ssyncadd.s32 $0xFFFF8000  }
0x210: {  	_ =	sfence.sel $0x180000  }
0x211: {  	[bflag:$0x0] =	sbarrier.arrive $0xFFFF  }
0x212: {  	p0 =	sne.s32 s3, $0x0;
	_ =	strace $0x90000047  }
0x213: {  	s0 =	sadd.s32 @!p0 $0x100000, s0;
	[bflag:$0x2] =	sbarrier.arrive $0xFFFF  }
0x214: {  	[sflag:s0] =	ssyncadd.tile.s32 @!p0 $0x1;
	_ =	shalt  }
.Lfunc_end2:
_tile_overlayer_lowered:
.L_overlay_start_2:
0x215: {  	(tag) =	ssettag $0x2  }
0x216: {  	s0 =	rddreg [dreg:$0x0];
	s2 =	stileid.u32  }
0x217: {  	s1 =	rddreg [dreg:$0x1];
	p0 =	sne.s32 s2, $0x0  }
0x218: {  	s3 =	rddreg [dreg:$0x2];
	[bflag:$0x3] =	sbarrier.arrive $0xFFFF;
	s2 =	simm.s32 @!p0 $0x1C05  }
0x219: {  	[timem:s3], [sflag:s2] =	dma.local @!p0 [hbm:s0], s1  }
0x21a: {  	s0 =	simm.s32 @!p0 $0x5  }
0x21b: {  	_ =	swait.ge @!p0 [sflag:s0], s1  }
0x21c: {  	s1 =	ssub.s32 @!p0 $0x0, s1;
	[sflag:s0] =	ssyncset.done @!p0 $0x0  }
0x21d: {  	[sflag:s0] =	ssyncadd.s32 @!p0 s1  }
0x21e: {  	[bflag:$0x3] =	sbarrier.arrive $0xFFFF  }
0x21f: {  	_ =	shalt  }

</sc_bundles>
